<compile_context>
chip_gen: v7x
topology: tpu7x:2x2x1
jax: 0.10.2.dev20260603
libtpu: 0.0.44.dev20260713+nightly
codegen_flags: <defaults>
</compile_context>

<pallas_src>
import functools

import jax
import jax.numpy as jnp
from jax import lax
from jax.experimental import pallas as pl
from jax.experimental.pallas import tpu as pltpu
from jax.experimental.pallas import tpu_sc as plsc

NC, NS, LANES = 2, 16, 16
NW = NC * NS
C = 128
NBUF = 4
V2 = 1000


def _make_sc_kernel(G, D, N):
  mesh = plsc.VectorSubcoreMesh(core_axis_name="c", subcore_axis_name="s")
  grp = D // LANES
  oct_q, oct_r = divmod(V2 // 8, NS)
  R0, R1 = 8 * (oct_q + 1), 8 * oct_q
  CUT = oct_r

  @functools.partial(
      pl.kernel,
      out_type=jax.ShapeDtypeStruct((N, D), jnp.float32),
      mesh=mesh,
      scratch_types=dict(
          idx_a=pltpu.VMEM((G, C), jnp.int32),
          idx_b=pltpu.VMEM((G, C), jnp.int32),
          idx_c=pltpu.VMEM((G, C), jnp.int32),
          cont_v=pltpu.VMEM((G, C), jnp.float32),
          wv=pltpu.VMEM((D,), jnp.float32),
          bv=pltpu.VMEM((D,), jnp.float32),
          buf_d=pltpu.VMEM((NBUF, C, D), jnp.float32),
          sh_b=pltpu.VMEM_SHARED((V2, D), jnp.float32),
          sh_c=pltpu.VMEM_SHARED((V2, D), jnp.float32),
          sem_a=pltpu.SemaphoreType.DMA((NBUF,)),
          sem_b=pltpu.SemaphoreType.DMA((NBUF,)),
          sem_c=pltpu.SemaphoreType.DMA((NBUF,)),
          sem_w=pltpu.SemaphoreType.DMA((NBUF,)),
      ),
  )
  def sc_kernel(ia_hbm, ib_hbm, ic_hbm, cd_hbm, ea_hbm, eb_hbm, ec_hbm,
                w_hbm, bias_hbm, out_hbm, *, idx_a, idx_b, idx_c, cont_v,
                wv, bv, buf_d, sh_b, sh_c, sem_a, sem_b, sem_c, sem_w):
    sid = lax.axis_index("s")
    wid = sid * NC + lax.axis_index("c")
    base = wid * (G * C)

    @pl.when(sid < CUT)
    def _():
      st = sid * R0
      pltpu.sync_copy(eb_hbm.at[pl.ds(st, R0)], sh_b.at[pl.ds(st, R0)])
      pltpu.sync_copy(ec_hbm.at[pl.ds(st, R0)], sh_c.at[pl.ds(st, R0)])

    @pl.when(sid >= CUT)
    def _():
      st = CUT * R0 + (sid - CUT) * R1
      pltpu.sync_copy(eb_hbm.at[pl.ds(st, R1)], sh_b.at[pl.ds(st, R1)])
      pltpu.sync_copy(ec_hbm.at[pl.ds(st, R1)], sh_c.at[pl.ds(st, R1)])

    pltpu.sync_copy(ia_hbm.at[wid], idx_a)
    pltpu.sync_copy(ib_hbm.at[wid], idx_b)
    pltpu.sync_copy(ic_hbm.at[wid], idx_c)
    pltpu.sync_copy(cd_hbm.at[wid], cont_v)
    pltpu.sync_copy(w_hbm, wv)
    pltpu.sync_copy(bias_hbm, bv)

    plsc.subcore_barrier()

    tabs = (ea_hbm, sh_b, sh_c)
    idxs = (idx_a, idx_b, idx_c)
    gsems = (sem_a, sem_b, sem_c)

    wk = [wv[pl.ds(k * LANES, LANES)] for k in range(grp)]
    bk = [bv[pl.ds(k * LANES, LANES)] for k in range(grp)]

    def g_copies(g, s):
      return [pltpu.make_async_copy(tabs[t].at[idxs[t].at[g]],
                                    buf_d.at[s], gsems[t].at[s])
              for t in range(3)]

    def w_copy(g, s):
      return pltpu.make_async_copy(
          buf_d.at[s], out_hbm.at[pl.ds(base + g * C, C)], sem_w.at[s])

    def compute_dense(g, s):
      def row16(j, carry2):
        cv = cont_v[g, pl.ds(j * LANES, LANES)]
        for r in range(LANES):
          c0 = cv[r]
          i = j * LANES + r
          for k in range(grp):
            buf_d[s, i, pl.ds(k * LANES, LANES)] = c0 * wk[k] + bk[k]
        return carry2

      lax.fori_loop(0, C // LANES, row16, 0, unroll=False)

    def body(g, carry):
      s = g % NBUF

      @pl.when(g >= NBUF)
      def _():
        w_copy(g - NBUF, s).wait()

      compute_dense(g, s)
      for t in range(3):
        pltpu.async_copy(tabs[t].at[idxs[t].at[g]], buf_d.at[s],
                         gsems[t].at[s], add=True)

      @pl.when(g >= 2)
      def _():
        sm2 = (g - 2) % NBUF
        for cp in g_copies(g - 2, sm2):
          cp.wait()
        w_copy(g - 2, sm2).start()

      return carry

    lax.fori_loop(0, G, body, 0, unroll=False)

    for gg in (G - 2, G - 1):
      sg = gg % NBUF
      for cp in g_copies(gg, sg):
        cp.wait()
      w_copy(gg, sg).start()
    for gg in range(G - NBUF, G):
      w_copy(gg, gg % NBUF).wait()

  return sc_kernel


def kernel(cat_a, cat_b, cat_c, cont_d, emb_a, emb_b, emb_c, W, b):
  B, S = cat_a.shape
  D = emb_a.shape[1]
  N = B * S
  per_w = N // NW
  G = per_w // C
  ia = cat_a.reshape(NW, G, C)
  ib = cat_b.reshape(NW, G, C)
  ic = cat_c.reshape(NW, G, C)
  cd = cont_d.reshape(NW, G, C)
  out = _make_sc_kernel(G, D, N)(
      ia, ib, ic, cd, emb_a, emb_b, emb_c, W.reshape(D), b)
  return out.reshape(B, S, D)

# --- scband reference (transcript-rebuilt; emitter-appended) ---
"""Pipeline reference for scband-additional-info-81320910782630 (READ-ONLY COPY).

The authoritative reference and input builder live on the scoring server;
editing this copy changes nothing except your own understanding.
"""

import jax, jax.numpy as jnp
import numpy as np

B, S, D = 1024, 200, 128
V_A, V_B, V_C = 100000, 1000, 1000

def setup_inputs(seed: int = 0) -> dict:
    key = jax.random.key(seed)
    ks = jax.random.split(key, 9)
    cat_a = jax.random.randint(ks[0], (B, S), 0, V_A, dtype=jnp.int32)
    cat_b = jax.random.randint(ks[1], (B, S), 0, V_B, dtype=jnp.int32)
    cat_c = jax.random.randint(ks[2], (B, S), 0, V_C, dtype=jnp.int32)
    cont_d = jax.random.normal(ks[3], (B, S), dtype=jnp.float32)
    emb_a = jax.random.normal(ks[4], (V_A, D), dtype=jnp.float32) * 0.02
    emb_b = jax.random.normal(ks[5], (V_B, D), dtype=jnp.float32) * 0.02
    emb_c = jax.random.normal(ks[6], (V_C, D), dtype=jnp.float32) * 0.02
    W = jax.random.normal(ks[7], (1, D), dtype=jnp.float32) * 0.02
    b = jax.random.normal(ks[8], (D,), dtype=jnp.float32) * 0.02
    return {"cat_a": cat_a, "cat_b": cat_b, "cat_c": cat_c, "cont_d": cont_d,
            "emb_a": emb_a, "emb_b": emb_b, "emb_c": emb_c, "W": W, "b": b}

def reference(cat_a, cat_b, cat_c, cont_d, emb_a, emb_b, emb_c, W, b):
    # nn.Embedding lookups: gather rows
    out_a = jnp.take(emb_a, cat_a, axis=0)            # (B, S, D)
    out_b = jnp.take(emb_b, cat_b, axis=0)            # (B, S, D)
    out_c = jnp.take(emb_c, cat_c, axis=0)            # (B, S, D)
    # continuous column: Unflatten(1, (-1, 1)) then Linear(1, D)
    out_d = cont_d[:, :, None] @ W + b                # (B, S, D)
    out = jnp.stack([out_a, out_b, out_c, out_d], axis=1)  # (B, 4, S, D)
    out = out.sum(axis=1)                             # (B, S, D)
    return out

if __name__ == "__main__":
    import jax
    _d = setup_inputs()
    print(jax.jit(kernel)(*tuple(_d.values())))

</pallas_src>

<mosaic_0001>
#map = affine_map<(d0, d1) -> (0, 0, 0)>
#map1 = affine_map<(d0, d1) -> (0, 0)>
#map2 = affine_map<(d0, d1) -> (0)>
module attributes {stable_mosaic.version = 14 : i64} {
  func.func @sc_kernel(%arg0: i32, %arg1: i32, %arg2: memref<32x50x128xi32, #tpu.memory_space<hbm>>, %arg3: memref<32x50x128xi32, #tpu.memory_space<hbm>>, %arg4: memref<32x50x128xi32, #tpu.memory_space<hbm>>, %arg5: memref<32x50x128xf32, #tpu.memory_space<hbm>>, %arg6: memref<100000x128xf32, #tpu.memory_space<hbm>>, %arg7: memref<1000x128xf32, #tpu.memory_space<hbm>>, %arg8: memref<1000x128xf32, #tpu.memory_space<hbm>>, %arg9: memref<128xf32, #tpu.memory_space<hbm>>, %arg10: memref<128xf32, #tpu.memory_space<hbm>>, %arg11: memref<204800x128xf32, #tpu.memory_space<hbm>>, %arg12: memref<4x128x128xf32, #tpu.memory_space<vmem>>, %arg13: memref<128xf32, #tpu.memory_space<vmem>>, %arg14: memref<50x128xf32, #tpu.memory_space<vmem>>, %arg15: memref<50x128xi32, #tpu.memory_space<vmem>>, %arg16: memref<50x128xi32, #tpu.memory_space<vmem>>, %arg17: memref<50x128xi32, #tpu.memory_space<vmem>>, %arg18: memref<4x!tpu.dma_semaphore, #tpu.memory_space<semaphore_mem>>, %arg19: memref<4x!tpu.dma_semaphore, #tpu.memory_space<semaphore_mem>>, %arg20: memref<4x!tpu.dma_semaphore, #tpu.memory_space<semaphore_mem>>, %arg21: memref<4x!tpu.dma_semaphore, #tpu.memory_space<semaphore_mem>>, %arg22: memref<1000x128xf32, #tpu.memory_space<vmem_shared>>, %arg23: memref<1000x128xf32, #tpu.memory_space<vmem_shared>>, %arg24: memref<128xf32, #tpu.memory_space<vmem>>) attributes {dimension_semantics = [#tpu.dimension_semantics<core_parallel>, #tpu.dimension_semantics<subcore_parallel>], iteration_bounds = array<i64: 2, 16>, scalar_prefetch = 0 : i64, scratch_operands = 13 : i64, tpu.core_type = #tpu.core_type<sc_vector_subcore>, window_params = [{transform_indices = #map}, {transform_indices = #map}, {transform_indices = #map}, {transform_indices = #map}, {transform_indices = #map1}, {transform_indices = #map1}, {transform_indices = #map1}, {transform_indices = #map2}, {transform_indices = #map2}, {transform_indices = #map1}]} {
    %mul3A = arith.constant 2 : i32
    %mul3A_0 = arith.muli %arg1, %mul3A : i32
    %add3A = arith.addi %mul3A_0, %arg0 : i32
    %mul3A_1 = arith.constant 6400 : i32
    %mul3A_2 = arith.muli %add3A, %mul3A_1 : i32
    %lt3A = arith.constant 13 : i32
    %lt3A_3 = arith.cmpi slt, %arg1, %lt3A : i32
    %convert_element_type3A = arith.extui %lt3A_3 : i1 to i32
    %cond3A = arith.constant 0 : i32
    %cond3A_4 = arith.cmpi ne, %convert_element_type3A, %cond3A : i32
    scf.if %cond3A_4 {
      %mul3A_257 = arith.constant 64 : i32
      %mul3A_258 = arith.muli %arg1, %mul3A_257 : i32
      "tpu.region"() ({
        %run_scoped3A = tpu.sem_alloc : memref<!tpu.dma_semaphore, #tpu.memory_space<semaphore_mem>>
        %dma_start3A_259 = arith.constant 0 : i32
        %dma_start3A_260 = tpu.memref_slice %arg22[%mul3A_258, %dma_start3A_259] : memref<1000x128xf32, #tpu.memory_space<vmem_shared>> -> memref<64x128xf32, #tpu.memory_space<vmem_shared>>
        %dma_start3A_261 = arith.constant 0 : i32
        %dma_start3A_262 = tpu.memref_slice %arg7[%mul3A_258, %dma_start3A_261] : memref<1000x128xf32, #tpu.memory_space<hbm>> -> memref<64x128xf32, #tpu.memory_space<hbm>>
        tpu.enqueue_dma source(%dma_start3A_262 : memref<64x128xf32, #tpu.memory_space<hbm>>) target(%dma_start3A_260 : memref<64x128xf32, #tpu.memory_space<vmem_shared>>) target_semaphore(%run_scoped3A : memref<!tpu.dma_semaphore, #tpu.memory_space<semaphore_mem>>)
        %dma_wait3A_263 = arith.constant 0 : i32
        %dma_wait3A_264 = tpu.memref_slice %arg22[%mul3A_258, %dma_wait3A_263] : memref<1000x128xf32, #tpu.memory_space<vmem_shared>> -> memref<64x128xf32, #tpu.memory_space<vmem_shared>>
        %dma_wait3A_265 = arith.constant 0 : i32
        %dma_wait3A_266 = tpu.memref_slice %arg7[%mul3A_258, %dma_wait3A_265] : memref<1000x128xf32, #tpu.memory_space<hbm>> -> memref<64x128xf32, #tpu.memory_space<hbm>>
        tpu.wait_dma2 semaphore(%run_scoped3A : memref<!tpu.dma_semaphore, #tpu.memory_space<semaphore_mem>>) src(%dma_wait3A_266 : memref<64x128xf32, #tpu.memory_space<hbm>>) dst(%dma_wait3A_264 : memref<64x128xf32, #tpu.memory_space<vmem_shared>>)
        tpu.yield
      }) : () -> ()
      "tpu.region"() ({
        %run_scoped3A = tpu.sem_alloc : memref<!tpu.dma_semaphore, #tpu.memory_space<semaphore_mem>>
        %dma_start3A_259 = arith.constant 0 : i32
        %dma_start3A_260 = tpu.memref_slice %arg23[%mul3A_258, %dma_start3A_259] : memref<1000x128xf32, #tpu.memory_space<vmem_shared>> -> memref<64x128xf32, #tpu.memory_space<vmem_shared>>
        %dma_start3A_261 = arith.constant 0 : i32
        %dma_start3A_262 = tpu.memref_slice %arg8[%mul3A_258, %dma_start3A_261] : memref<1000x128xf32, #tpu.memory_space<hbm>> -> memref<64x128xf32, #tpu.memory_space<hbm>>
        tpu.enqueue_dma source(%dma_start3A_262 : memref<64x128xf32, #tpu.memory_space<hbm>>) target(%dma_start3A_260 : memref<64x128xf32, #tpu.memory_space<vmem_shared>>) target_semaphore(%run_scoped3A : memref<!tpu.dma_semaphore, #tpu.memory_space<semaphore_mem>>)
        %dma_wait3A_263 = arith.constant 0 : i32
        %dma_wait3A_264 = tpu.memref_slice %arg23[%mul3A_258, %dma_wait3A_263] : memref<1000x128xf32, #tpu.memory_space<vmem_shared>> -> memref<64x128xf32, #tpu.memory_space<vmem_shared>>
        %dma_wait3A_265 = arith.constant 0 : i32
        %dma_wait3A_266 = tpu.memref_slice %arg8[%mul3A_258, %dma_wait3A_265] : memref<1000x128xf32, #tpu.memory_space<hbm>> -> memref<64x128xf32, #tpu.memory_space<hbm>>
        tpu.wait_dma2 semaphore(%run_scoped3A : memref<!tpu.dma_semaphore, #tpu.memory_space<semaphore_mem>>) src(%dma_wait3A_266 : memref<64x128xf32, #tpu.memory_space<hbm>>) dst(%dma_wait3A_264 : memref<64x128xf32, #tpu.memory_space<vmem_shared>>)
        tpu.yield
      }) : () -> ()
    } else {
    }
    %ge3A = arith.constant 13 : i32
    %ge3A_5 = arith.cmpi sge, %arg1, %ge3A : i32
    %convert_element_type3A_6 = arith.extui %ge3A_5 : i1 to i32
    %cond3A_7 = arith.constant 0 : i32
    %cond3A_8 = arith.cmpi ne, %convert_element_type3A_6, %cond3A_7 : i32
    scf.if %cond3A_8 {
      %sub3A = arith.constant 13 : i32
      %sub3A_257 = arith.subi %arg1, %sub3A : i32
      %mul3A_258 = arith.constant 56 : i32
      %mul3A_259 = arith.muli %sub3A_257, %mul3A_258 : i32
      %add3A_260 = arith.constant 832 : i32
      %add3A_261 = arith.addi %add3A_260, %mul3A_259 : i32
      "tpu.region"() ({
        %run_scoped3A = tpu.sem_alloc : memref<!tpu.dma_semaphore, #tpu.memory_space<semaphore_mem>>
        %dma_start3A_262 = arith.constant 0 : i32
        %dma_start3A_263 = tpu.memref_slice %arg22[%add3A_261, %dma_start3A_262] : memref<1000x128xf32, #tpu.memory_space<vmem_shared>> -> memref<56x128xf32, #tpu.memory_space<vmem_shared>>
        %dma_start3A_264 = arith.constant 0 : i32
        %dma_start3A_265 = tpu.memref_slice %arg7[%add3A_261, %dma_start3A_264] : memref<1000x128xf32, #tpu.memory_space<hbm>> -> memref<56x128xf32, #tpu.memory_space<hbm>>
        tpu.enqueue_dma source(%dma_start3A_265 : memref<56x128xf32, #tpu.memory_space<hbm>>) target(%dma_start3A_263 : memref<56x128xf32, #tpu.memory_space<vmem_shared>>) target_semaphore(%run_scoped3A : memref<!tpu.dma_semaphore, #tpu.memory_space<semaphore_mem>>)
        %dma_wait3A_266 = arith.constant 0 : i32
        %dma_wait3A_267 = tpu.memref_slice %arg22[%add3A_261, %dma_wait3A_266] : memref<1000x128xf32, #tpu.memory_space<vmem_shared>> -> memref<56x128xf32, #tpu.memory_space<vmem_shared>>
        %dma_wait3A_268 = arith.constant 0 : i32
        %dma_wait3A_269 = tpu.memref_slice %arg7[%add3A_261, %dma_wait3A_268] : memref<1000x128xf32, #tpu.memory_space<hbm>> -> memref<56x128xf32, #tpu.memory_space<hbm>>
        tpu.wait_dma2 semaphore(%run_scoped3A : memref<!tpu.dma_semaphore, #tpu.memory_space<semaphore_mem>>) src(%dma_wait3A_269 : memref<56x128xf32, #tpu.memory_space<hbm>>) dst(%dma_wait3A_267 : memref<56x128xf32, #tpu.memory_space<vmem_shared>>)
        tpu.yield
      }) : () -> ()
      "tpu.region"() ({
        %run_scoped3A = tpu.sem_alloc : memref<!tpu.dma_semaphore, #tpu.memory_space<semaphore_mem>>
        %dma_start3A_262 = arith.constant 0 : i32
        %dma_start3A_263 = tpu.memref_slice %arg23[%add3A_261, %dma_start3A_262] : memref<1000x128xf32, #tpu.memory_space<vmem_shared>> -> memref<56x128xf32, #tpu.memory_space<vmem_shared>>
        %dma_start3A_264 = arith.constant 0 : i32
        %dma_start3A_265 = tpu.memref_slice %arg8[%add3A_261, %dma_start3A_264] : memref<1000x128xf32, #tpu.memory_space<hbm>> -> memref<56x128xf32, #tpu.memory_space<hbm>>
        tpu.enqueue_dma source(%dma_start3A_265 : memref<56x128xf32, #tpu.memory_space<hbm>>) target(%dma_start3A_263 : memref<56x128xf32, #tpu.memory_space<vmem_shared>>) target_semaphore(%run_scoped3A : memref<!tpu.dma_semaphore, #tpu.memory_space<semaphore_mem>>)
        %dma_wait3A_266 = arith.constant 0 : i32
        %dma_wait3A_267 = tpu.memref_slice %arg23[%add3A_261, %dma_wait3A_266] : memref<1000x128xf32, #tpu.memory_space<vmem_shared>> -> memref<56x128xf32, #tpu.memory_space<vmem_shared>>
        %dma_wait3A_268 = arith.constant 0 : i32
        %dma_wait3A_269 = tpu.memref_slice %arg8[%add3A_261, %dma_wait3A_268] : memref<1000x128xf32, #tpu.memory_space<hbm>> -> memref<56x128xf32, #tpu.memory_space<hbm>>
        tpu.wait_dma2 semaphore(%run_scoped3A : memref<!tpu.dma_semaphore, #tpu.memory_space<semaphore_mem>>) src(%dma_wait3A_269 : memref<56x128xf32, #tpu.memory_space<hbm>>) dst(%dma_wait3A_267 : memref<56x128xf32, #tpu.memory_space<vmem_shared>>)
        tpu.yield
      }) : () -> ()
    } else {
    }
    "tpu.region"() ({
      %run_scoped3A = tpu.sem_alloc : memref<!tpu.dma_semaphore, #tpu.memory_space<semaphore_mem>>
      %dma_start3A_257 = arith.constant 0 : i32
      %dma_start3A_258 = arith.constant 0 : i32
      %dma_start3A_259 = tpu.memref_slice %arg2[%add3A, %dma_start3A_257, %dma_start3A_258] : memref<32x50x128xi32, #tpu.memory_space<hbm>> -> memref<1x50x128xi32, #tpu.memory_space<hbm>>
      %dma_start3A_260 = tpu.memref_squeeze %dma_start3A_259 : memref<1x50x128xi32, #tpu.memory_space<hbm>> -> memref<50x128xi32, #tpu.memory_space<hbm>>
      %dma_start3A_261 = arith.constant 0 : i32
      %dma_start3A_262 = arith.constant 0 : i32
      %dma_start3A_263 = tpu.memref_slice %arg2[%add3A, %dma_start3A_261, %dma_start3A_262] : memref<32x50x128xi32, #tpu.memory_space<hbm>> -> memref<1x50x128xi32, #tpu.memory_space<hbm>>
      %dma_start3A_264 = tpu.memref_squeeze %dma_start3A_263 : memref<1x50x128xi32, #tpu.memory_space<hbm>> -> memref<50x128xi32, #tpu.memory_space<hbm>>
      tpu.enqueue_dma source(%dma_start3A_264 : memref<50x128xi32, #tpu.memory_space<hbm>>) target(%arg15 : memref<50x128xi32, #tpu.memory_space<vmem>>) target_semaphore(%run_scoped3A : memref<!tpu.dma_semaphore, #tpu.memory_space<semaphore_mem>>)
      %dma_wait3A_265 = arith.constant 0 : i32
      %dma_wait3A_266 = arith.constant 0 : i32
      %dma_wait3A_267 = tpu.memref_slice %arg2[%add3A, %dma_wait3A_265, %dma_wait3A_266] : memref<32x50x128xi32, #tpu.memory_space<hbm>> -> memref<1x50x128xi32, #tpu.memory_space<hbm>>
      %dma_wait3A_268 = tpu.memref_squeeze %dma_wait3A_267 : memref<1x50x128xi32, #tpu.memory_space<hbm>> -> memref<50x128xi32, #tpu.memory_space<hbm>>
      %dma_wait3A_269 = arith.constant 0 : i32
      %dma_wait3A_270 = arith.constant 0 : i32
      %dma_wait3A_271 = tpu.memref_slice %arg2[%add3A, %dma_wait3A_269, %dma_wait3A_270] : memref<32x50x128xi32, #tpu.memory_space<hbm>> -> memref<1x50x128xi32, #tpu.memory_space<hbm>>
      %dma_wait3A_272 = tpu.memref_squeeze %dma_wait3A_271 : memref<1x50x128xi32, #tpu.memory_space<hbm>> -> memref<50x128xi32, #tpu.memory_space<hbm>>
      tpu.wait_dma2 semaphore(%run_scoped3A : memref<!tpu.dma_semaphore, #tpu.memory_space<semaphore_mem>>) src(%dma_wait3A_272 : memref<50x128xi32, #tpu.memory_space<hbm>>) dst(%arg15 : memref<50x128xi32, #tpu.memory_space<vmem>>)
      tpu.yield
    }) : () -> ()
    "tpu.region"() ({
      %run_scoped3A = tpu.sem_alloc : memref<!tpu.dma_semaphore, #tpu.memory_space<semaphore_mem>>
      %dma_start3A_257 = arith.constant 0 : i32
      %dma_start3A_258 = arith.constant 0 : i32
      %dma_start3A_259 = tpu.memref_slice %arg3[%add3A, %dma_start3A_257, %dma_start3A_258] : memref<32x50x128xi32, #tpu.memory_space<hbm>> -> memref<1x50x128xi32, #tpu.memory_space<hbm>>
      %dma_start3A_260 = tpu.memref_squeeze %dma_start3A_259 : memref<1x50x128xi32, #tpu.memory_space<hbm>> -> memref<50x128xi32, #tpu.memory_space<hbm>>
      %dma_start3A_261 = arith.constant 0 : i32
      %dma_start3A_262 = arith.constant 0 : i32
      %dma_start3A_263 = tpu.memref_slice %arg3[%add3A, %dma_start3A_261, %dma_start3A_262] : memref<32x50x128xi32, #tpu.memory_space<hbm>> -> memref<1x50x128xi32, #tpu.memory_space<hbm>>
      %dma_start3A_264 = tpu.memref_squeeze %dma_start3A_263 : memref<1x50x128xi32, #tpu.memory_space<hbm>> -> memref<50x128xi32, #tpu.memory_space<hbm>>
      tpu.enqueue_dma source(%dma_start3A_264 : memref<50x128xi32, #tpu.memory_space<hbm>>) target(%arg16 : memref<50x128xi32, #tpu.memory_space<vmem>>) target_semaphore(%run_scoped3A : memref<!tpu.dma_semaphore, #tpu.memory_space<semaphore_mem>>)
      %dma_wait3A_265 = arith.constant 0 : i32
      %dma_wait3A_266 = arith.constant 0 : i32
      %dma_wait3A_267 = tpu.memref_slice %arg3[%add3A, %dma_wait3A_265, %dma_wait3A_266] : memref<32x50x128xi32, #tpu.memory_space<hbm>> -> memref<1x50x128xi32, #tpu.memory_space<hbm>>
      %dma_wait3A_268 = tpu.memref_squeeze %dma_wait3A_267 : memref<1x50x128xi32, #tpu.memory_space<hbm>> -> memref<50x128xi32, #tpu.memory_space<hbm>>
      %dma_wait3A_269 = arith.constant 0 : i32
      %dma_wait3A_270 = arith.constant 0 : i32
      %dma_wait3A_271 = tpu.memref_slice %arg3[%add3A, %dma_wait3A_269, %dma_wait3A_270] : memref<32x50x128xi32, #tpu.memory_space<hbm>> -> memref<1x50x128xi32, #tpu.memory_space<hbm>>
      %dma_wait3A_272 = tpu.memref_squeeze %dma_wait3A_271 : memref<1x50x128xi32, #tpu.memory_space<hbm>> -> memref<50x128xi32, #tpu.memory_space<hbm>>
      tpu.wait_dma2 semaphore(%run_scoped3A : memref<!tpu.dma_semaphore, #tpu.memory_space<semaphore_mem>>) src(%dma_wait3A_272 : memref<50x128xi32, #tpu.memory_space<hbm>>) dst(%arg16 : memref<50x128xi32, #tpu.memory_space<vmem>>)
      tpu.yield
    }) : () -> ()
    "tpu.region"() ({
      %run_scoped3A = tpu.sem_alloc : memref<!tpu.dma_semaphore, #tpu.memory_space<semaphore_mem>>
      %dma_start3A_257 = arith.constant 0 : i32
      %dma_start3A_258 = arith.constant 0 : i32
      %dma_start3A_259 = tpu.memref_slice %arg4[%add3A, %dma_start3A_257, %dma_start3A_258] : memref<32x50x128xi32, #tpu.memory_space<hbm>> -> memref<1x50x128xi32, #tpu.memory_space<hbm>>
      %dma_start3A_260 = tpu.memref_squeeze %dma_start3A_259 : memref<1x50x128xi32, #tpu.memory_space<hbm>> -> memref<50x128xi32, #tpu.memory_space<hbm>>
      %dma_start3A_261 = arith.constant 0 : i32
      %dma_start3A_262 = arith.constant 0 : i32
      %dma_start3A_263 = tpu.memref_slice %arg4[%add3A, %dma_start3A_261, %dma_start3A_262] : memref<32x50x128xi32, #tpu.memory_space<hbm>> -> memref<1x50x128xi32, #tpu.memory_space<hbm>>
      %dma_start3A_264 = tpu.memref_squeeze %dma_start3A_263 : memref<1x50x128xi32, #tpu.memory_space<hbm>> -> memref<50x128xi32, #tpu.memory_space<hbm>>
      tpu.enqueue_dma source(%dma_start3A_264 : memref<50x128xi32, #tpu.memory_space<hbm>>) target(%arg17 : memref<50x128xi32, #tpu.memory_space<vmem>>) target_semaphore(%run_scoped3A : memref<!tpu.dma_semaphore, #tpu.memory_space<semaphore_mem>>)
      %dma_wait3A_265 = arith.constant 0 : i32
      %dma_wait3A_266 = arith.constant 0 : i32
      %dma_wait3A_267 = tpu.memref_slice %arg4[%add3A, %dma_wait3A_265, %dma_wait3A_266] : memref<32x50x128xi32, #tpu.memory_space<hbm>> -> memref<1x50x128xi32, #tpu.memory_space<hbm>>
      %dma_wait3A_268 = tpu.memref_squeeze %dma_wait3A_267 : memref<1x50x128xi32, #tpu.memory_space<hbm>> -> memref<50x128xi32, #tpu.memory_space<hbm>>
      %dma_wait3A_269 = arith.constant 0 : i32
      %dma_wait3A_270 = arith.constant 0 : i32
      %dma_wait3A_271 = tpu.memref_slice %arg4[%add3A, %dma_wait3A_269, %dma_wait3A_270] : memref<32x50x128xi32, #tpu.memory_space<hbm>> -> memref<1x50x128xi32, #tpu.memory_space<hbm>>
      %dma_wait3A_272 = tpu.memref_squeeze %dma_wait3A_271 : memref<1x50x128xi32, #tpu.memory_space<hbm>> -> memref<50x128xi32, #tpu.memory_space<hbm>>
      tpu.wait_dma2 semaphore(%run_scoped3A : memref<!tpu.dma_semaphore, #tpu.memory_space<semaphore_mem>>) src(%dma_wait3A_272 : memref<50x128xi32, #tpu.memory_space<hbm>>) dst(%arg17 : memref<50x128xi32, #tpu.memory_space<vmem>>)
      tpu.yield
    }) : () -> ()
    "tpu.region"() ({
      %run_scoped3A = tpu.sem_alloc : memref<!tpu.dma_semaphore, #tpu.memory_space<semaphore_mem>>
      %dma_start3A_257 = arith.constant 0 : i32
      %dma_start3A_258 = arith.constant 0 : i32
      %dma_start3A_259 = tpu.memref_slice %arg5[%add3A, %dma_start3A_257, %dma_start3A_258] : memref<32x50x128xf32, #tpu.memory_space<hbm>> -> memref<1x50x128xf32, #tpu.memory_space<hbm>>
      %dma_start3A_260 = tpu.memref_squeeze %dma_start3A_259 : memref<1x50x128xf32, #tpu.memory_space<hbm>> -> memref<50x128xf32, #tpu.memory_space<hbm>>
      %dma_start3A_261 = arith.constant 0 : i32
      %dma_start3A_262 = arith.constant 0 : i32
      %dma_start3A_263 = tpu.memref_slice %arg5[%add3A, %dma_start3A_261, %dma_start3A_262] : memref<32x50x128xf32, #tpu.memory_space<hbm>> -> memref<1x50x128xf32, #tpu.memory_space<hbm>>
      %dma_start3A_264 = tpu.memref_squeeze %dma_start3A_263 : memref<1x50x128xf32, #tpu.memory_space<hbm>> -> memref<50x128xf32, #tpu.memory_space<hbm>>
      tpu.enqueue_dma source(%dma_start3A_264 : memref<50x128xf32, #tpu.memory_space<hbm>>) target(%arg14 : memref<50x128xf32, #tpu.memory_space<vmem>>) target_semaphore(%run_scoped3A : memref<!tpu.dma_semaphore, #tpu.memory_space<semaphore_mem>>)
      %dma_wait3A_265 = arith.constant 0 : i32
      %dma_wait3A_266 = arith.constant 0 : i32
      %dma_wait3A_267 = tpu.memref_slice %arg5[%add3A, %dma_wait3A_265, %dma_wait3A_266] : memref<32x50x128xf32, #tpu.memory_space<hbm>> -> memref<1x50x128xf32, #tpu.memory_space<hbm>>
      %dma_wait3A_268 = tpu.memref_squeeze %dma_wait3A_267 : memref<1x50x128xf32, #tpu.memory_space<hbm>> -> memref<50x128xf32, #tpu.memory_space<hbm>>
      %dma_wait3A_269 = arith.constant 0 : i32
      %dma_wait3A_270 = arith.constant 0 : i32
      %dma_wait3A_271 = tpu.memref_slice %arg5[%add3A, %dma_wait3A_269, %dma_wait3A_270] : memref<32x50x128xf32, #tpu.memory_space<hbm>> -> memref<1x50x128xf32, #tpu.memory_space<hbm>>
      %dma_wait3A_272 = tpu.memref_squeeze %dma_wait3A_271 : memref<1x50x128xf32, #tpu.memory_space<hbm>> -> memref<50x128xf32, #tpu.memory_space<hbm>>
      tpu.wait_dma2 semaphore(%run_scoped3A : memref<!tpu.dma_semaphore, #tpu.memory_space<semaphore_mem>>) src(%dma_wait3A_272 : memref<50x128xf32, #tpu.memory_space<hbm>>) dst(%arg14 : memref<50x128xf32, #tpu.memory_space<vmem>>)
      tpu.yield
    }) : () -> ()
    "tpu.region"() ({
      %run_scoped3A = tpu.sem_alloc : memref<!tpu.dma_semaphore, #tpu.memory_space<semaphore_mem>>
      tpu.enqueue_dma source(%arg9 : memref<128xf32, #tpu.memory_space<hbm>>) target(%arg24 : memref<128xf32, #tpu.memory_space<vmem>>) target_semaphore(%run_scoped3A : memref<!tpu.dma_semaphore, #tpu.memory_space<semaphore_mem>>)
      tpu.wait_dma2 semaphore(%run_scoped3A : memref<!tpu.dma_semaphore, #tpu.memory_space<semaphore_mem>>) src(%arg9 : memref<128xf32, #tpu.memory_space<hbm>>) dst(%arg24 : memref<128xf32, #tpu.memory_space<vmem>>)
      tpu.yield
    }) : () -> ()
    "tpu.region"() ({
      %run_scoped3A = tpu.sem_alloc : memref<!tpu.dma_semaphore, #tpu.memory_space<semaphore_mem>>
      tpu.enqueue_dma source(%arg10 : memref<128xf32, #tpu.memory_space<hbm>>) target(%arg13 : memref<128xf32, #tpu.memory_space<vmem>>) target_semaphore(%run_scoped3A : memref<!tpu.dma_semaphore, #tpu.memory_space<semaphore_mem>>)
      tpu.wait_dma2 semaphore(%run_scoped3A : memref<!tpu.dma_semaphore, #tpu.memory_space<semaphore_mem>>) src(%arg10 : memref<128xf32, #tpu.memory_space<hbm>>) dst(%arg13 : memref<128xf32, #tpu.memory_space<vmem>>)
      tpu.yield
    }) : () -> ()
    %barrier3A = arith.constant 0 : index
    tpu.barrier barrier_id(%barrier3A)
    %get3A = arith.constant 0 : index
    %get3A_9 = tpu.vector_load %arg24[%get3A] {strides = array<i32>} : memref<128xf32, #tpu.memory_space<vmem>>, vector<16xf32>,
    %get3A_10 = vector.shape_cast %get3A_9 : vector<16xf32> to vector<16xf32>
    %get3A_11 = arith.constant 16 : index
    %get3A_12 = tpu.vector_load %arg24[%get3A_11] {strides = array<i32>} : memref<128xf32, #tpu.memory_space<vmem>>, vector<16xf32>,
    %get3A_13 = vector.shape_cast %get3A_12 : vector<16xf32> to vector<16xf32>
    %get3A_14 = arith.constant 32 : index
    %get3A_15 = tpu.vector_load %arg24[%get3A_14] {strides = array<i32>} : memref<128xf32, #tpu.memory_space<vmem>>, vector<16xf32>,
    %get3A_16 = vector.shape_cast %get3A_15 : vector<16xf32> to vector<16xf32>
    %get3A_17 = arith.constant 48 : index
    %get3A_18 = tpu.vector_load %arg24[%get3A_17] {strides = array<i32>} : memref<128xf32, #tpu.memory_space<vmem>>, vector<16xf32>,
    %get3A_19 = vector.shape_cast %get3A_18 : vector<16xf32> to vector<16xf32>
    %get3A_20 = arith.constant 64 : index
    %get3A_21 = tpu.vector_load %arg24[%get3A_20] {strides = array<i32>} : memref<128xf32, #tpu.memory_space<vmem>>, vector<16xf32>,
    %get3A_22 = vector.shape_cast %get3A_21 : vector<16xf32> to vector<16xf32>
    %get3A_23 = arith.constant 80 : index
    %get3A_24 = tpu.vector_load %arg24[%get3A_23] {strides = array<i32>} : memref<128xf32, #tpu.memory_space<vmem>>, vector<16xf32>,
    %get3A_25 = vector.shape_cast %get3A_24 : vector<16xf32> to vector<16xf32>
    %get3A_26 = arith.constant 96 : index
    %get3A_27 = tpu.vector_load %arg24[%get3A_26] {strides = array<i32>} : memref<128xf32, #tpu.memory_space<vmem>>, vector<16xf32>,
    %get3A_28 = vector.shape_cast %get3A_27 : vector<16xf32> to vector<16xf32>
    %get3A_29 = arith.constant 112 : index
    %get3A_30 = tpu.vector_load %arg24[%get3A_29] {strides = array<i32>} : memref<128xf32, #tpu.memory_space<vmem>>, vector<16xf32>,
    %get3A_31 = vector.shape_cast %get3A_30 : vector<16xf32> to vector<16xf32>
    %get3A_32 = arith.constant 0 : index
    %get3A_33 = tpu.vector_load %arg13[%get3A_32] {strides = array<i32>} : memref<128xf32, #tpu.memory_space<vmem>>, vector<16xf32>,
    %get3A_34 = vector.shape_cast %get3A_33 : vector<16xf32> to vector<16xf32>
    %get3A_35 = arith.constant 16 : index
    %get3A_36 = tpu.vector_load %arg13[%get3A_35] {strides = array<i32>} : memref<128xf32, #tpu.memory_space<vmem>>, vector<16xf32>,
    %get3A_37 = vector.shape_cast %get3A_36 : vector<16xf32> to vector<16xf32>
    %get3A_38 = arith.constant 32 : index
    %get3A_39 = tpu.vector_load %arg13[%get3A_38] {strides = array<i32>} : memref<128xf32, #tpu.memory_space<vmem>>, vector<16xf32>,
    %get3A_40 = vector.shape_cast %get3A_39 : vector<16xf32> to vector<16xf32>
    %get3A_41 = arith.constant 48 : index
    %get3A_42 = tpu.vector_load %arg13[%get3A_41] {strides = array<i32>} : memref<128xf32, #tpu.memory_space<vmem>>, vector<16xf32>,
    %get3A_43 = vector.shape_cast %get3A_42 : vector<16xf32> to vector<16xf32>
    %get3A_44 = arith.constant 64 : index
    %get3A_45 = tpu.vector_load %arg13[%get3A_44] {strides = array<i32>} : memref<128xf32, #tpu.memory_space<vmem>>, vector<16xf32>,
    %get3A_46 = vector.shape_cast %get3A_45 : vector<16xf32> to vector<16xf32>
    %get3A_47 = arith.constant 80 : index
    %get3A_48 = tpu.vector_load %arg13[%get3A_47] {strides = array<i32>} : memref<128xf32, #tpu.memory_space<vmem>>, vector<16xf32>,
    %get3A_49 = vector.shape_cast %get3A_48 : vector<16xf32> to vector<16xf32>
    %get3A_50 = arith.constant 96 : index
    %get3A_51 = tpu.vector_load %arg13[%get3A_50] {strides = array<i32>} : memref<128xf32, #tpu.memory_space<vmem>>, vector<16xf32>,
    %get3A_52 = vector.shape_cast %get3A_51 : vector<16xf32> to vector<16xf32>
    %get3A_53 = arith.constant 112 : index
    %get3A_54 = tpu.vector_load %arg13[%get3A_53] {strides = array<i32>} : memref<128xf32, #tpu.memory_space<vmem>>, vector<16xf32>,
    %get3A_55 = vector.shape_cast %get3A_54 : vector<16xf32> to vector<16xf32>
    %scan3A = arith.constant 0 : i32
    %scan3A_56 = arith.constant 0 : i32
    %scan3A_57 = arith.constant 50 : i32
    %scan3A_58 = arith.addi %scan3A_56, %scan3A_57 : i32
    %scan3A_59 = arith.constant 1 : i32
    scf.for %scan3A_257 = %scan3A_56 to %scan3A_58 step %scan3A_59  : i32 {
      %jit3A = arith.constant 4 : i32
      %eq3A = arith.constant 0 : i32
      %eq3A_258 = arith.cmpi eq, %jit3A, %eq3A : i32
      %jit3A_259 = arith.constant 1 : i32
      %select_n3A = arith.select %eq3A_258, %jit3A_259, %jit3A : i32
      %rem3A = arith.remsi %scan3A_257, %select_n3A : i32
      %ne3A = arith.constant 0 : i32
      %ne3A_260 = arith.cmpi ne, %rem3A, %ne3A : i32
      %lt3A_261 = arith.constant 0 : i32
      %lt3A_262 = arith.cmpi slt, %rem3A, %lt3A_261 : i32
      %lt3A_263 = arith.constant 0 : i32
      %lt3A_264 = arith.cmpi slt, %select_n3A, %lt3A_263 : i32
      %ne3A_265 = arith.xori %lt3A_262, %lt3A_264 : i1
      %and3A = arith.andi %ne3A_265, %ne3A_260 : i1
      %add3A_266 = arith.addi %rem3A, %select_n3A : i32
      %select_n3A_267 = arith.select %and3A, %add3A_266, %rem3A : i32
      %ge3A_268 = arith.constant 4 : i32
      %ge3A_269 = arith.cmpi sge, %scan3A_257, %ge3A_268 : i32
      %convert_element_type3A_270 = arith.extui %ge3A_269 : i1 to i32
      %cond3A_271 = arith.constant 0 : i32
      %cond3A_272 = arith.cmpi ne, %convert_element_type3A_270, %cond3A_271 : i32
      scf.if %cond3A_272 {
        %sub3A = arith.constant 4 : i32
        %sub3A_320 = arith.subi %scan3A_257, %sub3A : i32
        %mul3A_321 = arith.constant 128 : i32
        %mul3A_322 = arith.muli %sub3A_320, %mul3A_321 : i32
        %add3A_323 = arith.addi %mul3A_2, %mul3A_322 : i32
        %dma_wait3A_324 = arith.constant 0 : i32
        %dma_wait3A_325 = arith.constant 0 : i32
        %dma_wait3A_326 = tpu.memref_slice %arg12[%select_n3A_267, %dma_wait3A_324, %dma_wait3A_325] : memref<4x128x128xf32, #tpu.memory_space<vmem>> -> memref<1x128x128xf32, #tpu.memory_space<vmem>>
        %dma_wait3A_327 = tpu.memref_squeeze %dma_wait3A_326 : memref<1x128x128xf32, #tpu.memory_space<vmem>> -> memref<128x128xf32, #tpu.memory_space<vmem>>
        %dma_wait3A_328 = arith.constant 0 : i32
        %dma_wait3A_329 = tpu.memref_slice %arg11[%add3A_323, %dma_wait3A_328] : memref<204800x128xf32, #tpu.memory_space<hbm>> -> memref<128x128xf32, #tpu.memory_space<hbm>>
        %dma_wait3A_330 = tpu.memref_slice %arg21[%select_n3A_267] : memref<4x!tpu.dma_semaphore, #tpu.memory_space<semaphore_mem>> -> memref<1x!tpu.dma_semaphore, #tpu.memory_space<semaphore_mem>>
        %dma_wait3A_331 = tpu.memref_squeeze %dma_wait3A_330 : memref<1x!tpu.dma_semaphore, #tpu.memory_space<semaphore_mem>> -> memref<!tpu.dma_semaphore, #tpu.memory_space<semaphore_mem>>
        %dma_wait3A_332 = arith.constant 0 : i32
        %dma_wait3A_333 = tpu.memref_slice %arg11[%add3A_323, %dma_wait3A_332] : memref<204800x128xf32, #tpu.memory_space<hbm>> -> memref<128x128xf32, #tpu.memory_space<hbm>>
        %dma_wait3A_334 = arith.constant 0 : i32
        %dma_wait3A_335 = arith.constant 0 : i32
        %dma_wait3A_336 = tpu.memref_slice %arg12[%select_n3A_267, %dma_wait3A_334, %dma_wait3A_335] : memref<4x128x128xf32, #tpu.memory_space<vmem>> -> memref<1x128x128xf32, #tpu.memory_space<vmem>>
        %dma_wait3A_337 = tpu.memref_squeeze %dma_wait3A_336 : memref<1x128x128xf32, #tpu.memory_space<vmem>> -> memref<128x128xf32, #tpu.memory_space<vmem>>
        tpu.wait_dma2 semaphore(%dma_wait3A_331 : memref<!tpu.dma_semaphore, #tpu.memory_space<semaphore_mem>>) src(%dma_wait3A_337 : memref<128x128xf32, #tpu.memory_space<vmem>>) dst(%dma_wait3A_333 : memref<128x128xf32, #tpu.memory_space<hbm>>)
      } else {
      }
      %scan3A_273 = arith.constant 0 : i32
      %scan3A_274 = arith.constant 0 : i32
      %scan3A_275 = arith.constant 8 : i32
      %scan3A_276 = arith.addi %scan3A_274, %scan3A_275 : i32
      %scan3A_277 = arith.constant 1 : i32
      scf.for %scan3A_320 = %scan3A_274 to %scan3A_276 step %scan3A_277  : i32 {
        %mul3A_321 = arith.constant 16 : i32
        %mul3A_322 = arith.muli %scan3A_320, %mul3A_321 : i32
        %get3A_323 = arith.index_cast %scan3A_257 : i32 to index
        %get3A_324 = arith.index_cast %mul3A_322 : i32 to index
        %get3A_325 = tpu.vector_load %arg14[%get3A_323, %get3A_324] {strides = array<i32>} : memref<50x128xf32, #tpu.memory_space<vmem>>, vector<1x16xf32>,
        %get3A_326 = vector.shape_cast %get3A_325 : vector<1x16xf32> to vector<16xf32>
        %slice3A = vector.extract_strided_slice %get3A_326 {offsets = [0], sizes = [1], strides = [1]} : vector<16xf32> to vector<1xf32>
        %squeeze3A = vector.extract %slice3A[0] : f32 from vector<1xf32>
        %mul3A_327 = arith.constant 16 : i32
        %mul3A_328 = arith.muli %scan3A_320, %mul3A_327 : i32
        %add3A_329 = arith.constant 0 : i32
        %add3A_330 = arith.addi %mul3A_328, %add3A_329 : i32
        %mul3A_331 = vector.broadcast %squeeze3A : f32 to vector<16xf32>
        %mul3A_332 = arith.mulf %mul3A_331, %get3A_10 : vector<16xf32>
        %add3A_333 = arith.addf %mul3A_332, %get3A_34 : vector<16xf32>
        %swap3A = arith.index_cast %select_n3A_267 : i32 to index
        %swap3A_334 = arith.index_cast %add3A_330 : i32 to index
        %swap3A_335 = arith.constant 0 : index
        %swap3A_336 = tpu.vector_load %arg12[%swap3A, %swap3A_334, %swap3A_335] {strides = array<i32>} : memref<4x128x128xf32, #tpu.memory_space<vmem>>, vector<1x1x16xf32>,
        %swap3A_337 = vector.shape_cast %swap3A_336 : vector<1x1x16xf32> to vector<16xf32>
        %swap3A_338 = vector.shape_cast %add3A_333 : vector<16xf32> to vector<1x1x16xf32>
        tpu.vector_store %arg12[%swap3A, %swap3A_334, %swap3A_335], %swap3A_338 {strides = array<i32>} : memref<4x128x128xf32, #tpu.memory_space<vmem>>, vector<1x1x16xf32>,
        %mul3A_339 = vector.broadcast %squeeze3A : f32 to vector<16xf32>
        %mul3A_340 = arith.mulf %mul3A_339, %get3A_13 : vector<16xf32>
        %add3A_341 = arith.addf %mul3A_340, %get3A_37 : vector<16xf32>
        %swap3A_342 = arith.index_cast %select_n3A_267 : i32 to index
        %swap3A_343 = arith.index_cast %add3A_330 : i32 to index
        %swap3A_344 = arith.constant 16 : index
        %swap3A_345 = tpu.vector_load %arg12[%swap3A_342, %swap3A_343, %swap3A_344] {strides = array<i32>} : memref<4x128x128xf32, #tpu.memory_space<vmem>>, vector<1x1x16xf32>,
        %swap3A_346 = vector.shape_cast %swap3A_345 : vector<1x1x16xf32> to vector<16xf32>
        %swap3A_347 = vector.shape_cast %add3A_341 : vector<16xf32> to vector<1x1x16xf32>
        tpu.vector_store %arg12[%swap3A_342, %swap3A_343, %swap3A_344], %swap3A_347 {strides = array<i32>} : memref<4x128x128xf32, #tpu.memory_space<vmem>>, vector<1x1x16xf32>,
        %mul3A_348 = vector.broadcast %squeeze3A : f32 to vector<16xf32>
        %mul3A_349 = arith.mulf %mul3A_348, %get3A_16 : vector<16xf32>
        %add3A_350 = arith.addf %mul3A_349, %get3A_40 : vector<16xf32>
        %swap3A_351 = arith.index_cast %select_n3A_267 : i32 to index
        %swap3A_352 = arith.index_cast %add3A_330 : i32 to index
        %swap3A_353 = arith.constant 32 : index
        %swap3A_354 = tpu.vector_load %arg12[%swap3A_351, %swap3A_352, %swap3A_353] {strides = array<i32>} : memref<4x128x128xf32, #tpu.memory_space<vmem>>, vector<1x1x16xf32>,
        %swap3A_355 = vector.shape_cast %swap3A_354 : vector<1x1x16xf32> to vector<16xf32>
        %swap3A_356 = vector.shape_cast %add3A_350 : vector<16xf32> to vector<1x1x16xf32>
        tpu.vector_store %arg12[%swap3A_351, %swap3A_352, %swap3A_353], %swap3A_356 {strides = array<i32>} : memref<4x128x128xf32, #tpu.memory_space<vmem>>, vector<1x1x16xf32>,
        %mul3A_357 = vector.broadcast %squeeze3A : f32 to vector<16xf32>
        %mul3A_358 = arith.mulf %mul3A_357, %get3A_19 : vector<16xf32>
        %add3A_359 = arith.addf %mul3A_358, %get3A_43 : vector<16xf32>
        %swap3A_360 = arith.index_cast %select_n3A_267 : i32 to index
        %swap3A_361 = arith.index_cast %add3A_330 : i32 to index
        %swap3A_362 = arith.constant 48 : index
        %swap3A_363 = tpu.vector_load %arg12[%swap3A_360, %swap3A_361, %swap3A_362] {strides = array<i32>} : memref<4x128x128xf32, #tpu.memory_space<vmem>>, vector<1x1x16xf32>,
        %swap3A_364 = vector.shape_cast %swap3A_363 : vector<1x1x16xf32> to vector<16xf32>
        %swap3A_365 = vector.shape_cast %add3A_359 : vector<16xf32> to vector<1x1x16xf32>
        tpu.vector_store %arg12[%swap3A_360, %swap3A_361, %swap3A_362], %swap3A_365 {strides = array<i32>} : memref<4x128x128xf32, #tpu.memory_space<vmem>>, vector<1x1x16xf32>,
        %mul3A_366 = vector.broadcast %squeeze3A : f32 to vector<16xf32>
        %mul3A_367 = arith.mulf %mul3A_366, %get3A_22 : vector<16xf32>
        %add3A_368 = arith.addf %mul3A_367, %get3A_46 : vector<16xf32>
        %swap3A_369 = arith.index_cast %select_n3A_267 : i32 to index
        %swap3A_370 = arith.index_cast %add3A_330 : i32 to index
        %swap3A_371 = arith.constant 64 : index
        %swap3A_372 = tpu.vector_load %arg12[%swap3A_369, %swap3A_370, %swap3A_371] {strides = array<i32>} : memref<4x128x128xf32, #tpu.memory_space<vmem>>, vector<1x1x16xf32>,
        %swap3A_373 = vector.shape_cast %swap3A_372 : vector<1x1x16xf32> to vector<16xf32>
        %swap3A_374 = vector.shape_cast %add3A_368 : vector<16xf32> to vector<1x1x16xf32>
        tpu.vector_store %arg12[%swap3A_369, %swap3A_370, %swap3A_371], %swap3A_374 {strides = array<i32>} : memref<4x128x128xf32, #tpu.memory_space<vmem>>, vector<1x1x16xf32>,
        %mul3A_375 = vector.broadcast %squeeze3A : f32 to vector<16xf32>
        %mul3A_376 = arith.mulf %mul3A_375, %get3A_25 : vector<16xf32>
        %add3A_377 = arith.addf %mul3A_376, %get3A_49 : vector<16xf32>
        %swap3A_378 = arith.index_cast %select_n3A_267 : i32 to index
        %swap3A_379 = arith.index_cast %add3A_330 : i32 to index
        %swap3A_380 = arith.constant 80 : index
        %swap3A_381 = tpu.vector_load %arg12[%swap3A_378, %swap3A_379, %swap3A_380] {strides = array<i32>} : memref<4x128x128xf32, #tpu.memory_space<vmem>>, vector<1x1x16xf32>,
        %swap3A_382 = vector.shape_cast %swap3A_381 : vector<1x1x16xf32> to vector<16xf32>
        %swap3A_383 = vector.shape_cast %add3A_377 : vector<16xf32> to vector<1x1x16xf32>
        tpu.vector_store %arg12[%swap3A_378, %swap3A_379, %swap3A_380], %swap3A_383 {strides = array<i32>} : memref<4x128x128xf32, #tpu.memory_space<vmem>>, vector<1x1x16xf32>,
        %mul3A_384 = vector.broadcast %squeeze3A : f32 to vector<16xf32>
        %mul3A_385 = arith.mulf %mul3A_384, %get3A_28 : vector<16xf32>
        %add3A_386 = arith.addf %mul3A_385, %get3A_52 : vector<16xf32>
        %swap3A_387 = arith.index_cast %select_n3A_267 : i32 to index
        %swap3A_388 = arith.index_cast %add3A_330 : i32 to index
        %swap3A_389 = arith.constant 96 : index
        %swap3A_390 = tpu.vector_load %arg12[%swap3A_387, %swap3A_388, %swap3A_389] {strides = array<i32>} : memref<4x128x128xf32, #tpu.memory_space<vmem>>, vector<1x1x16xf32>,
        %swap3A_391 = vector.shape_cast %swap3A_390 : vector<1x1x16xf32> to vector<16xf32>
        %swap3A_392 = vector.shape_cast %add3A_386 : vector<16xf32> to vector<1x1x16xf32>
        tpu.vector_store %arg12[%swap3A_387, %swap3A_388, %swap3A_389], %swap3A_392 {strides = array<i32>} : memref<4x128x128xf32, #tpu.memory_space<vmem>>, vector<1x1x16xf32>,
        %mul3A_393 = vector.broadcast %squeeze3A : f32 to vector<16xf32>
        %mul3A_394 = arith.mulf %mul3A_393, %get3A_31 : vector<16xf32>
        %add3A_395 = arith.addf %mul3A_394, %get3A_55 : vector<16xf32>
        %swap3A_396 = arith.index_cast %select_n3A_267 : i32 to index
        %swap3A_397 = arith.index_cast %add3A_330 : i32 to index
        %swap3A_398 = arith.constant 112 : index
        %swap3A_399 = tpu.vector_load %arg12[%swap3A_396, %swap3A_397, %swap3A_398] {strides = array<i32>} : memref<4x128x128xf32, #tpu.memory_space<vmem>>, vector<1x1x16xf32>,
        %swap3A_400 = vector.shape_cast %swap3A_399 : vector<1x1x16xf32> to vector<16xf32>
        %swap3A_401 = vector.shape_cast %add3A_395 : vector<16xf32> to vector<1x1x16xf32>
        tpu.vector_store %arg12[%swap3A_396, %swap3A_397, %swap3A_398], %swap3A_401 {strides = array<i32>} : memref<4x128x128xf32, #tpu.memory_space<vmem>>, vector<1x1x16xf32>,
        %slice3A_402 = vector.extract_strided_slice %get3A_326 {offsets = [1], sizes = [1], strides = [1]} : vector<16xf32> to vector<1xf32>
        %squeeze3A_403 = vector.extract %slice3A_402[0] : f32 from vector<1xf32>
        %mul3A_404 = arith.constant 16 : i32
        %mul3A_405 = arith.muli %scan3A_320, %mul3A_404 : i32
        %add3A_406 = arith.constant 1 : i32
        %add3A_407 = arith.addi %mul3A_405, %add3A_406 : i32
        %mul3A_408 = vector.broadcast %squeeze3A_403 : f32 to vector<16xf32>
        %mul3A_409 = arith.mulf %mul3A_408, %get3A_10 : vector<16xf32>
        %add3A_410 = arith.addf %mul3A_409, %get3A_34 : vector<16xf32>
        %swap3A_411 = arith.index_cast %select_n3A_267 : i32 to index
        %swap3A_412 = arith.index_cast %add3A_407 : i32 to index
        %swap3A_413 = arith.constant 0 : index
        %swap3A_414 = tpu.vector_load %arg12[%swap3A_411, %swap3A_412, %swap3A_413] {strides = array<i32>} : memref<4x128x128xf32, #tpu.memory_space<vmem>>, vector<1x1x16xf32>,
        %swap3A_415 = vector.shape_cast %swap3A_414 : vector<1x1x16xf32> to vector<16xf32>
        %swap3A_416 = vector.shape_cast %add3A_410 : vector<16xf32> to vector<1x1x16xf32>
        tpu.vector_store %arg12[%swap3A_411, %swap3A_412, %swap3A_413], %swap3A_416 {strides = array<i32>} : memref<4x128x128xf32, #tpu.memory_space<vmem>>, vector<1x1x16xf32>,
        %mul3A_417 = vector.broadcast %squeeze3A_403 : f32 to vector<16xf32>
        %mul3A_418 = arith.mulf %mul3A_417, %get3A_13 : vector<16xf32>
        %add3A_419 = arith.addf %mul3A_418, %get3A_37 : vector<16xf32>
        %swap3A_420 = arith.index_cast %select_n3A_267 : i32 to index
        %swap3A_421 = arith.index_cast %add3A_407 : i32 to index
        %swap3A_422 = arith.constant 16 : index
        %swap3A_423 = tpu.vector_load %arg12[%swap3A_420, %swap3A_421, %swap3A_422] {strides = array<i32>} : memref<4x128x128xf32, #tpu.memory_space<vmem>>, vector<1x1x16xf32>,
        %swap3A_424 = vector.shape_cast %swap3A_423 : vector<1x1x16xf32> to vector<16xf32>
        %swap3A_425 = vector.shape_cast %add3A_419 : vector<16xf32> to vector<1x1x16xf32>
        tpu.vector_store %arg12[%swap3A_420, %swap3A_421, %swap3A_422], %swap3A_425 {strides = array<i32>} : memref<4x128x128xf32, #tpu.memory_space<vmem>>, vector<1x1x16xf32>,
        %mul3A_426 = vector.broadcast %squeeze3A_403 : f32 to vector<16xf32>
        %mul3A_427 = arith.mulf %mul3A_426, %get3A_16 : vector<16xf32>
        %add3A_428 = arith.addf %mul3A_427, %get3A_40 : vector<16xf32>
        %swap3A_429 = arith.index_cast %select_n3A_267 : i32 to index
        %swap3A_430 = arith.index_cast %add3A_407 : i32 to index
        %swap3A_431 = arith.constant 32 : index
        %swap3A_432 = tpu.vector_load %arg12[%swap3A_429, %swap3A_430, %swap3A_431] {strides = array<i32>} : memref<4x128x128xf32, #tpu.memory_space<vmem>>, vector<1x1x16xf32>,
        %swap3A_433 = vector.shape_cast %swap3A_432 : vector<1x1x16xf32> to vector<16xf32>
        %swap3A_434 = vector.shape_cast %add3A_428 : vector<16xf32> to vector<1x1x16xf32>
        tpu.vector_store %arg12[%swap3A_429, %swap3A_430, %swap3A_431], %swap3A_434 {strides = array<i32>} : memref<4x128x128xf32, #tpu.memory_space<vmem>>, vector<1x1x16xf32>,
        %mul3A_435 = vector.broadcast %squeeze3A_403 : f32 to vector<16xf32>
        %mul3A_436 = arith.mulf %mul3A_435, %get3A_19 : vector<16xf32>
        %add3A_437 = arith.addf %mul3A_436, %get3A_43 : vector<16xf32>
        %swap3A_438 = arith.index_cast %select_n3A_267 : i32 to index
        %swap3A_439 = arith.index_cast %add3A_407 : i32 to index
        %swap3A_440 = arith.constant 48 : index
        %swap3A_441 = tpu.vector_load %arg12[%swap3A_438, %swap3A_439, %swap3A_440] {strides = array<i32>} : memref<4x128x128xf32, #tpu.memory_space<vmem>>, vector<1x1x16xf32>,
        %swap3A_442 = vector.shape_cast %swap3A_441 : vector<1x1x16xf32> to vector<16xf32>
        %swap3A_443 = vector.shape_cast %add3A_437 : vector<16xf32> to vector<1x1x16xf32>
        tpu.vector_store %arg12[%swap3A_438, %swap3A_439, %swap3A_440], %swap3A_443 {strides = array<i32>} : memref<4x128x128xf32, #tpu.memory_space<vmem>>, vector<1x1x16xf32>,
        %mul3A_444 = vector.broadcast %squeeze3A_403 : f32 to vector<16xf32>
        %mul3A_445 = arith.mulf %mul3A_444, %get3A_22 : vector<16xf32>
        %add3A_446 = arith.addf %mul3A_445, %get3A_46 : vector<16xf32>
        %swap3A_447 = arith.index_cast %select_n3A_267 : i32 to index
        %swap3A_448 = arith.index_cast %add3A_407 : i32 to index
        %swap3A_449 = arith.constant 64 : index
        %swap3A_450 = tpu.vector_load %arg12[%swap3A_447, %swap3A_448, %swap3A_449] {strides = array<i32>} : memref<4x128x128xf32, #tpu.memory_space<vmem>>, vector<1x1x16xf32>,
        %swap3A_451 = vector.shape_cast %swap3A_450 : vector<1x1x16xf32> to vector<16xf32>
        %swap3A_452 = vector.shape_cast %add3A_446 : vector<16xf32> to vector<1x1x16xf32>
        tpu.vector_store %arg12[%swap3A_447, %swap3A_448, %swap3A_449], %swap3A_452 {strides = array<i32>} : memref<4x128x128xf32, #tpu.memory_space<vmem>>, vector<1x1x16xf32>,
        %mul3A_453 = vector.broadcast %squeeze3A_403 : f32 to vector<16xf32>
        %mul3A_454 = arith.mulf %mul3A_453, %get3A_25 : vector<16xf32>
        %add3A_455 = arith.addf %mul3A_454, %get3A_49 : vector<16xf32>
        %swap3A_456 = arith.index_cast %select_n3A_267 : i32 to index
        %swap3A_457 = arith.index_cast %add3A_407 : i32 to index
        %swap3A_458 = arith.constant 80 : index
        %swap3A_459 = tpu.vector_load %arg12[%swap3A_456, %swap3A_457, %swap3A_458] {strides = array<i32>} : memref<4x128x128xf32, #tpu.memory_space<vmem>>, vector<1x1x16xf32>,
        %swap3A_460 = vector.shape_cast %swap3A_459 : vector<1x1x16xf32> to vector<16xf32>
        %swap3A_461 = vector.shape_cast %add3A_455 : vector<16xf32> to vector<1x1x16xf32>
        tpu.vector_store %arg12[%swap3A_456, %swap3A_457, %swap3A_458], %swap3A_461 {strides = array<i32>} : memref<4x128x128xf32, #tpu.memory_space<vmem>>, vector<1x1x16xf32>,
        %mul3A_462 = vector.broadcast %squeeze3A_403 : f32 to vector<16xf32>
        %mul3A_463 = arith.mulf %mul3A_462, %get3A_28 : vector<16xf32>
        %add3A_464 = arith.addf %mul3A_463, %get3A_52 : vector<16xf32>
        %swap3A_465 = arith.index_cast %select_n3A_267 : i32 to index
        %swap3A_466 = arith.index_cast %add3A_407 : i32 to index
        %swap3A_467 = arith.constant 96 : index
        %swap3A_468 = tpu.vector_load %arg12[%swap3A_465, %swap3A_466, %swap3A_467] {strides = array<i32>} : memref<4x128x128xf32, #tpu.memory_space<vmem>>, vector<1x1x16xf32>,
        %swap3A_469 = vector.shape_cast %swap3A_468 : vector<1x1x16xf32> to vector<16xf32>
        %swap3A_470 = vector.shape_cast %add3A_464 : vector<16xf32> to vector<1x1x16xf32>
        tpu.vector_store %arg12[%swap3A_465, %swap3A_466, %swap3A_467], %swap3A_470 {strides = array<i32>} : memref<4x128x128xf32, #tpu.memory_space<vmem>>, vector<1x1x16xf32>,
        %mul3A_471 = vector.broadcast %squeeze3A_403 : f32 to vector<16xf32>
        %mul3A_472 = arith.mulf %mul3A_471, %get3A_31 : vector<16xf32>
        %add3A_473 = arith.addf %mul3A_472, %get3A_55 : vector<16xf32>
        %swap3A_474 = arith.index_cast %select_n3A_267 : i32 to index
        %swap3A_475 = arith.index_cast %add3A_407 : i32 to index
        %swap3A_476 = arith.constant 112 : index
        %swap3A_477 = tpu.vector_load %arg12[%swap3A_474, %swap3A_475, %swap3A_476] {strides = array<i32>} : memref<4x128x128xf32, #tpu.memory_space<vmem>>, vector<1x1x16xf32>,
        %swap3A_478 = vector.shape_cast %swap3A_477 : vector<1x1x16xf32> to vector<16xf32>
        %swap3A_479 = vector.shape_cast %add3A_473 : vector<16xf32> to vector<1x1x16xf32>
        tpu.vector_store %arg12[%swap3A_474, %swap3A_475, %swap3A_476], %swap3A_479 {strides = array<i32>} : memref<4x128x128xf32, #tpu.memory_space<vmem>>, vector<1x1x16xf32>,
        %slice3A_480 = vector.extract_strided_slice %get3A_326 {offsets = [2], sizes = [1], strides = [1]} : vector<16xf32> to vector<1xf32>
        %squeeze3A_481 = vector.extract %slice3A_480[0] : f32 from vector<1xf32>
        %mul3A_482 = arith.constant 16 : i32
        %mul3A_483 = arith.muli %scan3A_320, %mul3A_482 : i32
        %add3A_484 = arith.constant 2 : i32
        %add3A_485 = arith.addi %mul3A_483, %add3A_484 : i32
        %mul3A_486 = vector.broadcast %squeeze3A_481 : f32 to vector<16xf32>
        %mul3A_487 = arith.mulf %mul3A_486, %get3A_10 : vector<16xf32>
        %add3A_488 = arith.addf %mul3A_487, %get3A_34 : vector<16xf32>
        %swap3A_489 = arith.index_cast %select_n3A_267 : i32 to index
        %swap3A_490 = arith.index_cast %add3A_485 : i32 to index
        %swap3A_491 = arith.constant 0 : index
        %swap3A_492 = tpu.vector_load %arg12[%swap3A_489, %swap3A_490, %swap3A_491] {strides = array<i32>} : memref<4x128x128xf32, #tpu.memory_space<vmem>>, vector<1x1x16xf32>,
        %swap3A_493 = vector.shape_cast %swap3A_492 : vector<1x1x16xf32> to vector<16xf32>
        %swap3A_494 = vector.shape_cast %add3A_488 : vector<16xf32> to vector<1x1x16xf32>
        tpu.vector_store %arg12[%swap3A_489, %swap3A_490, %swap3A_491], %swap3A_494 {strides = array<i32>} : memref<4x128x128xf32, #tpu.memory_space<vmem>>, vector<1x1x16xf32>,
        %mul3A_495 = vector.broadcast %squeeze3A_481 : f32 to vector<16xf32>
        %mul3A_496 = arith.mulf %mul3A_495, %get3A_13 : vector<16xf32>
        %add3A_497 = arith.addf %mul3A_496, %get3A_37 : vector<16xf32>
        %swap3A_498 = arith.index_cast %select_n3A_267 : i32 to index
        %swap3A_499 = arith.index_cast %add3A_485 : i32 to index
        %swap3A_500 = arith.constant 16 : index
        %swap3A_501 = tpu.vector_load %arg12[%swap3A_498, %swap3A_499, %swap3A_500] {strides = array<i32>} : memref<4x128x128xf32, #tpu.memory_space<vmem>>, vector<1x1x16xf32>,
        %swap3A_502 = vector.shape_cast %swap3A_501 : vector<1x1x16xf32> to vector<16xf32>
        %swap3A_503 = vector.shape_cast %add3A_497 : vector<16xf32> to vector<1x1x16xf32>
        tpu.vector_store %arg12[%swap3A_498, %swap3A_499, %swap3A_500], %swap3A_503 {strides = array<i32>} : memref<4x128x128xf32, #tpu.memory_space<vmem>>, vector<1x1x16xf32>,
        %mul3A_504 = vector.broadcast %squeeze3A_481 : f32 to vector<16xf32>
        %mul3A_505 = arith.mulf %mul3A_504, %get3A_16 : vector<16xf32>
        %add3A_506 = arith.addf %mul3A_505, %get3A_40 : vector<16xf32>
        %swap3A_507 = arith.index_cast %select_n3A_267 : i32 to index
        %swap3A_508 = arith.index_cast %add3A_485 : i32 to index
        %swap3A_509 = arith.constant 32 : index
        %swap3A_510 = tpu.vector_load %arg12[%swap3A_507, %swap3A_508, %swap3A_509] {strides = array<i32>} : memref<4x128x128xf32, #tpu.memory_space<vmem>>, vector<1x1x16xf32>,
        %swap3A_511 = vector.shape_cast %swap3A_510 : vector<1x1x16xf32> to vector<16xf32>
        %swap3A_512 = vector.shape_cast %add3A_506 : vector<16xf32> to vector<1x1x16xf32>
        tpu.vector_store %arg12[%swap3A_507, %swap3A_508, %swap3A_509], %swap3A_512 {strides = array<i32>} : memref<4x128x128xf32, #tpu.memory_space<vmem>>, vector<1x1x16xf32>,
        %mul3A_513 = vector.broadcast %squeeze3A_481 : f32 to vector<16xf32>
        %mul3A_514 = arith.mulf %mul3A_513, %get3A_19 : vector<16xf32>
        %add3A_515 = arith.addf %mul3A_514, %get3A_43 : vector<16xf32>
        %swap3A_516 = arith.index_cast %select_n3A_267 : i32 to index
        %swap3A_517 = arith.index_cast %add3A_485 : i32 to index
        %swap3A_518 = arith.constant 48 : index
        %swap3A_519 = tpu.vector_load %arg12[%swap3A_516, %swap3A_517, %swap3A_518] {strides = array<i32>} : memref<4x128x128xf32, #tpu.memory_space<vmem>>, vector<1x1x16xf32>,
        %swap3A_520 = vector.shape_cast %swap3A_519 : vector<1x1x16xf32> to vector<16xf32>
        %swap3A_521 = vector.shape_cast %add3A_515 : vector<16xf32> to vector<1x1x16xf32>
        tpu.vector_store %arg12[%swap3A_516, %swap3A_517, %swap3A_518], %swap3A_521 {strides = array<i32>} : memref<4x128x128xf32, #tpu.memory_space<vmem>>, vector<1x1x16xf32>,
        %mul3A_522 = vector.broadcast %squeeze3A_481 : f32 to vector<16xf32>
        %mul3A_523 = arith.mulf %mul3A_522, %get3A_22 : vector<16xf32>
        %add3A_524 = arith.addf %mul3A_523, %get3A_46 : vector<16xf32>
        %swap3A_525 = arith.index_cast %select_n3A_267 : i32 to index
        %swap3A_526 = arith.index_cast %add3A_485 : i32 to index
        %swap3A_527 = arith.constant 64 : index
        %swap3A_528 = tpu.vector_load %arg12[%swap3A_525, %swap3A_526, %swap3A_527] {strides = array<i32>} : memref<4x128x128xf32, #tpu.memory_space<vmem>>, vector<1x1x16xf32>,
        %swap3A_529 = vector.shape_cast %swap3A_528 : vector<1x1x16xf32> to vector<16xf32>
        %swap3A_530 = vector.shape_cast %add3A_524 : vector<16xf32> to vector<1x1x16xf32>
        tpu.vector_store %arg12[%swap3A_525, %swap3A_526, %swap3A_527], %swap3A_530 {strides = array<i32>} : memref<4x128x128xf32, #tpu.memory_space<vmem>>, vector<1x1x16xf32>,
        %mul3A_531 = vector.broadcast %squeeze3A_481 : f32 to vector<16xf32>
        %mul3A_532 = arith.mulf %mul3A_531, %get3A_25 : vector<16xf32>
        %add3A_533 = arith.addf %mul3A_532, %get3A_49 : vector<16xf32>
        %swap3A_534 = arith.index_cast %select_n3A_267 : i32 to index
        %swap3A_535 = arith.index_cast %add3A_485 : i32 to index
        %swap3A_536 = arith.constant 80 : index
        %swap3A_537 = tpu.vector_load %arg12[%swap3A_534, %swap3A_535, %swap3A_536] {strides = array<i32>} : memref<4x128x128xf32, #tpu.memory_space<vmem>>, vector<1x1x16xf32>,
        %swap3A_538 = vector.shape_cast %swap3A_537 : vector<1x1x16xf32> to vector<16xf32>
        %swap3A_539 = vector.shape_cast %add3A_533 : vector<16xf32> to vector<1x1x16xf32>
        tpu.vector_store %arg12[%swap3A_534, %swap3A_535, %swap3A_536], %swap3A_539 {strides = array<i32>} : memref<4x128x128xf32, #tpu.memory_space<vmem>>, vector<1x1x16xf32>,
        %mul3A_540 = vector.broadcast %squeeze3A_481 : f32 to vector<16xf32>
        %mul3A_541 = arith.mulf %mul3A_540, %get3A_28 : vector<16xf32>
        %add3A_542 = arith.addf %mul3A_541, %get3A_52 : vector<16xf32>
        %swap3A_543 = arith.index_cast %select_n3A_267 : i32 to index
        %swap3A_544 = arith.index_cast %add3A_485 : i32 to index
        %swap3A_545 = arith.constant 96 : index
        %swap3A_546 = tpu.vector_load %arg12[%swap3A_543, %swap3A_544, %swap3A_545] {strides = array<i32>} : memref<4x128x128xf32, #tpu.memory_space<vmem>>, vector<1x1x16xf32>,
        %swap3A_547 = vector.shape_cast %swap3A_546 : vector<1x1x16xf32> to vector<16xf32>
        %swap3A_548 = vector.shape_cast %add3A_542 : vector<16xf32> to vector<1x1x16xf32>
        tpu.vector_store %arg12[%swap3A_543, %swap3A_544, %swap3A_545], %swap3A_548 {strides = array<i32>} : memref<4x128x128xf32, #tpu.memory_space<vmem>>, vector<1x1x16xf32>,
        %mul3A_549 = vector.broadcast %squeeze3A_481 : f32 to vector<16xf32>
        %mul3A_550 = arith.mulf %mul3A_549, %get3A_31 : vector<16xf32>
        %add3A_551 = arith.addf %mul3A_550, %get3A_55 : vector<16xf32>
        %swap3A_552 = arith.index_cast %select_n3A_267 : i32 to index
        %swap3A_553 = arith.index_cast %add3A_485 : i32 to index
        %swap3A_554 = arith.constant 112 : index
        %swap3A_555 = tpu.vector_load %arg12[%swap3A_552, %swap3A_553, %swap3A_554] {strides = array<i32>} : memref<4x128x128xf32, #tpu.memory_space<vmem>>, vector<1x1x16xf32>,
        %swap3A_556 = vector.shape_cast %swap3A_555 : vector<1x1x16xf32> to vector<16xf32>
        %swap3A_557 = vector.shape_cast %add3A_551 : vector<16xf32> to vector<1x1x16xf32>
        tpu.vector_store %arg12[%swap3A_552, %swap3A_553, %swap3A_554], %swap3A_557 {strides = array<i32>} : memref<4x128x128xf32, #tpu.memory_space<vmem>>, vector<1x1x16xf32>,
        %slice3A_558 = vector.extract_strided_slice %get3A_326 {offsets = [3], sizes = [1], strides = [1]} : vector<16xf32> to vector<1xf32>
        %squeeze3A_559 = vector.extract %slice3A_558[0] : f32 from vector<1xf32>
        %mul3A_560 = arith.constant 16 : i32
        %mul3A_561 = arith.muli %scan3A_320, %mul3A_560 : i32
        %add3A_562 = arith.constant 3 : i32
        %add3A_563 = arith.addi %mul3A_561, %add3A_562 : i32
        %mul3A_564 = vector.broadcast %squeeze3A_559 : f32 to vector<16xf32>
        %mul3A_565 = arith.mulf %mul3A_564, %get3A_10 : vector<16xf32>
        %add3A_566 = arith.addf %mul3A_565, %get3A_34 : vector<16xf32>
        %swap3A_567 = arith.index_cast %select_n3A_267 : i32 to index
        %swap3A_568 = arith.index_cast %add3A_563 : i32 to index
        %swap3A_569 = arith.constant 0 : index
        %swap3A_570 = tpu.vector_load %arg12[%swap3A_567, %swap3A_568, %swap3A_569] {strides = array<i32>} : memref<4x128x128xf32, #tpu.memory_space<vmem>>, vector<1x1x16xf32>,
        %swap3A_571 = vector.shape_cast %swap3A_570 : vector<1x1x16xf32> to vector<16xf32>
        %swap3A_572 = vector.shape_cast %add3A_566 : vector<16xf32> to vector<1x1x16xf32>
        tpu.vector_store %arg12[%swap3A_567, %swap3A_568, %swap3A_569], %swap3A_572 {strides = array<i32>} : memref<4x128x128xf32, #tpu.memory_space<vmem>>, vector<1x1x16xf32>,
        %mul3A_573 = vector.broadcast %squeeze3A_559 : f32 to vector<16xf32>
        %mul3A_574 = arith.mulf %mul3A_573, %get3A_13 : vector<16xf32>
        %add3A_575 = arith.addf %mul3A_574, %get3A_37 : vector<16xf32>
        %swap3A_576 = arith.index_cast %select_n3A_267 : i32 to index
        %swap3A_577 = arith.index_cast %add3A_563 : i32 to index
        %swap3A_578 = arith.constant 16 : index
        %swap3A_579 = tpu.vector_load %arg12[%swap3A_576, %swap3A_577, %swap3A_578] {strides = array<i32>} : memref<4x128x128xf32, #tpu.memory_space<vmem>>, vector<1x1x16xf32>,
        %swap3A_580 = vector.shape_cast %swap3A_579 : vector<1x1x16xf32> to vector<16xf32>
        %swap3A_581 = vector.shape_cast %add3A_575 : vector<16xf32> to vector<1x1x16xf32>
        tpu.vector_store %arg12[%swap3A_576, %swap3A_577, %swap3A_578], %swap3A_581 {strides = array<i32>} : memref<4x128x128xf32, #tpu.memory_space<vmem>>, vector<1x1x16xf32>,
        %mul3A_582 = vector.broadcast %squeeze3A_559 : f32 to vector<16xf32>
        %mul3A_583 = arith.mulf %mul3A_582, %get3A_16 : vector<16xf32>
        %add3A_584 = arith.addf %mul3A_583, %get3A_40 : vector<16xf32>
        %swap3A_585 = arith.index_cast %select_n3A_267 : i32 to index
        %swap3A_586 = arith.index_cast %add3A_563 : i32 to index
        %swap3A_587 = arith.constant 32 : index
        %swap3A_588 = tpu.vector_load %arg12[%swap3A_585, %swap3A_586, %swap3A_587] {strides = array<i32>} : memref<4x128x128xf32, #tpu.memory_space<vmem>>, vector<1x1x16xf32>,
        %swap3A_589 = vector.shape_cast %swap3A_588 : vector<1x1x16xf32> to vector<16xf32>
        %swap3A_590 = vector.shape_cast %add3A_584 : vector<16xf32> to vector<1x1x16xf32>
        tpu.vector_store %arg12[%swap3A_585, %swap3A_586, %swap3A_587], %swap3A_590 {strides = array<i32>} : memref<4x128x128xf32, #tpu.memory_space<vmem>>, vector<1x1x16xf32>,
        %mul3A_591 = vector.broadcast %squeeze3A_559 : f32 to vector<16xf32>
        %mul3A_592 = arith.mulf %mul3A_591, %get3A_19 : vector<16xf32>
        %add3A_593 = arith.addf %mul3A_592, %get3A_43 : vector<16xf32>
        %swap3A_594 = arith.index_cast %select_n3A_267 : i32 to index
        %swap3A_595 = arith.index_cast %add3A_563 : i32 to index
        %swap3A_596 = arith.constant 48 : index
        %swap3A_597 = tpu.vector_load %arg12[%swap3A_594, %swap3A_595, %swap3A_596] {strides = array<i32>} : memref<4x128x128xf32, #tpu.memory_space<vmem>>, vector<1x1x16xf32>,
        %swap3A_598 = vector.shape_cast %swap3A_597 : vector<1x1x16xf32> to vector<16xf32>
        %swap3A_599 = vector.shape_cast %add3A_593 : vector<16xf32> to vector<1x1x16xf32>
        tpu.vector_store %arg12[%swap3A_594, %swap3A_595, %swap3A_596], %swap3A_599 {strides = array<i32>} : memref<4x128x128xf32, #tpu.memory_space<vmem>>, vector<1x1x16xf32>,
        %mul3A_600 = vector.broadcast %squeeze3A_559 : f32 to vector<16xf32>
        %mul3A_601 = arith.mulf %mul3A_600, %get3A_22 : vector<16xf32>
        %add3A_602 = arith.addf %mul3A_601, %get3A_46 : vector<16xf32>
        %swap3A_603 = arith.index_cast %select_n3A_267 : i32 to index
        %swap3A_604 = arith.index_cast %add3A_563 : i32 to index
        %swap3A_605 = arith.constant 64 : index
        %swap3A_606 = tpu.vector_load %arg12[%swap3A_603, %swap3A_604, %swap3A_605] {strides = array<i32>} : memref<4x128x128xf32, #tpu.memory_space<vmem>>, vector<1x1x16xf32>,
        %swap3A_607 = vector.shape_cast %swap3A_606 : vector<1x1x16xf32> to vector<16xf32>
        %swap3A_608 = vector.shape_cast %add3A_602 : vector<16xf32> to vector<1x1x16xf32>
        tpu.vector_store %arg12[%swap3A_603, %swap3A_604, %swap3A_605], %swap3A_608 {strides = array<i32>} : memref<4x128x128xf32, #tpu.memory_space<vmem>>, vector<1x1x16xf32>,
        %mul3A_609 = vector.broadcast %squeeze3A_559 : f32 to vector<16xf32>
        %mul3A_610 = arith.mulf %mul3A_609, %get3A_25 : vector<16xf32>
        %add3A_611 = arith.addf %mul3A_610, %get3A_49 : vector<16xf32>
        %swap3A_612 = arith.index_cast %select_n3A_267 : i32 to index
        %swap3A_613 = arith.index_cast %add3A_563 : i32 to index
        %swap3A_614 = arith.constant 80 : index
        %swap3A_615 = tpu.vector_load %arg12[%swap3A_612, %swap3A_613, %swap3A_614] {strides = array<i32>} : memref<4x128x128xf32, #tpu.memory_space<vmem>>, vector<1x1x16xf32>,
        %swap3A_616 = vector.shape_cast %swap3A_615 : vector<1x1x16xf32> to vector<16xf32>
        %swap3A_617 = vector.shape_cast %add3A_611 : vector<16xf32> to vector<1x1x16xf32>
        tpu.vector_store %arg12[%swap3A_612, %swap3A_613, %swap3A_614], %swap3A_617 {strides = array<i32>} : memref<4x128x128xf32, #tpu.memory_space<vmem>>, vector<1x1x16xf32>,
        %mul3A_618 = vector.broadcast %squeeze3A_559 : f32 to vector<16xf32>
        %mul3A_619 = arith.mulf %mul3A_618, %get3A_28 : vector<16xf32>
        %add3A_620 = arith.addf %mul3A_619, %get3A_52 : vector<16xf32>
        %swap3A_621 = arith.index_cast %select_n3A_267 : i32 to index
        %swap3A_622 = arith.index_cast %add3A_563 : i32 to index
        %swap3A_623 = arith.constant 96 : index
        %swap3A_624 = tpu.vector_load %arg12[%swap3A_621, %swap3A_622, %swap3A_623] {strides = array<i32>} : memref<4x128x128xf32, #tpu.memory_space<vmem>>, vector<1x1x16xf32>,
        %swap3A_625 = vector.shape_cast %swap3A_624 : vector<1x1x16xf32> to vector<16xf32>
        %swap3A_626 = vector.shape_cast %add3A_620 : vector<16xf32> to vector<1x1x16xf32>
        tpu.vector_store %arg12[%swap3A_621, %swap3A_622, %swap3A_623], %swap3A_626 {strides = array<i32>} : memref<4x128x128xf32, #tpu.memory_space<vmem>>, vector<1x1x16xf32>,
        %mul3A_627 = vector.broadcast %squeeze3A_559 : f32 to vector<16xf32>
        %mul3A_628 = arith.mulf %mul3A_627, %get3A_31 : vector<16xf32>
        %add3A_629 = arith.addf %mul3A_628, %get3A_55 : vector<16xf32>
        %swap3A_630 = arith.index_cast %select_n3A_267 : i32 to index
        %swap3A_631 = arith.index_cast %add3A_563 : i32 to index
        %swap3A_632 = arith.constant 112 : index
        %swap3A_633 = tpu.vector_load %arg12[%swap3A_630, %swap3A_631, %swap3A_632] {strides = array<i32>} : memref<4x128x128xf32, #tpu.memory_space<vmem>>, vector<1x1x16xf32>,
        %swap3A_634 = vector.shape_cast %swap3A_633 : vector<1x1x16xf32> to vector<16xf32>
        %swap3A_635 = vector.shape_cast %add3A_629 : vector<16xf32> to vector<1x1x16xf32>
        tpu.vector_store %arg12[%swap3A_630, %swap3A_631, %swap3A_632], %swap3A_635 {strides = array<i32>} : memref<4x128x128xf32, #tpu.memory_space<vmem>>, vector<1x1x16xf32>,
        %slice3A_636 = vector.extract_strided_slice %get3A_326 {offsets = [4], sizes = [1], strides = [1]} : vector<16xf32> to vector<1xf32>
        %squeeze3A_637 = vector.extract %slice3A_636[0] : f32 from vector<1xf32>
        %mul3A_638 = arith.constant 16 : i32
        %mul3A_639 = arith.muli %scan3A_320, %mul3A_638 : i32
        %add3A_640 = arith.constant 4 : i32
        %add3A_641 = arith.addi %mul3A_639, %add3A_640 : i32
        %mul3A_642 = vector.broadcast %squeeze3A_637 : f32 to vector<16xf32>
        %mul3A_643 = arith.mulf %mul3A_642, %get3A_10 : vector<16xf32>
        %add3A_644 = arith.addf %mul3A_643, %get3A_34 : vector<16xf32>
        %swap3A_645 = arith.index_cast %select_n3A_267 : i32 to index
        %swap3A_646 = arith.index_cast %add3A_641 : i32 to index
        %swap3A_647 = arith.constant 0 : index
        %swap3A_648 = tpu.vector_load %arg12[%swap3A_645, %swap3A_646, %swap3A_647] {strides = array<i32>} : memref<4x128x128xf32, #tpu.memory_space<vmem>>, vector<1x1x16xf32>,
        %swap3A_649 = vector.shape_cast %swap3A_648 : vector<1x1x16xf32> to vector<16xf32>
        %swap3A_650 = vector.shape_cast %add3A_644 : vector<16xf32> to vector<1x1x16xf32>
        tpu.vector_store %arg12[%swap3A_645, %swap3A_646, %swap3A_647], %swap3A_650 {strides = array<i32>} : memref<4x128x128xf32, #tpu.memory_space<vmem>>, vector<1x1x16xf32>,
        %mul3A_651 = vector.broadcast %squeeze3A_637 : f32 to vector<16xf32>
        %mul3A_652 = arith.mulf %mul3A_651, %get3A_13 : vector<16xf32>
        %add3A_653 = arith.addf %mul3A_652, %get3A_37 : vector<16xf32>
        %swap3A_654 = arith.index_cast %select_n3A_267 : i32 to index
        %swap3A_655 = arith.index_cast %add3A_641 : i32 to index
        %swap3A_656 = arith.constant 16 : index
        %swap3A_657 = tpu.vector_load %arg12[%swap3A_654, %swap3A_655, %swap3A_656] {strides = array<i32>} : memref<4x128x128xf32, #tpu.memory_space<vmem>>, vector<1x1x16xf32>,
        %swap3A_658 = vector.shape_cast %swap3A_657 : vector<1x1x16xf32> to vector<16xf32>
        %swap3A_659 = vector.shape_cast %add3A_653 : vector<16xf32> to vector<1x1x16xf32>
        tpu.vector_store %arg12[%swap3A_654, %swap3A_655, %swap3A_656], %swap3A_659 {strides = array<i32>} : memref<4x128x128xf32, #tpu.memory_space<vmem>>, vector<1x1x16xf32>,
        %mul3A_660 = vector.broadcast %squeeze3A_637 : f32 to vector<16xf32>
        %mul3A_661 = arith.mulf %mul3A_660, %get3A_16 : vector<16xf32>
        %add3A_662 = arith.addf %mul3A_661, %get3A_40 : vector<16xf32>
        %swap3A_663 = arith.index_cast %select_n3A_267 : i32 to index
        %swap3A_664 = arith.index_cast %add3A_641 : i32 to index
        %swap3A_665 = arith.constant 32 : index
        %swap3A_666 = tpu.vector_load %arg12[%swap3A_663, %swap3A_664, %swap3A_665] {strides = array<i32>} : memref<4x128x128xf32, #tpu.memory_space<vmem>>, vector<1x1x16xf32>,
        %swap3A_667 = vector.shape_cast %swap3A_666 : vector<1x1x16xf32> to vector<16xf32>
        %swap3A_668 = vector.shape_cast %add3A_662 : vector<16xf32> to vector<1x1x16xf32>
        tpu.vector_store %arg12[%swap3A_663, %swap3A_664, %swap3A_665], %swap3A_668 {strides = array<i32>} : memref<4x128x128xf32, #tpu.memory_space<vmem>>, vector<1x1x16xf32>,
        %mul3A_669 = vector.broadcast %squeeze3A_637 : f32 to vector<16xf32>
        %mul3A_670 = arith.mulf %mul3A_669, %get3A_19 : vector<16xf32>
        %add3A_671 = arith.addf %mul3A_670, %get3A_43 : vector<16xf32>
        %swap3A_672 = arith.index_cast %select_n3A_267 : i32 to index
        %swap3A_673 = arith.index_cast %add3A_641 : i32 to index
        %swap3A_674 = arith.constant 48 : index
        %swap3A_675 = tpu.vector_load %arg12[%swap3A_672, %swap3A_673, %swap3A_674] {strides = array<i32>} : memref<4x128x128xf32, #tpu.memory_space<vmem>>, vector<1x1x16xf32>,
        %swap3A_676 = vector.shape_cast %swap3A_675 : vector<1x1x16xf32> to vector<16xf32>
        %swap3A_677 = vector.shape_cast %add3A_671 : vector<16xf32> to vector<1x1x16xf32>
        tpu.vector_store %arg12[%swap3A_672, %swap3A_673, %swap3A_674], %swap3A_677 {strides = array<i32>} : memref<4x128x128xf32, #tpu.memory_space<vmem>>, vector<1x1x16xf32>,
        %mul3A_678 = vector.broadcast %squeeze3A_637 : f32 to vector<16xf32>
        %mul3A_679 = arith.mulf %mul3A_678, %get3A_22 : vector<16xf32>
        %add3A_680 = arith.addf %mul3A_679, %get3A_46 : vector<16xf32>
        %swap3A_681 = arith.index_cast %select_n3A_267 : i32 to index
        %swap3A_682 = arith.index_cast %add3A_641 : i32 to index
        %swap3A_683 = arith.constant 64 : index
        %swap3A_684 = tpu.vector_load %arg12[%swap3A_681, %swap3A_682, %swap3A_683] {strides = array<i32>} : memref<4x128x128xf32, #tpu.memory_space<vmem>>, vector<1x1x16xf32>,
        %swap3A_685 = vector.shape_cast %swap3A_684 : vector<1x1x16xf32> to vector<16xf32>
        %swap3A_686 = vector.shape_cast %add3A_680 : vector<16xf32> to vector<1x1x16xf32>
        tpu.vector_store %arg12[%swap3A_681, %swap3A_682, %swap3A_683], %swap3A_686 {strides = array<i32>} : memref<4x128x128xf32, #tpu.memory_space<vmem>>, vector<1x1x16xf32>,
        %mul3A_687 = vector.broadcast %squeeze3A_637 : f32 to vector<16xf32>
        %mul3A_688 = arith.mulf %mul3A_687, %get3A_25 : vector<16xf32>
        %add3A_689 = arith.addf %mul3A_688, %get3A_49 : vector<16xf32>
        %swap3A_690 = arith.index_cast %select_n3A_267 : i32 to index
        %swap3A_691 = arith.index_cast %add3A_641 : i32 to index
        %swap3A_692 = arith.constant 80 : index
        %swap3A_693 = tpu.vector_load %arg12[%swap3A_690, %swap3A_691, %swap3A_692] {strides = array<i32>} : memref<4x128x128xf32, #tpu.memory_space<vmem>>, vector<1x1x16xf32>,
        %swap3A_694 = vector.shape_cast %swap3A_693 : vector<1x1x16xf32> to vector<16xf32>
        %swap3A_695 = vector.shape_cast %add3A_689 : vector<16xf32> to vector<1x1x16xf32>
        tpu.vector_store %arg12[%swap3A_690, %swap3A_691, %swap3A_692], %swap3A_695 {strides = array<i32>} : memref<4x128x128xf32, #tpu.memory_space<vmem>>, vector<1x1x16xf32>,
        %mul3A_696 = vector.broadcast %squeeze3A_637 : f32 to vector<16xf32>
        %mul3A_697 = arith.mulf %mul3A_696, %get3A_28 : vector<16xf32>
        %add3A_698 = arith.addf %mul3A_697, %get3A_52 : vector<16xf32>
        %swap3A_699 = arith.index_cast %select_n3A_267 : i32 to index
        %swap3A_700 = arith.index_cast %add3A_641 : i32 to index
        %swap3A_701 = arith.constant 96 : index
        %swap3A_702 = tpu.vector_load %arg12[%swap3A_699, %swap3A_700, %swap3A_701] {strides = array<i32>} : memref<4x128x128xf32, #tpu.memory_space<vmem>>, vector<1x1x16xf32>,
        %swap3A_703 = vector.shape_cast %swap3A_702 : vector<1x1x16xf32> to vector<16xf32>
        %swap3A_704 = vector.shape_cast %add3A_698 : vector<16xf32> to vector<1x1x16xf32>
        tpu.vector_store %arg12[%swap3A_699, %swap3A_700, %swap3A_701], %swap3A_704 {strides = array<i32>} : memref<4x128x128xf32, #tpu.memory_space<vmem>>, vector<1x1x16xf32>,
        %mul3A_705 = vector.broadcast %squeeze3A_637 : f32 to vector<16xf32>
        %mul3A_706 = arith.mulf %mul3A_705, %get3A_31 : vector<16xf32>
        %add3A_707 = arith.addf %mul3A_706, %get3A_55 : vector<16xf32>
        %swap3A_708 = arith.index_cast %select_n3A_267 : i32 to index
        %swap3A_709 = arith.index_cast %add3A_641 : i32 to index
        %swap3A_710 = arith.constant 112 : index
        %swap3A_711 = tpu.vector_load %arg12[%swap3A_708, %swap3A_709, %swap3A_710] {strides = array<i32>} : memref<4x128x128xf32, #tpu.memory_space<vmem>>, vector<1x1x16xf32>,
        %swap3A_712 = vector.shape_cast %swap3A_711 : vector<1x1x16xf32> to vector<16xf32>
        %swap3A_713 = vector.shape_cast %add3A_707 : vector<16xf32> to vector<1x1x16xf32>
        tpu.vector_store %arg12[%swap3A_708, %swap3A_709, %swap3A_710], %swap3A_713 {strides = array<i32>} : memref<4x128x128xf32, #tpu.memory_space<vmem>>, vector<1x1x16xf32>,
        %slice3A_714 = vector.extract_strided_slice %get3A_326 {offsets = [5], sizes = [1], strides = [1]} : vector<16xf32> to vector<1xf32>
        %squeeze3A_715 = vector.extract %slice3A_714[0] : f32 from vector<1xf32>
        %mul3A_716 = arith.constant 16 : i32
        %mul3A_717 = arith.muli %scan3A_320, %mul3A_716 : i32
        %add3A_718 = arith.constant 5 : i32
        %add3A_719 = arith.addi %mul3A_717, %add3A_718 : i32
        %mul3A_720 = vector.broadcast %squeeze3A_715 : f32 to vector<16xf32>
        %mul3A_721 = arith.mulf %mul3A_720, %get3A_10 : vector<16xf32>
        %add3A_722 = arith.addf %mul3A_721, %get3A_34 : vector<16xf32>
        %swap3A_723 = arith.index_cast %select_n3A_267 : i32 to index
        %swap3A_724 = arith.index_cast %add3A_719 : i32 to index
        %swap3A_725 = arith.constant 0 : index
        %swap3A_726 = tpu.vector_load %arg12[%swap3A_723, %swap3A_724, %swap3A_725] {strides = array<i32>} : memref<4x128x128xf32, #tpu.memory_space<vmem>>, vector<1x1x16xf32>,
        %swap3A_727 = vector.shape_cast %swap3A_726 : vector<1x1x16xf32> to vector<16xf32>
        %swap3A_728 = vector.shape_cast %add3A_722 : vector<16xf32> to vector<1x1x16xf32>
        tpu.vector_store %arg12[%swap3A_723, %swap3A_724, %swap3A_725], %swap3A_728 {strides = array<i32>} : memref<4x128x128xf32, #tpu.memory_space<vmem>>, vector<1x1x16xf32>,
        %mul3A_729 = vector.broadcast %squeeze3A_715 : f32 to vector<16xf32>
        %mul3A_730 = arith.mulf %mul3A_729, %get3A_13 : vector<16xf32>
        %add3A_731 = arith.addf %mul3A_730, %get3A_37 : vector<16xf32>
        %swap3A_732 = arith.index_cast %select_n3A_267 : i32 to index
        %swap3A_733 = arith.index_cast %add3A_719 : i32 to index
        %swap3A_734 = arith.constant 16 : index
        %swap3A_735 = tpu.vector_load %arg12[%swap3A_732, %swap3A_733, %swap3A_734] {strides = array<i32>} : memref<4x128x128xf32, #tpu.memory_space<vmem>>, vector<1x1x16xf32>,
        %swap3A_736 = vector.shape_cast %swap3A_735 : vector<1x1x16xf32> to vector<16xf32>
        %swap3A_737 = vector.shape_cast %add3A_731 : vector<16xf32> to vector<1x1x16xf32>
        tpu.vector_store %arg12[%swap3A_732, %swap3A_733, %swap3A_734], %swap3A_737 {strides = array<i32>} : memref<4x128x128xf32, #tpu.memory_space<vmem>>, vector<1x1x16xf32>,
        %mul3A_738 = vector.broadcast %squeeze3A_715 : f32 to vector<16xf32>
        %mul3A_739 = arith.mulf %mul3A_738, %get3A_16 : vector<16xf32>
        %add3A_740 = arith.addf %mul3A_739, %get3A_40 : vector<16xf32>
        %swap3A_741 = arith.index_cast %select_n3A_267 : i32 to index
        %swap3A_742 = arith.index_cast %add3A_719 : i32 to index
        %swap3A_743 = arith.constant 32 : index
        %swap3A_744 = tpu.vector_load %arg12[%swap3A_741, %swap3A_742, %swap3A_743] {strides = array<i32>} : memref<4x128x128xf32, #tpu.memory_space<vmem>>, vector<1x1x16xf32>,
        %swap3A_745 = vector.shape_cast %swap3A_744 : vector<1x1x16xf32> to vector<16xf32>
        %swap3A_746 = vector.shape_cast %add3A_740 : vector<16xf32> to vector<1x1x16xf32>
        tpu.vector_store %arg12[%swap3A_741, %swap3A_742, %swap3A_743], %swap3A_746 {strides = array<i32>} : memref<4x128x128xf32, #tpu.memory_space<vmem>>, vector<1x1x16xf32>,
        %mul3A_747 = vector.broadcast %squeeze3A_715 : f32 to vector<16xf32>
        %mul3A_748 = arith.mulf %mul3A_747, %get3A_19 : vector<16xf32>
        %add3A_749 = arith.addf %mul3A_748, %get3A_43 : vector<16xf32>
        %swap3A_750 = arith.index_cast %select_n3A_267 : i32 to index
        %swap3A_751 = arith.index_cast %add3A_719 : i32 to index
        %swap3A_752 = arith.constant 48 : index
        %swap3A_753 = tpu.vector_load %arg12[%swap3A_750, %swap3A_751, %swap3A_752] {strides = array<i32>} : memref<4x128x128xf32, #tpu.memory_space<vmem>>, vector<1x1x16xf32>,
        %swap3A_754 = vector.shape_cast %swap3A_753 : vector<1x1x16xf32> to vector<16xf32>
        %swap3A_755 = vector.shape_cast %add3A_749 : vector<16xf32> to vector<1x1x16xf32>
        tpu.vector_store %arg12[%swap3A_750, %swap3A_751, %swap3A_752], %swap3A_755 {strides = array<i32>} : memref<4x128x128xf32, #tpu.memory_space<vmem>>, vector<1x1x16xf32>,
        %mul3A_756 = vector.broadcast %squeeze3A_715 : f32 to vector<16xf32>
        %mul3A_757 = arith.mulf %mul3A_756, %get3A_22 : vector<16xf32>
        %add3A_758 = arith.addf %mul3A_757, %get3A_46 : vector<16xf32>
        %swap3A_759 = arith.index_cast %select_n3A_267 : i32 to index
        %swap3A_760 = arith.index_cast %add3A_719 : i32 to index
        %swap3A_761 = arith.constant 64 : index
        %swap3A_762 = tpu.vector_load %arg12[%swap3A_759, %swap3A_760, %swap3A_761] {strides = array<i32>} : memref<4x128x128xf32, #tpu.memory_space<vmem>>, vector<1x1x16xf32>,
        %swap3A_763 = vector.shape_cast %swap3A_762 : vector<1x1x16xf32> to vector<16xf32>
        %swap3A_764 = vector.shape_cast %add3A_758 : vector<16xf32> to vector<1x1x16xf32>
        tpu.vector_store %arg12[%swap3A_759, %swap3A_760, %swap3A_761], %swap3A_764 {strides = array<i32>} : memref<4x128x128xf32, #tpu.memory_space<vmem>>, vector<1x1x16xf32>,
        %mul3A_765 = vector.broadcast %squeeze3A_715 : f32 to vector<16xf32>
        %mul3A_766 = arith.mulf %mul3A_765, %get3A_25 : vector<16xf32>
        %add3A_767 = arith.addf %mul3A_766, %get3A_49 : vector<16xf32>
        %swap3A_768 = arith.index_cast %select_n3A_267 : i32 to index
        %swap3A_769 = arith.index_cast %add3A_719 : i32 to index
        %swap3A_770 = arith.constant 80 : index
        %swap3A_771 = tpu.vector_load %arg12[%swap3A_768, %swap3A_769, %swap3A_770] {strides = array<i32>} : memref<4x128x128xf32, #tpu.memory_space<vmem>>, vector<1x1x16xf32>,
        %swap3A_772 = vector.shape_cast %swap3A_771 : vector<1x1x16xf32> to vector<16xf32>
        %swap3A_773 = vector.shape_cast %add3A_767 : vector<16xf32> to vector<1x1x16xf32>
        tpu.vector_store %arg12[%swap3A_768, %swap3A_769, %swap3A_770], %swap3A_773 {strides = array<i32>} : memref<4x128x128xf32, #tpu.memory_space<vmem>>, vector<1x1x16xf32>,
        %mul3A_774 = vector.broadcast %squeeze3A_715 : f32 to vector<16xf32>
        %mul3A_775 = arith.mulf %mul3A_774, %get3A_28 : vector<16xf32>
        %add3A_776 = arith.addf %mul3A_775, %get3A_52 : vector<16xf32>
        %swap3A_777 = arith.index_cast %select_n3A_267 : i32 to index
        %swap3A_778 = arith.index_cast %add3A_719 : i32 to index
        %swap3A_779 = arith.constant 96 : index
        %swap3A_780 = tpu.vector_load %arg12[%swap3A_777, %swap3A_778, %swap3A_779] {strides = array<i32>} : memref<4x128x128xf32, #tpu.memory_space<vmem>>, vector<1x1x16xf32>,
        %swap3A_781 = vector.shape_cast %swap3A_780 : vector<1x1x16xf32> to vector<16xf32>
        %swap3A_782 = vector.shape_cast %add3A_776 : vector<16xf32> to vector<1x1x16xf32>
        tpu.vector_store %arg12[%swap3A_777, %swap3A_778, %swap3A_779], %swap3A_782 {strides = array<i32>} : memref<4x128x128xf32, #tpu.memory_space<vmem>>, vector<1x1x16xf32>,
        %mul3A_783 = vector.broadcast %squeeze3A_715 : f32 to vector<16xf32>
        %mul3A_784 = arith.mulf %mul3A_783, %get3A_31 : vector<16xf32>
        %add3A_785 = arith.addf %mul3A_784, %get3A_55 : vector<16xf32>
        %swap3A_786 = arith.index_cast %select_n3A_267 : i32 to index
        %swap3A_787 = arith.index_cast %add3A_719 : i32 to index
        %swap3A_788 = arith.constant 112 : index
        %swap3A_789 = tpu.vector_load %arg12[%swap3A_786, %swap3A_787, %swap3A_788] {strides = array<i32>} : memref<4x128x128xf32, #tpu.memory_space<vmem>>, vector<1x1x16xf32>,
        %swap3A_790 = vector.shape_cast %swap3A_789 : vector<1x1x16xf32> to vector<16xf32>
        %swap3A_791 = vector.shape_cast %add3A_785 : vector<16xf32> to vector<1x1x16xf32>
        tpu.vector_store %arg12[%swap3A_786, %swap3A_787, %swap3A_788], %swap3A_791 {strides = array<i32>} : memref<4x128x128xf32, #tpu.memory_space<vmem>>, vector<1x1x16xf32>,
        %slice3A_792 = vector.extract_strided_slice %get3A_326 {offsets = [6], sizes = [1], strides = [1]} : vector<16xf32> to vector<1xf32>
        %squeeze3A_793 = vector.extract %slice3A_792[0] : f32 from vector<1xf32>
        %mul3A_794 = arith.constant 16 : i32
        %mul3A_795 = arith.muli %scan3A_320, %mul3A_794 : i32
        %add3A_796 = arith.constant 6 : i32
        %add3A_797 = arith.addi %mul3A_795, %add3A_796 : i32
        %mul3A_798 = vector.broadcast %squeeze3A_793 : f32 to vector<16xf32>
        %mul3A_799 = arith.mulf %mul3A_798, %get3A_10 : vector<16xf32>
        %add3A_800 = arith.addf %mul3A_799, %get3A_34 : vector<16xf32>
        %swap3A_801 = arith.index_cast %select_n3A_267 : i32 to index
        %swap3A_802 = arith.index_cast %add3A_797 : i32 to index
        %swap3A_803 = arith.constant 0 : index
        %swap3A_804 = tpu.vector_load %arg12[%swap3A_801, %swap3A_802, %swap3A_803] {strides = array<i32>} : memref<4x128x128xf32, #tpu.memory_space<vmem>>, vector<1x1x16xf32>,
        %swap3A_805 = vector.shape_cast %swap3A_804 : vector<1x1x16xf32> to vector<16xf32>
        %swap3A_806 = vector.shape_cast %add3A_800 : vector<16xf32> to vector<1x1x16xf32>
        tpu.vector_store %arg12[%swap3A_801, %swap3A_802, %swap3A_803], %swap3A_806 {strides = array<i32>} : memref<4x128x128xf32, #tpu.memory_space<vmem>>, vector<1x1x16xf32>,
        %mul3A_807 = vector.broadcast %squeeze3A_793 : f32 to vector<16xf32>
        %mul3A_808 = arith.mulf %mul3A_807, %get3A_13 : vector<16xf32>
        %add3A_809 = arith.addf %mul3A_808, %get3A_37 : vector<16xf32>
        %swap3A_810 = arith.index_cast %select_n3A_267 : i32 to index
        %swap3A_811 = arith.index_cast %add3A_797 : i32 to index
        %swap3A_812 = arith.constant 16 : index
        %swap3A_813 = tpu.vector_load %arg12[%swap3A_810, %swap3A_811, %swap3A_812] {strides = array<i32>} : memref<4x128x128xf32, #tpu.memory_space<vmem>>, vector<1x1x16xf32>,
        %swap3A_814 = vector.shape_cast %swap3A_813 : vector<1x1x16xf32> to vector<16xf32>
        %swap3A_815 = vector.shape_cast %add3A_809 : vector<16xf32> to vector<1x1x16xf32>
        tpu.vector_store %arg12[%swap3A_810, %swap3A_811, %swap3A_812], %swap3A_815 {strides = array<i32>} : memref<4x128x128xf32, #tpu.memory_space<vmem>>, vector<1x1x16xf32>,
        %mul3A_816 = vector.broadcast %squeeze3A_793 : f32 to vector<16xf32>
        %mul3A_817 = arith.mulf %mul3A_816, %get3A_16 : vector<16xf32>
        %add3A_818 = arith.addf %mul3A_817, %get3A_40 : vector<16xf32>
        %swap3A_819 = arith.index_cast %select_n3A_267 : i32 to index
        %swap3A_820 = arith.index_cast %add3A_797 : i32 to index
        %swap3A_821 = arith.constant 32 : index
        %swap3A_822 = tpu.vector_load %arg12[%swap3A_819, %swap3A_820, %swap3A_821] {strides = array<i32>} : memref<4x128x128xf32, #tpu.memory_space<vmem>>, vector<1x1x16xf32>,
        %swap3A_823 = vector.shape_cast %swap3A_822 : vector<1x1x16xf32> to vector<16xf32>
        %swap3A_824 = vector.shape_cast %add3A_818 : vector<16xf32> to vector<1x1x16xf32>
        tpu.vector_store %arg12[%swap3A_819, %swap3A_820, %swap3A_821], %swap3A_824 {strides = array<i32>} : memref<4x128x128xf32, #tpu.memory_space<vmem>>, vector<1x1x16xf32>,
        %mul3A_825 = vector.broadcast %squeeze3A_793 : f32 to vector<16xf32>
        %mul3A_826 = arith.mulf %mul3A_825, %get3A_19 : vector<16xf32>
        %add3A_827 = arith.addf %mul3A_826, %get3A_43 : vector<16xf32>
        %swap3A_828 = arith.index_cast %select_n3A_267 : i32 to index
        %swap3A_829 = arith.index_cast %add3A_797 : i32 to index
        %swap3A_830 = arith.constant 48 : index
        %swap3A_831 = tpu.vector_load %arg12[%swap3A_828, %swap3A_829, %swap3A_830] {strides = array<i32>} : memref<4x128x128xf32, #tpu.memory_space<vmem>>, vector<1x1x16xf32>,
        %swap3A_832 = vector.shape_cast %swap3A_831 : vector<1x1x16xf32> to vector<16xf32>
        %swap3A_833 = vector.shape_cast %add3A_827 : vector<16xf32> to vector<1x1x16xf32>
        tpu.vector_store %arg12[%swap3A_828, %swap3A_829, %swap3A_830], %swap3A_833 {strides = array<i32>} : memref<4x128x128xf32, #tpu.memory_space<vmem>>, vector<1x1x16xf32>,
        %mul3A_834 = vector.broadcast %squeeze3A_793 : f32 to vector<16xf32>
        %mul3A_835 = arith.mulf %mul3A_834, %get3A_22 : vector<16xf32>
        %add3A_836 = arith.addf %mul3A_835, %get3A_46 : vector<16xf32>
        %swap3A_837 = arith.index_cast %select_n3A_267 : i32 to index
        %swap3A_838 = arith.index_cast %add3A_797 : i32 to index
        %swap3A_839 = arith.constant 64 : index
        %swap3A_840 = tpu.vector_load %arg12[%swap3A_837, %swap3A_838, %swap3A_839] {strides = array<i32>} : memref<4x128x128xf32, #tpu.memory_space<vmem>>, vector<1x1x16xf32>,
        %swap3A_841 = vector.shape_cast %swap3A_840 : vector<1x1x16xf32> to vector<16xf32>
        %swap3A_842 = vector.shape_cast %add3A_836 : vector<16xf32> to vector<1x1x16xf32>
        tpu.vector_store %arg12[%swap3A_837, %swap3A_838, %swap3A_839], %swap3A_842 {strides = array<i32>} : memref<4x128x128xf32, #tpu.memory_space<vmem>>, vector<1x1x16xf32>,
        %mul3A_843 = vector.broadcast %squeeze3A_793 : f32 to vector<16xf32>
        %mul3A_844 = arith.mulf %mul3A_843, %get3A_25 : vector<16xf32>
        %add3A_845 = arith.addf %mul3A_844, %get3A_49 : vector<16xf32>
        %swap3A_846 = arith.index_cast %select_n3A_267 : i32 to index
        %swap3A_847 = arith.index_cast %add3A_797 : i32 to index
        %swap3A_848 = arith.constant 80 : index
        %swap3A_849 = tpu.vector_load %arg12[%swap3A_846, %swap3A_847, %swap3A_848] {strides = array<i32>} : memref<4x128x128xf32, #tpu.memory_space<vmem>>, vector<1x1x16xf32>,
        %swap3A_850 = vector.shape_cast %swap3A_849 : vector<1x1x16xf32> to vector<16xf32>
        %swap3A_851 = vector.shape_cast %add3A_845 : vector<16xf32> to vector<1x1x16xf32>
        tpu.vector_store %arg12[%swap3A_846, %swap3A_847, %swap3A_848], %swap3A_851 {strides = array<i32>} : memref<4x128x128xf32, #tpu.memory_space<vmem>>, vector<1x1x16xf32>,
        %mul3A_852 = vector.broadcast %squeeze3A_793 : f32 to vector<16xf32>
        %mul3A_853 = arith.mulf %mul3A_852, %get3A_28 : vector<16xf32>
        %add3A_854 = arith.addf %mul3A_853, %get3A_52 : vector<16xf32>
        %swap3A_855 = arith.index_cast %select_n3A_267 : i32 to index
        %swap3A_856 = arith.index_cast %add3A_797 : i32 to index
        %swap3A_857 = arith.constant 96 : index
        %swap3A_858 = tpu.vector_load %arg12[%swap3A_855, %swap3A_856, %swap3A_857] {strides = array<i32>} : memref<4x128x128xf32, #tpu.memory_space<vmem>>, vector<1x1x16xf32>,
        %swap3A_859 = vector.shape_cast %swap3A_858 : vector<1x1x16xf32> to vector<16xf32>
        %swap3A_860 = vector.shape_cast %add3A_854 : vector<16xf32> to vector<1x1x16xf32>
        tpu.vector_store %arg12[%swap3A_855, %swap3A_856, %swap3A_857], %swap3A_860 {strides = array<i32>} : memref<4x128x128xf32, #tpu.memory_space<vmem>>, vector<1x1x16xf32>,
        %mul3A_861 = vector.broadcast %squeeze3A_793 : f32 to vector<16xf32>
        %mul3A_862 = arith.mulf %mul3A_861, %get3A_31 : vector<16xf32>
        %add3A_863 = arith.addf %mul3A_862, %get3A_55 : vector<16xf32>
        %swap3A_864 = arith.index_cast %select_n3A_267 : i32 to index
        %swap3A_865 = arith.index_cast %add3A_797 : i32 to index
        %swap3A_866 = arith.constant 112 : index
        %swap3A_867 = tpu.vector_load %arg12[%swap3A_864, %swap3A_865, %swap3A_866] {strides = array<i32>} : memref<4x128x128xf32, #tpu.memory_space<vmem>>, vector<1x1x16xf32>,
        %swap3A_868 = vector.shape_cast %swap3A_867 : vector<1x1x16xf32> to vector<16xf32>
        %swap3A_869 = vector.shape_cast %add3A_863 : vector<16xf32> to vector<1x1x16xf32>
        tpu.vector_store %arg12[%swap3A_864, %swap3A_865, %swap3A_866], %swap3A_869 {strides = array<i32>} : memref<4x128x128xf32, #tpu.memory_space<vmem>>, vector<1x1x16xf32>,
        %slice3A_870 = vector.extract_strided_slice %get3A_326 {offsets = [7], sizes = [1], strides = [1]} : vector<16xf32> to vector<1xf32>
        %squeeze3A_871 = vector.extract %slice3A_870[0] : f32 from vector<1xf32>
        %mul3A_872 = arith.constant 16 : i32
        %mul3A_873 = arith.muli %scan3A_320, %mul3A_872 : i32
        %add3A_874 = arith.constant 7 : i32
        %add3A_875 = arith.addi %mul3A_873, %add3A_874 : i32
        %mul3A_876 = vector.broadcast %squeeze3A_871 : f32 to vector<16xf32>
        %mul3A_877 = arith.mulf %mul3A_876, %get3A_10 : vector<16xf32>
        %add3A_878 = arith.addf %mul3A_877, %get3A_34 : vector<16xf32>
        %swap3A_879 = arith.index_cast %select_n3A_267 : i32 to index
        %swap3A_880 = arith.index_cast %add3A_875 : i32 to index
        %swap3A_881 = arith.constant 0 : index
        %swap3A_882 = tpu.vector_load %arg12[%swap3A_879, %swap3A_880, %swap3A_881] {strides = array<i32>} : memref<4x128x128xf32, #tpu.memory_space<vmem>>, vector<1x1x16xf32>,
        %swap3A_883 = vector.shape_cast %swap3A_882 : vector<1x1x16xf32> to vector<16xf32>
        %swap3A_884 = vector.shape_cast %add3A_878 : vector<16xf32> to vector<1x1x16xf32>
        tpu.vector_store %arg12[%swap3A_879, %swap3A_880, %swap3A_881], %swap3A_884 {strides = array<i32>} : memref<4x128x128xf32, #tpu.memory_space<vmem>>, vector<1x1x16xf32>,
        %mul3A_885 = vector.broadcast %squeeze3A_871 : f32 to vector<16xf32>
        %mul3A_886 = arith.mulf %mul3A_885, %get3A_13 : vector<16xf32>
        %add3A_887 = arith.addf %mul3A_886, %get3A_37 : vector<16xf32>
        %swap3A_888 = arith.index_cast %select_n3A_267 : i32 to index
        %swap3A_889 = arith.index_cast %add3A_875 : i32 to index
        %swap3A_890 = arith.constant 16 : index
        %swap3A_891 = tpu.vector_load %arg12[%swap3A_888, %swap3A_889, %swap3A_890] {strides = array<i32>} : memref<4x128x128xf32, #tpu.memory_space<vmem>>, vector<1x1x16xf32>,
        %swap3A_892 = vector.shape_cast %swap3A_891 : vector<1x1x16xf32> to vector<16xf32>
        %swap3A_893 = vector.shape_cast %add3A_887 : vector<16xf32> to vector<1x1x16xf32>
        tpu.vector_store %arg12[%swap3A_888, %swap3A_889, %swap3A_890], %swap3A_893 {strides = array<i32>} : memref<4x128x128xf32, #tpu.memory_space<vmem>>, vector<1x1x16xf32>,
        %mul3A_894 = vector.broadcast %squeeze3A_871 : f32 to vector<16xf32>
        %mul3A_895 = arith.mulf %mul3A_894, %get3A_16 : vector<16xf32>
        %add3A_896 = arith.addf %mul3A_895, %get3A_40 : vector<16xf32>
        %swap3A_897 = arith.index_cast %select_n3A_267 : i32 to index
        %swap3A_898 = arith.index_cast %add3A_875 : i32 to index
        %swap3A_899 = arith.constant 32 : index
        %swap3A_900 = tpu.vector_load %arg12[%swap3A_897, %swap3A_898, %swap3A_899] {strides = array<i32>} : memref<4x128x128xf32, #tpu.memory_space<vmem>>, vector<1x1x16xf32>,
        %swap3A_901 = vector.shape_cast %swap3A_900 : vector<1x1x16xf32> to vector<16xf32>
        %swap3A_902 = vector.shape_cast %add3A_896 : vector<16xf32> to vector<1x1x16xf32>
        tpu.vector_store %arg12[%swap3A_897, %swap3A_898, %swap3A_899], %swap3A_902 {strides = array<i32>} : memref<4x128x128xf32, #tpu.memory_space<vmem>>, vector<1x1x16xf32>,
        %mul3A_903 = vector.broadcast %squeeze3A_871 : f32 to vector<16xf32>
        %mul3A_904 = arith.mulf %mul3A_903, %get3A_19 : vector<16xf32>
        %add3A_905 = arith.addf %mul3A_904, %get3A_43 : vector<16xf32>
        %swap3A_906 = arith.index_cast %select_n3A_267 : i32 to index
        %swap3A_907 = arith.index_cast %add3A_875 : i32 to index
        %swap3A_908 = arith.constant 48 : index
        %swap3A_909 = tpu.vector_load %arg12[%swap3A_906, %swap3A_907, %swap3A_908] {strides = array<i32>} : memref<4x128x128xf32, #tpu.memory_space<vmem>>, vector<1x1x16xf32>,
        %swap3A_910 = vector.shape_cast %swap3A_909 : vector<1x1x16xf32> to vector<16xf32>
        %swap3A_911 = vector.shape_cast %add3A_905 : vector<16xf32> to vector<1x1x16xf32>
        tpu.vector_store %arg12[%swap3A_906, %swap3A_907, %swap3A_908], %swap3A_911 {strides = array<i32>} : memref<4x128x128xf32, #tpu.memory_space<vmem>>, vector<1x1x16xf32>,
        %mul3A_912 = vector.broadcast %squeeze3A_871 : f32 to vector<16xf32>
        %mul3A_913 = arith.mulf %mul3A_912, %get3A_22 : vector<16xf32>
        %add3A_914 = arith.addf %mul3A_913, %get3A_46 : vector<16xf32>
        %swap3A_915 = arith.index_cast %select_n3A_267 : i32 to index
        %swap3A_916 = arith.index_cast %add3A_875 : i32 to index
        %swap3A_917 = arith.constant 64 : index
        %swap3A_918 = tpu.vector_load %arg12[%swap3A_915, %swap3A_916, %swap3A_917] {strides = array<i32>} : memref<4x128x128xf32, #tpu.memory_space<vmem>>, vector<1x1x16xf32>,
        %swap3A_919 = vector.shape_cast %swap3A_918 : vector<1x1x16xf32> to vector<16xf32>
        %swap3A_920 = vector.shape_cast %add3A_914 : vector<16xf32> to vector<1x1x16xf32>
        tpu.vector_store %arg12[%swap3A_915, %swap3A_916, %swap3A_917], %swap3A_920 {strides = array<i32>} : memref<4x128x128xf32, #tpu.memory_space<vmem>>, vector<1x1x16xf32>,
        %mul3A_921 = vector.broadcast %squeeze3A_871 : f32 to vector<16xf32>
        %mul3A_922 = arith.mulf %mul3A_921, %get3A_25 : vector<16xf32>
        %add3A_923 = arith.addf %mul3A_922, %get3A_49 : vector<16xf32>
        %swap3A_924 = arith.index_cast %select_n3A_267 : i32 to index
        %swap3A_925 = arith.index_cast %add3A_875 : i32 to index
        %swap3A_926 = arith.constant 80 : index
        %swap3A_927 = tpu.vector_load %arg12[%swap3A_924, %swap3A_925, %swap3A_926] {strides = array<i32>} : memref<4x128x128xf32, #tpu.memory_space<vmem>>, vector<1x1x16xf32>,
        %swap3A_928 = vector.shape_cast %swap3A_927 : vector<1x1x16xf32> to vector<16xf32>
        %swap3A_929 = vector.shape_cast %add3A_923 : vector<16xf32> to vector<1x1x16xf32>
        tpu.vector_store %arg12[%swap3A_924, %swap3A_925, %swap3A_926], %swap3A_929 {strides = array<i32>} : memref<4x128x128xf32, #tpu.memory_space<vmem>>, vector<1x1x16xf32>,
        %mul3A_930 = vector.broadcast %squeeze3A_871 : f32 to vector<16xf32>
        %mul3A_931 = arith.mulf %mul3A_930, %get3A_28 : vector<16xf32>
        %add3A_932 = arith.addf %mul3A_931, %get3A_52 : vector<16xf32>
        %swap3A_933 = arith.index_cast %select_n3A_267 : i32 to index
        %swap3A_934 = arith.index_cast %add3A_875 : i32 to index
        %swap3A_935 = arith.constant 96 : index
        %swap3A_936 = tpu.vector_load %arg12[%swap3A_933, %swap3A_934, %swap3A_935] {strides = array<i32>} : memref<4x128x128xf32, #tpu.memory_space<vmem>>, vector<1x1x16xf32>,
        %swap3A_937 = vector.shape_cast %swap3A_936 : vector<1x1x16xf32> to vector<16xf32>
        %swap3A_938 = vector.shape_cast %add3A_932 : vector<16xf32> to vector<1x1x16xf32>
        tpu.vector_store %arg12[%swap3A_933, %swap3A_934, %swap3A_935], %swap3A_938 {strides = array<i32>} : memref<4x128x128xf32, #tpu.memory_space<vmem>>, vector<1x1x16xf32>,
        %mul3A_939 = vector.broadcast %squeeze3A_871 : f32 to vector<16xf32>
        %mul3A_940 = arith.mulf %mul3A_939, %get3A_31 : vector<16xf32>
        %add3A_941 = arith.addf %mul3A_940, %get3A_55 : vector<16xf32>
        %swap3A_942 = arith.index_cast %select_n3A_267 : i32 to index
        %swap3A_943 = arith.index_cast %add3A_875 : i32 to index
        %swap3A_944 = arith.constant 112 : index
        %swap3A_945 = tpu.vector_load %arg12[%swap3A_942, %swap3A_943, %swap3A_944] {strides = array<i32>} : memref<4x128x128xf32, #tpu.memory_space<vmem>>, vector<1x1x16xf32>,
        %swap3A_946 = vector.shape_cast %swap3A_945 : vector<1x1x16xf32> to vector<16xf32>
        %swap3A_947 = vector.shape_cast %add3A_941 : vector<16xf32> to vector<1x1x16xf32>
        tpu.vector_store %arg12[%swap3A_942, %swap3A_943, %swap3A_944], %swap3A_947 {strides = array<i32>} : memref<4x128x128xf32, #tpu.memory_space<vmem>>, vector<1x1x16xf32>,
        %slice3A_948 = vector.extract_strided_slice %get3A_326 {offsets = [8], sizes = [1], strides = [1]} : vector<16xf32> to vector<1xf32>
        %squeeze3A_949 = vector.extract %slice3A_948[0] : f32 from vector<1xf32>
        %mul3A_950 = arith.constant 16 : i32
        %mul3A_951 = arith.muli %scan3A_320, %mul3A_950 : i32
        %add3A_952 = arith.constant 8 : i32
        %add3A_953 = arith.addi %mul3A_951, %add3A_952 : i32
        %mul3A_954 = vector.broadcast %squeeze3A_949 : f32 to vector<16xf32>
        %mul3A_955 = arith.mulf %mul3A_954, %get3A_10 : vector<16xf32>
        %add3A_956 = arith.addf %mul3A_955, %get3A_34 : vector<16xf32>
        %swap3A_957 = arith.index_cast %select_n3A_267 : i32 to index
        %swap3A_958 = arith.index_cast %add3A_953 : i32 to index
        %swap3A_959 = arith.constant 0 : index
        %swap3A_960 = tpu.vector_load %arg12[%swap3A_957, %swap3A_958, %swap3A_959] {strides = array<i32>} : memref<4x128x128xf32, #tpu.memory_space<vmem>>, vector<1x1x16xf32>,
        %swap3A_961 = vector.shape_cast %swap3A_960 : vector<1x1x16xf32> to vector<16xf32>
        %swap3A_962 = vector.shape_cast %add3A_956 : vector<16xf32> to vector<1x1x16xf32>
        tpu.vector_store %arg12[%swap3A_957, %swap3A_958, %swap3A_959], %swap3A_962 {strides = array<i32>} : memref<4x128x128xf32, #tpu.memory_space<vmem>>, vector<1x1x16xf32>,
        %mul3A_963 = vector.broadcast %squeeze3A_949 : f32 to vector<16xf32>
        %mul3A_964 = arith.mulf %mul3A_963, %get3A_13 : vector<16xf32>
        %add3A_965 = arith.addf %mul3A_964, %get3A_37 : vector<16xf32>
        %swap3A_966 = arith.index_cast %select_n3A_267 : i32 to index
        %swap3A_967 = arith.index_cast %add3A_953 : i32 to index
        %swap3A_968 = arith.constant 16 : index
        %swap3A_969 = tpu.vector_load %arg12[%swap3A_966, %swap3A_967, %swap3A_968] {strides = array<i32>} : memref<4x128x128xf32, #tpu.memory_space<vmem>>, vector<1x1x16xf32>,
        %swap3A_970 = vector.shape_cast %swap3A_969 : vector<1x1x16xf32> to vector<16xf32>
        %swap3A_971 = vector.shape_cast %add3A_965 : vector<16xf32> to vector<1x1x16xf32>
        tpu.vector_store %arg12[%swap3A_966, %swap3A_967, %swap3A_968], %swap3A_971 {strides = array<i32>} : memref<4x128x128xf32, #tpu.memory_space<vmem>>, vector<1x1x16xf32>,
        %mul3A_972 = vector.broadcast %squeeze3A_949 : f32 to vector<16xf32>
        %mul3A_973 = arith.mulf %mul3A_972, %get3A_16 : vector<16xf32>
        %add3A_974 = arith.addf %mul3A_973, %get3A_40 : vector<16xf32>
        %swap3A_975 = arith.index_cast %select_n3A_267 : i32 to index
        %swap3A_976 = arith.index_cast %add3A_953 : i32 to index
        %swap3A_977 = arith.constant 32 : index
        %swap3A_978 = tpu.vector_load %arg12[%swap3A_975, %swap3A_976, %swap3A_977] {strides = array<i32>} : memref<4x128x128xf32, #tpu.memory_space<vmem>>, vector<1x1x16xf32>,
        %swap3A_979 = vector.shape_cast %swap3A_978 : vector<1x1x16xf32> to vector<16xf32>
        %swap3A_980 = vector.shape_cast %add3A_974 : vector<16xf32> to vector<1x1x16xf32>
        tpu.vector_store %arg12[%swap3A_975, %swap3A_976, %swap3A_977], %swap3A_980 {strides = array<i32>} : memref<4x128x128xf32, #tpu.memory_space<vmem>>, vector<1x1x16xf32>,
        %mul3A_981 = vector.broadcast %squeeze3A_949 : f32 to vector<16xf32>
        %mul3A_982 = arith.mulf %mul3A_981, %get3A_19 : vector<16xf32>
        %add3A_983 = arith.addf %mul3A_982, %get3A_43 : vector<16xf32>
        %swap3A_984 = arith.index_cast %select_n3A_267 : i32 to index
        %swap3A_985 = arith.index_cast %add3A_953 : i32 to index
        %swap3A_986 = arith.constant 48 : index
        %swap3A_987 = tpu.vector_load %arg12[%swap3A_984, %swap3A_985, %swap3A_986] {strides = array<i32>} : memref<4x128x128xf32, #tpu.memory_space<vmem>>, vector<1x1x16xf32>,
        %swap3A_988 = vector.shape_cast %swap3A_987 : vector<1x1x16xf32> to vector<16xf32>
        %swap3A_989 = vector.shape_cast %add3A_983 : vector<16xf32> to vector<1x1x16xf32>
        tpu.vector_store %arg12[%swap3A_984, %swap3A_985, %swap3A_986], %swap3A_989 {strides = array<i32>} : memref<4x128x128xf32, #tpu.memory_space<vmem>>, vector<1x1x16xf32>,
        %mul3A_990 = vector.broadcast %squeeze3A_949 : f32 to vector<16xf32>
        %mul3A_991 = arith.mulf %mul3A_990, %get3A_22 : vector<16xf32>
        %add3A_992 = arith.addf %mul3A_991, %get3A_46 : vector<16xf32>
        %swap3A_993 = arith.index_cast %select_n3A_267 : i32 to index
        %swap3A_994 = arith.index_cast %add3A_953 : i32 to index
        %swap3A_995 = arith.constant 64 : index
        %swap3A_996 = tpu.vector_load %arg12[%swap3A_993, %swap3A_994, %swap3A_995] {strides = array<i32>} : memref<4x128x128xf32, #tpu.memory_space<vmem>>, vector<1x1x16xf32>,
        %swap3A_997 = vector.shape_cast %swap3A_996 : vector<1x1x16xf32> to vector<16xf32>
        %swap3A_998 = vector.shape_cast %add3A_992 : vector<16xf32> to vector<1x1x16xf32>
        tpu.vector_store %arg12[%swap3A_993, %swap3A_994, %swap3A_995], %swap3A_998 {strides = array<i32>} : memref<4x128x128xf32, #tpu.memory_space<vmem>>, vector<1x1x16xf32>,
        %mul3A_999 = vector.broadcast %squeeze3A_949 : f32 to vector<16xf32>
        %mul3A_1000 = arith.mulf %mul3A_999, %get3A_25 : vector<16xf32>
        %add3A_1001 = arith.addf %mul3A_1000, %get3A_49 : vector<16xf32>
        %swap3A_1002 = arith.index_cast %select_n3A_267 : i32 to index
        %swap3A_1003 = arith.index_cast %add3A_953 : i32 to index
        %swap3A_1004 = arith.constant 80 : index
        %swap3A_1005 = tpu.vector_load %arg12[%swap3A_1002, %swap3A_1003, %swap3A_1004] {strides = array<i32>} : memref<4x128x128xf32, #tpu.memory_space<vmem>>, vector<1x1x16xf32>,
        %swap3A_1006 = vector.shape_cast %swap3A_1005 : vector<1x1x16xf32> to vector<16xf32>
        %swap3A_1007 = vector.shape_cast %add3A_1001 : vector<16xf32> to vector<1x1x16xf32>
        tpu.vector_store %arg12[%swap3A_1002, %swap3A_1003, %swap3A_1004], %swap3A_1007 {strides = array<i32>} : memref<4x128x128xf32, #tpu.memory_space<vmem>>, vector<1x1x16xf32>,
        %mul3A_1008 = vector.broadcast %squeeze3A_949 : f32 to vector<16xf32>
        %mul3A_1009 = arith.mulf %mul3A_1008, %get3A_28 : vector<16xf32>
        %add3A_1010 = arith.addf %mul3A_1009, %get3A_52 : vector<16xf32>
        %swap3A_1011 = arith.index_cast %select_n3A_267 : i32 to index
        %swap3A_1012 = arith.index_cast %add3A_953 : i32 to index
        %swap3A_1013 = arith.constant 96 : index
        %swap3A_1014 = tpu.vector_load %arg12[%swap3A_1011, %swap3A_1012, %swap3A_1013] {strides = array<i32>} : memref<4x128x128xf32, #tpu.memory_space<vmem>>, vector<1x1x16xf32>,
        %swap3A_1015 = vector.shape_cast %swap3A_1014 : vector<1x1x16xf32> to vector<16xf32>
        %swap3A_1016 = vector.shape_cast %add3A_1010 : vector<16xf32> to vector<1x1x16xf32>
        tpu.vector_store %arg12[%swap3A_1011, %swap3A_1012, %swap3A_1013], %swap3A_1016 {strides = array<i32>} : memref<4x128x128xf32, #tpu.memory_space<vmem>>, vector<1x1x16xf32>,
        %mul3A_1017 = vector.broadcast %squeeze3A_949 : f32 to vector<16xf32>
        %mul3A_1018 = arith.mulf %mul3A_1017, %get3A_31 : vector<16xf32>
        %add3A_1019 = arith.addf %mul3A_1018, %get3A_55 : vector<16xf32>
        %swap3A_1020 = arith.index_cast %select_n3A_267 : i32 to index
        %swap3A_1021 = arith.index_cast %add3A_953 : i32 to index
        %swap3A_1022 = arith.constant 112 : index
        %swap3A_1023 = tpu.vector_load %arg12[%swap3A_1020, %swap3A_1021, %swap3A_1022] {strides = array<i32>} : memref<4x128x128xf32, #tpu.memory_space<vmem>>, vector<1x1x16xf32>,
        %swap3A_1024 = vector.shape_cast %swap3A_1023 : vector<1x1x16xf32> to vector<16xf32>
        %swap3A_1025 = vector.shape_cast %add3A_1019 : vector<16xf32> to vector<1x1x16xf32>
        tpu.vector_store %arg12[%swap3A_1020, %swap3A_1021, %swap3A_1022], %swap3A_1025 {strides = array<i32>} : memref<4x128x128xf32, #tpu.memory_space<vmem>>, vector<1x1x16xf32>,
        %slice3A_1026 = vector.extract_strided_slice %get3A_326 {offsets = [9], sizes = [1], strides = [1]} : vector<16xf32> to vector<1xf32>
        %squeeze3A_1027 = vector.extract %slice3A_1026[0] : f32 from vector<1xf32>
        %mul3A_1028 = arith.constant 16 : i32
        %mul3A_1029 = arith.muli %scan3A_320, %mul3A_1028 : i32
        %add3A_1030 = arith.constant 9 : i32
        %add3A_1031 = arith.addi %mul3A_1029, %add3A_1030 : i32
        %mul3A_1032 = vector.broadcast %squeeze3A_1027 : f32 to vector<16xf32>
        %mul3A_1033 = arith.mulf %mul3A_1032, %get3A_10 : vector<16xf32>
        %add3A_1034 = arith.addf %mul3A_1033, %get3A_34 : vector<16xf32>
        %swap3A_1035 = arith.index_cast %select_n3A_267 : i32 to index
        %swap3A_1036 = arith.index_cast %add3A_1031 : i32 to index
        %swap3A_1037 = arith.constant 0 : index
        %swap3A_1038 = tpu.vector_load %arg12[%swap3A_1035, %swap3A_1036, %swap3A_1037] {strides = array<i32>} : memref<4x128x128xf32, #tpu.memory_space<vmem>>, vector<1x1x16xf32>,
        %swap3A_1039 = vector.shape_cast %swap3A_1038 : vector<1x1x16xf32> to vector<16xf32>
        %swap3A_1040 = vector.shape_cast %add3A_1034 : vector<16xf32> to vector<1x1x16xf32>
        tpu.vector_store %arg12[%swap3A_1035, %swap3A_1036, %swap3A_1037], %swap3A_1040 {strides = array<i32>} : memref<4x128x128xf32, #tpu.memory_space<vmem>>, vector<1x1x16xf32>,
        %mul3A_1041 = vector.broadcast %squeeze3A_1027 : f32 to vector<16xf32>
        %mul3A_1042 = arith.mulf %mul3A_1041, %get3A_13 : vector<16xf32>
        %add3A_1043 = arith.addf %mul3A_1042, %get3A_37 : vector<16xf32>
        %swap3A_1044 = arith.index_cast %select_n3A_267 : i32 to index
        %swap3A_1045 = arith.index_cast %add3A_1031 : i32 to index
        %swap3A_1046 = arith.constant 16 : index
        %swap3A_1047 = tpu.vector_load %arg12[%swap3A_1044, %swap3A_1045, %swap3A_1046] {strides = array<i32>} : memref<4x128x128xf32, #tpu.memory_space<vmem>>, vector<1x1x16xf32>,
        %swap3A_1048 = vector.shape_cast %swap3A_1047 : vector<1x1x16xf32> to vector<16xf32>
        %swap3A_1049 = vector.shape_cast %add3A_1043 : vector<16xf32> to vector<1x1x16xf32>
        tpu.vector_store %arg12[%swap3A_1044, %swap3A_1045, %swap3A_1046], %swap3A_1049 {strides = array<i32>} : memref<4x128x128xf32, #tpu.memory_space<vmem>>, vector<1x1x16xf32>,
        %mul3A_1050 = vector.broadcast %squeeze3A_1027 : f32 to vector<16xf32>
        %mul3A_1051 = arith.mulf %mul3A_1050, %get3A_16 : vector<16xf32>
        %add3A_1052 = arith.addf %mul3A_1051, %get3A_40 : vector<16xf32>
        %swap3A_1053 = arith.index_cast %select_n3A_267 : i32 to index
        %swap3A_1054 = arith.index_cast %add3A_1031 : i32 to index
        %swap3A_1055 = arith.constant 32 : index
        %swap3A_1056 = tpu.vector_load %arg12[%swap3A_1053, %swap3A_1054, %swap3A_1055] {strides = array<i32>} : memref<4x128x128xf32, #tpu.memory_space<vmem>>, vector<1x1x16xf32>,
        %swap3A_1057 = vector.shape_cast %swap3A_1056 : vector<1x1x16xf32> to vector<16xf32>
        %swap3A_1058 = vector.shape_cast %add3A_1052 : vector<16xf32> to vector<1x1x16xf32>
        tpu.vector_store %arg12[%swap3A_1053, %swap3A_1054, %swap3A_1055], %swap3A_1058 {strides = array<i32>} : memref<4x128x128xf32, #tpu.memory_space<vmem>>, vector<1x1x16xf32>,
        %mul3A_1059 = vector.broadcast %squeeze3A_1027 : f32 to vector<16xf32>
        %mul3A_1060 = arith.mulf %mul3A_1059, %get3A_19 : vector<16xf32>
        %add3A_1061 = arith.addf %mul3A_1060, %get3A_43 : vector<16xf32>
        %swap3A_1062 = arith.index_cast %select_n3A_267 : i32 to index
        %swap3A_1063 = arith.index_cast %add3A_1031 : i32 to index
        %swap3A_1064 = arith.constant 48 : index
        %swap3A_1065 = tpu.vector_load %arg12[%swap3A_1062, %swap3A_1063, %swap3A_1064] {strides = array<i32>} : memref<4x128x128xf32, #tpu.memory_space<vmem>>, vector<1x1x16xf32>,
        %swap3A_1066 = vector.shape_cast %swap3A_1065 : vector<1x1x16xf32> to vector<16xf32>
        %swap3A_1067 = vector.shape_cast %add3A_1061 : vector<16xf32> to vector<1x1x16xf32>
        tpu.vector_store %arg12[%swap3A_1062, %swap3A_1063, %swap3A_1064], %swap3A_1067 {strides = array<i32>} : memref<4x128x128xf32, #tpu.memory_space<vmem>>, vector<1x1x16xf32>,
        %mul3A_1068 = vector.broadcast %squeeze3A_1027 : f32 to vector<16xf32>
        %mul3A_1069 = arith.mulf %mul3A_1068, %get3A_22 : vector<16xf32>
        %add3A_1070 = arith.addf %mul3A_1069, %get3A_46 : vector<16xf32>
        %swap3A_1071 = arith.index_cast %select_n3A_267 : i32 to index
        %swap3A_1072 = arith.index_cast %add3A_1031 : i32 to index
        %swap3A_1073 = arith.constant 64 : index
        %swap3A_1074 = tpu.vector_load %arg12[%swap3A_1071, %swap3A_1072, %swap3A_1073] {strides = array<i32>} : memref<4x128x128xf32, #tpu.memory_space<vmem>>, vector<1x1x16xf32>,
        %swap3A_1075 = vector.shape_cast %swap3A_1074 : vector<1x1x16xf32> to vector<16xf32>
        %swap3A_1076 = vector.shape_cast %add3A_1070 : vector<16xf32> to vector<1x1x16xf32>
        tpu.vector_store %arg12[%swap3A_1071, %swap3A_1072, %swap3A_1073], %swap3A_1076 {strides = array<i32>} : memref<4x128x128xf32, #tpu.memory_space<vmem>>, vector<1x1x16xf32>,
        %mul3A_1077 = vector.broadcast %squeeze3A_1027 : f32 to vector<16xf32>
        %mul3A_1078 = arith.mulf %mul3A_1077, %get3A_25 : vector<16xf32>
        %add3A_1079 = arith.addf %mul3A_1078, %get3A_49 : vector<16xf32>
        %swap3A_1080 = arith.index_cast %select_n3A_267 : i32 to index
        %swap3A_1081 = arith.index_cast %add3A_1031 : i32 to index
        %swap3A_1082 = arith.constant 80 : index
        %swap3A_1083 = tpu.vector_load %arg12[%swap3A_1080, %swap3A_1081, %swap3A_1082] {strides = array<i32>} : memref<4x128x128xf32, #tpu.memory_space<vmem>>, vector<1x1x16xf32>,
        %swap3A_1084 = vector.shape_cast %swap3A_1083 : vector<1x1x16xf32> to vector<16xf32>
        %swap3A_1085 = vector.shape_cast %add3A_1079 : vector<16xf32> to vector<1x1x16xf32>
        tpu.vector_store %arg12[%swap3A_1080, %swap3A_1081, %swap3A_1082], %swap3A_1085 {strides = array<i32>} : memref<4x128x128xf32, #tpu.memory_space<vmem>>, vector<1x1x16xf32>,
        %mul3A_1086 = vector.broadcast %squeeze3A_1027 : f32 to vector<16xf32>
        %mul3A_1087 = arith.mulf %mul3A_1086, %get3A_28 : vector<16xf32>
        %add3A_1088 = arith.addf %mul3A_1087, %get3A_52 : vector<16xf32>
        %swap3A_1089 = arith.index_cast %select_n3A_267 : i32 to index
        %swap3A_1090 = arith.index_cast %add3A_1031 : i32 to index
        %swap3A_1091 = arith.constant 96 : index
        %swap3A_1092 = tpu.vector_load %arg12[%swap3A_1089, %swap3A_1090, %swap3A_1091] {strides = array<i32>} : memref<4x128x128xf32, #tpu.memory_space<vmem>>, vector<1x1x16xf32>,
        %swap3A_1093 = vector.shape_cast %swap3A_1092 : vector<1x1x16xf32> to vector<16xf32>
        %swap3A_1094 = vector.shape_cast %add3A_1088 : vector<16xf32> to vector<1x1x16xf32>
        tpu.vector_store %arg12[%swap3A_1089, %swap3A_1090, %swap3A_1091], %swap3A_1094 {strides = array<i32>} : memref<4x128x128xf32, #tpu.memory_space<vmem>>, vector<1x1x16xf32>,
        %mul3A_1095 = vector.broadcast %squeeze3A_1027 : f32 to vector<16xf32>
        %mul3A_1096 = arith.mulf %mul3A_1095, %get3A_31 : vector<16xf32>
        %add3A_1097 = arith.addf %mul3A_1096, %get3A_55 : vector<16xf32>
        %swap3A_1098 = arith.index_cast %select_n3A_267 : i32 to index
        %swap3A_1099 = arith.index_cast %add3A_1031 : i32 to index
        %swap3A_1100 = arith.constant 112 : index
        %swap3A_1101 = tpu.vector_load %arg12[%swap3A_1098, %swap3A_1099, %swap3A_1100] {strides = array<i32>} : memref<4x128x128xf32, #tpu.memory_space<vmem>>, vector<1x1x16xf32>,
        %swap3A_1102 = vector.shape_cast %swap3A_1101 : vector<1x1x16xf32> to vector<16xf32>
        %swap3A_1103 = vector.shape_cast %add3A_1097 : vector<16xf32> to vector<1x1x16xf32>
        tpu.vector_store %arg12[%swap3A_1098, %swap3A_1099, %swap3A_1100], %swap3A_1103 {strides = array<i32>} : memref<4x128x128xf32, #tpu.memory_space<vmem>>, vector<1x1x16xf32>,
        %slice3A_1104 = vector.extract_strided_slice %get3A_326 {offsets = [10], sizes = [1], strides = [1]} : vector<16xf32> to vector<1xf32>
        %squeeze3A_1105 = vector.extract %slice3A_1104[0] : f32 from vector<1xf32>
        %mul3A_1106 = arith.constant 16 : i32
        %mul3A_1107 = arith.muli %scan3A_320, %mul3A_1106 : i32
        %add3A_1108 = arith.constant 10 : i32
        %add3A_1109 = arith.addi %mul3A_1107, %add3A_1108 : i32
        %mul3A_1110 = vector.broadcast %squeeze3A_1105 : f32 to vector<16xf32>
        %mul3A_1111 = arith.mulf %mul3A_1110, %get3A_10 : vector<16xf32>
        %add3A_1112 = arith.addf %mul3A_1111, %get3A_34 : vector<16xf32>
        %swap3A_1113 = arith.index_cast %select_n3A_267 : i32 to index
        %swap3A_1114 = arith.index_cast %add3A_1109 : i32 to index
        %swap3A_1115 = arith.constant 0 : index
        %swap3A_1116 = tpu.vector_load %arg12[%swap3A_1113, %swap3A_1114, %swap3A_1115] {strides = array<i32>} : memref<4x128x128xf32, #tpu.memory_space<vmem>>, vector<1x1x16xf32>,
        %swap3A_1117 = vector.shape_cast %swap3A_1116 : vector<1x1x16xf32> to vector<16xf32>
        %swap3A_1118 = vector.shape_cast %add3A_1112 : vector<16xf32> to vector<1x1x16xf32>
        tpu.vector_store %arg12[%swap3A_1113, %swap3A_1114, %swap3A_1115], %swap3A_1118 {strides = array<i32>} : memref<4x128x128xf32, #tpu.memory_space<vmem>>, vector<1x1x16xf32>,
        %mul3A_1119 = vector.broadcast %squeeze3A_1105 : f32 to vector<16xf32>
        %mul3A_1120 = arith.mulf %mul3A_1119, %get3A_13 : vector<16xf32>
        %add3A_1121 = arith.addf %mul3A_1120, %get3A_37 : vector<16xf32>
        %swap3A_1122 = arith.index_cast %select_n3A_267 : i32 to index
        %swap3A_1123 = arith.index_cast %add3A_1109 : i32 to index
        %swap3A_1124 = arith.constant 16 : index
        %swap3A_1125 = tpu.vector_load %arg12[%swap3A_1122, %swap3A_1123, %swap3A_1124] {strides = array<i32>} : memref<4x128x128xf32, #tpu.memory_space<vmem>>, vector<1x1x16xf32>,
        %swap3A_1126 = vector.shape_cast %swap3A_1125 : vector<1x1x16xf32> to vector<16xf32>
        %swap3A_1127 = vector.shape_cast %add3A_1121 : vector<16xf32> to vector<1x1x16xf32>
        tpu.vector_store %arg12[%swap3A_1122, %swap3A_1123, %swap3A_1124], %swap3A_1127 {strides = array<i32>} : memref<4x128x128xf32, #tpu.memory_space<vmem>>, vector<1x1x16xf32>,
        %mul3A_1128 = vector.broadcast %squeeze3A_1105 : f32 to vector<16xf32>
        %mul3A_1129 = arith.mulf %mul3A_1128, %get3A_16 : vector<16xf32>
        %add3A_1130 = arith.addf %mul3A_1129, %get3A_40 : vector<16xf32>
        %swap3A_1131 = arith.index_cast %select_n3A_267 : i32 to index
        %swap3A_1132 = arith.index_cast %add3A_1109 : i32 to index
        %swap3A_1133 = arith.constant 32 : index
        %swap3A_1134 = tpu.vector_load %arg12[%swap3A_1131, %swap3A_1132, %swap3A_1133] {strides = array<i32>} : memref<4x128x128xf32, #tpu.memory_space<vmem>>, vector<1x1x16xf32>,
        %swap3A_1135 = vector.shape_cast %swap3A_1134 : vector<1x1x16xf32> to vector<16xf32>
        %swap3A_1136 = vector.shape_cast %add3A_1130 : vector<16xf32> to vector<1x1x16xf32>
        tpu.vector_store %arg12[%swap3A_1131, %swap3A_1132, %swap3A_1133], %swap3A_1136 {strides = array<i32>} : memref<4x128x128xf32, #tpu.memory_space<vmem>>, vector<1x1x16xf32>,
        %mul3A_1137 = vector.broadcast %squeeze3A_1105 : f32 to vector<16xf32>
        %mul3A_1138 = arith.mulf %mul3A_1137, %get3A_19 : vector<16xf32>
        %add3A_1139 = arith.addf %mul3A_1138, %get3A_43 : vector<16xf32>
        %swap3A_1140 = arith.index_cast %select_n3A_267 : i32 to index
        %swap3A_1141 = arith.index_cast %add3A_1109 : i32 to index
        %swap3A_1142 = arith.constant 48 : index
        %swap3A_1143 = tpu.vector_load %arg12[%swap3A_1140, %swap3A_1141, %swap3A_1142] {strides = array<i32>} : memref<4x128x128xf32, #tpu.memory_space<vmem>>, vector<1x1x16xf32>,
        %swap3A_1144 = vector.shape_cast %swap3A_1143 : vector<1x1x16xf32> to vector<16xf32>
        %swap3A_1145 = vector.shape_cast %add3A_1139 : vector<16xf32> to vector<1x1x16xf32>
        tpu.vector_store %arg12[%swap3A_1140, %swap3A_1141, %swap3A_1142], %swap3A_1145 {strides = array<i32>} : memref<4x128x128xf32, #tpu.memory_space<vmem>>, vector<1x1x16xf32>,
        %mul3A_1146 = vector.broadcast %squeeze3A_1105 : f32 to vector<16xf32>
        %mul3A_1147 = arith.mulf %mul3A_1146, %get3A_22 : vector<16xf32>
        %add3A_1148 = arith.addf %mul3A_1147, %get3A_46 : vector<16xf32>
        %swap3A_1149 = arith.index_cast %select_n3A_267 : i32 to index
        %swap3A_1150 = arith.index_cast %add3A_1109 : i32 to index
        %swap3A_1151 = arith.constant 64 : index
        %swap3A_1152 = tpu.vector_load %arg12[%swap3A_1149, %swap3A_1150, %swap3A_1151] {strides = array<i32>} : memref<4x128x128xf32, #tpu.memory_space<vmem>>, vector<1x1x16xf32>,
        %swap3A_1153 = vector.shape_cast %swap3A_1152 : vector<1x1x16xf32> to vector<16xf32>
        %swap3A_1154 = vector.shape_cast %add3A_1148 : vector<16xf32> to vector<1x1x16xf32>
        tpu.vector_store %arg12[%swap3A_1149, %swap3A_1150, %swap3A_1151], %swap3A_1154 {strides = array<i32>} : memref<4x128x128xf32, #tpu.memory_space<vmem>>, vector<1x1x16xf32>,
        %mul3A_1155 = vector.broadcast %squeeze3A_1105 : f32 to vector<16xf32>
        %mul3A_1156 = arith.mulf %mul3A_1155, %get3A_25 : vector<16xf32>
        %add3A_1157 = arith.addf %mul3A_1156, %get3A_49 : vector<16xf32>
        %swap3A_1158 = arith.index_cast %select_n3A_267 : i32 to index
        %swap3A_1159 = arith.index_cast %add3A_1109 : i32 to index
        %swap3A_1160 = arith.constant 80 : index
        %swap3A_1161 = tpu.vector_load %arg12[%swap3A_1158, %swap3A_1159, %swap3A_1160] {strides = array<i32>} : memref<4x128x128xf32, #tpu.memory_space<vmem>>, vector<1x1x16xf32>,
        %swap3A_1162 = vector.shape_cast %swap3A_1161 : vector<1x1x16xf32> to vector<16xf32>
        %swap3A_1163 = vector.shape_cast %add3A_1157 : vector<16xf32> to vector<1x1x16xf32>
        tpu.vector_store %arg12[%swap3A_1158, %swap3A_1159, %swap3A_1160], %swap3A_1163 {strides = array<i32>} : memref<4x128x128xf32, #tpu.memory_space<vmem>>, vector<1x1x16xf32>,
        %mul3A_1164 = vector.broadcast %squeeze3A_1105 : f32 to vector<16xf32>
        %mul3A_1165 = arith.mulf %mul3A_1164, %get3A_28 : vector<16xf32>
        %add3A_1166 = arith.addf %mul3A_1165, %get3A_52 : vector<16xf32>
        %swap3A_1167 = arith.index_cast %select_n3A_267 : i32 to index
        %swap3A_1168 = arith.index_cast %add3A_1109 : i32 to index
        %swap3A_1169 = arith.constant 96 : index
        %swap3A_1170 = tpu.vector_load %arg12[%swap3A_1167, %swap3A_1168, %swap3A_1169] {strides = array<i32>} : memref<4x128x128xf32, #tpu.memory_space<vmem>>, vector<1x1x16xf32>,
        %swap3A_1171 = vector.shape_cast %swap3A_1170 : vector<1x1x16xf32> to vector<16xf32>
        %swap3A_1172 = vector.shape_cast %add3A_1166 : vector<16xf32> to vector<1x1x16xf32>
        tpu.vector_store %arg12[%swap3A_1167, %swap3A_1168, %swap3A_1169], %swap3A_1172 {strides = array<i32>} : memref<4x128x128xf32, #tpu.memory_space<vmem>>, vector<1x1x16xf32>,
        %mul3A_1173 = vector.broadcast %squeeze3A_1105 : f32 to vector<16xf32>
        %mul3A_1174 = arith.mulf %mul3A_1173, %get3A_31 : vector<16xf32>
        %add3A_1175 = arith.addf %mul3A_1174, %get3A_55 : vector<16xf32>
        %swap3A_1176 = arith.index_cast %select_n3A_267 : i32 to index
        %swap3A_1177 = arith.index_cast %add3A_1109 : i32 to index
        %swap3A_1178 = arith.constant 112 : index
        %swap3A_1179 = tpu.vector_load %arg12[%swap3A_1176, %swap3A_1177, %swap3A_1178] {strides = array<i32>} : memref<4x128x128xf32, #tpu.memory_space<vmem>>, vector<1x1x16xf32>,
        %swap3A_1180 = vector.shape_cast %swap3A_1179 : vector<1x1x16xf32> to vector<16xf32>
        %swap3A_1181 = vector.shape_cast %add3A_1175 : vector<16xf32> to vector<1x1x16xf32>
        tpu.vector_store %arg12[%swap3A_1176, %swap3A_1177, %swap3A_1178], %swap3A_1181 {strides = array<i32>} : memref<4x128x128xf32, #tpu.memory_space<vmem>>, vector<1x1x16xf32>,
        %slice3A_1182 = vector.extract_strided_slice %get3A_326 {offsets = [11], sizes = [1], strides = [1]} : vector<16xf32> to vector<1xf32>
        %squeeze3A_1183 = vector.extract %slice3A_1182[0] : f32 from vector<1xf32>
        %mul3A_1184 = arith.constant 16 : i32
        %mul3A_1185 = arith.muli %scan3A_320, %mul3A_1184 : i32
        %add3A_1186 = arith.constant 11 : i32
        %add3A_1187 = arith.addi %mul3A_1185, %add3A_1186 : i32
        %mul3A_1188 = vector.broadcast %squeeze3A_1183 : f32 to vector<16xf32>
        %mul3A_1189 = arith.mulf %mul3A_1188, %get3A_10 : vector<16xf32>
        %add3A_1190 = arith.addf %mul3A_1189, %get3A_34 : vector<16xf32>
        %swap3A_1191 = arith.index_cast %select_n3A_267 : i32 to index
        %swap3A_1192 = arith.index_cast %add3A_1187 : i32 to index
        %swap3A_1193 = arith.constant 0 : index
        %swap3A_1194 = tpu.vector_load %arg12[%swap3A_1191, %swap3A_1192, %swap3A_1193] {strides = array<i32>} : memref<4x128x128xf32, #tpu.memory_space<vmem>>, vector<1x1x16xf32>,
        %swap3A_1195 = vector.shape_cast %swap3A_1194 : vector<1x1x16xf32> to vector<16xf32>
        %swap3A_1196 = vector.shape_cast %add3A_1190 : vector<16xf32> to vector<1x1x16xf32>
        tpu.vector_store %arg12[%swap3A_1191, %swap3A_1192, %swap3A_1193], %swap3A_1196 {strides = array<i32>} : memref<4x128x128xf32, #tpu.memory_space<vmem>>, vector<1x1x16xf32>,
        %mul3A_1197 = vector.broadcast %squeeze3A_1183 : f32 to vector<16xf32>
        %mul3A_1198 = arith.mulf %mul3A_1197, %get3A_13 : vector<16xf32>
        %add3A_1199 = arith.addf %mul3A_1198, %get3A_37 : vector<16xf32>
        %swap3A_1200 = arith.index_cast %select_n3A_267 : i32 to index
        %swap3A_1201 = arith.index_cast %add3A_1187 : i32 to index
        %swap3A_1202 = arith.constant 16 : index
        %swap3A_1203 = tpu.vector_load %arg12[%swap3A_1200, %swap3A_1201, %swap3A_1202] {strides = array<i32>} : memref<4x128x128xf32, #tpu.memory_space<vmem>>, vector<1x1x16xf32>,
        %swap3A_1204 = vector.shape_cast %swap3A_1203 : vector<1x1x16xf32> to vector<16xf32>
        %swap3A_1205 = vector.shape_cast %add3A_1199 : vector<16xf32> to vector<1x1x16xf32>
        tpu.vector_store %arg12[%swap3A_1200, %swap3A_1201, %swap3A_1202], %swap3A_1205 {strides = array<i32>} : memref<4x128x128xf32, #tpu.memory_space<vmem>>, vector<1x1x16xf32>,
        %mul3A_1206 = vector.broadcast %squeeze3A_1183 : f32 to vector<16xf32>
        %mul3A_1207 = arith.mulf %mul3A_1206, %get3A_16 : vector<16xf32>
        %add3A_1208 = arith.addf %mul3A_1207, %get3A_40 : vector<16xf32>
        %swap3A_1209 = arith.index_cast %select_n3A_267 : i32 to index
        %swap3A_1210 = arith.index_cast %add3A_1187 : i32 to index
        %swap3A_1211 = arith.constant 32 : index
        %swap3A_1212 = tpu.vector_load %arg12[%swap3A_1209, %swap3A_1210, %swap3A_1211] {strides = array<i32>} : memref<4x128x128xf32, #tpu.memory_space<vmem>>, vector<1x1x16xf32>,
        %swap3A_1213 = vector.shape_cast %swap3A_1212 : vector<1x1x16xf32> to vector<16xf32>
        %swap3A_1214 = vector.shape_cast %add3A_1208 : vector<16xf32> to vector<1x1x16xf32>
        tpu.vector_store %arg12[%swap3A_1209, %swap3A_1210, %swap3A_1211], %swap3A_1214 {strides = array<i32>} : memref<4x128x128xf32, #tpu.memory_space<vmem>>, vector<1x1x16xf32>,
        %mul3A_1215 = vector.broadcast %squeeze3A_1183 : f32 to vector<16xf32>
        %mul3A_1216 = arith.mulf %mul3A_1215, %get3A_19 : vector<16xf32>
        %add3A_1217 = arith.addf %mul3A_1216, %get3A_43 : vector<16xf32>
        %swap3A_1218 = arith.index_cast %select_n3A_267 : i32 to index
        %swap3A_1219 = arith.index_cast %add3A_1187 : i32 to index
        %swap3A_1220 = arith.constant 48 : index
        %swap3A_1221 = tpu.vector_load %arg12[%swap3A_1218, %swap3A_1219, %swap3A_1220] {strides = array<i32>} : memref<4x128x128xf32, #tpu.memory_space<vmem>>, vector<1x1x16xf32>,
        %swap3A_1222 = vector.shape_cast %swap3A_1221 : vector<1x1x16xf32> to vector<16xf32>
        %swap3A_1223 = vector.shape_cast %add3A_1217 : vector<16xf32> to vector<1x1x16xf32>
        tpu.vector_store %arg12[%swap3A_1218, %swap3A_1219, %swap3A_1220], %swap3A_1223 {strides = array<i32>} : memref<4x128x128xf32, #tpu.memory_space<vmem>>, vector<1x1x16xf32>,
        %mul3A_1224 = vector.broadcast %squeeze3A_1183 : f32 to vector<16xf32>
        %mul3A_1225 = arith.mulf %mul3A_1224, %get3A_22 : vector<16xf32>
        %add3A_1226 = arith.addf %mul3A_1225, %get3A_46 : vector<16xf32>
        %swap3A_1227 = arith.index_cast %select_n3A_267 : i32 to index
        %swap3A_1228 = arith.index_cast %add3A_1187 : i32 to index
        %swap3A_1229 = arith.constant 64 : index
        %swap3A_1230 = tpu.vector_load %arg12[%swap3A_1227, %swap3A_1228, %swap3A_1229] {strides = array<i32>} : memref<4x128x128xf32, #tpu.memory_space<vmem>>, vector<1x1x16xf32>,
        %swap3A_1231 = vector.shape_cast %swap3A_1230 : vector<1x1x16xf32> to vector<16xf32>
        %swap3A_1232 = vector.shape_cast %add3A_1226 : vector<16xf32> to vector<1x1x16xf32>
        tpu.vector_store %arg12[%swap3A_1227, %swap3A_1228, %swap3A_1229], %swap3A_1232 {strides = array<i32>} : memref<4x128x128xf32, #tpu.memory_space<vmem>>, vector<1x1x16xf32>,
        %mul3A_1233 = vector.broadcast %squeeze3A_1183 : f32 to vector<16xf32>
        %mul3A_1234 = arith.mulf %mul3A_1233, %get3A_25 : vector<16xf32>
        %add3A_1235 = arith.addf %mul3A_1234, %get3A_49 : vector<16xf32>
        %swap3A_1236 = arith.index_cast %select_n3A_267 : i32 to index
        %swap3A_1237 = arith.index_cast %add3A_1187 : i32 to index
        %swap3A_1238 = arith.constant 80 : index
        %swap3A_1239 = tpu.vector_load %arg12[%swap3A_1236, %swap3A_1237, %swap3A_1238] {strides = array<i32>} : memref<4x128x128xf32, #tpu.memory_space<vmem>>, vector<1x1x16xf32>,
        %swap3A_1240 = vector.shape_cast %swap3A_1239 : vector<1x1x16xf32> to vector<16xf32>
        %swap3A_1241 = vector.shape_cast %add3A_1235 : vector<16xf32> to vector<1x1x16xf32>
        tpu.vector_store %arg12[%swap3A_1236, %swap3A_1237, %swap3A_1238], %swap3A_1241 {strides = array<i32>} : memref<4x128x128xf32, #tpu.memory_space<vmem>>, vector<1x1x16xf32>,
        %mul3A_1242 = vector.broadcast %squeeze3A_1183 : f32 to vector<16xf32>
        %mul3A_1243 = arith.mulf %mul3A_1242, %get3A_28 : vector<16xf32>
        %add3A_1244 = arith.addf %mul3A_1243, %get3A_52 : vector<16xf32>
        %swap3A_1245 = arith.index_cast %select_n3A_267 : i32 to index
        %swap3A_1246 = arith.index_cast %add3A_1187 : i32 to index
        %swap3A_1247 = arith.constant 96 : index
        %swap3A_1248 = tpu.vector_load %arg12[%swap3A_1245, %swap3A_1246, %swap3A_1247] {strides = array<i32>} : memref<4x128x128xf32, #tpu.memory_space<vmem>>, vector<1x1x16xf32>,
        %swap3A_1249 = vector.shape_cast %swap3A_1248 : vector<1x1x16xf32> to vector<16xf32>
        %swap3A_1250 = vector.shape_cast %add3A_1244 : vector<16xf32> to vector<1x1x16xf32>
        tpu.vector_store %arg12[%swap3A_1245, %swap3A_1246, %swap3A_1247], %swap3A_1250 {strides = array<i32>} : memref<4x128x128xf32, #tpu.memory_space<vmem>>, vector<1x1x16xf32>,
        %mul3A_1251 = vector.broadcast %squeeze3A_1183 : f32 to vector<16xf32>
        %mul3A_1252 = arith.mulf %mul3A_1251, %get3A_31 : vector<16xf32>
        %add3A_1253 = arith.addf %mul3A_1252, %get3A_55 : vector<16xf32>
        %swap3A_1254 = arith.index_cast %select_n3A_267 : i32 to index
        %swap3A_1255 = arith.index_cast %add3A_1187 : i32 to index
        %swap3A_1256 = arith.constant 112 : index
        %swap3A_1257 = tpu.vector_load %arg12[%swap3A_1254, %swap3A_1255, %swap3A_1256] {strides = array<i32>} : memref<4x128x128xf32, #tpu.memory_space<vmem>>, vector<1x1x16xf32>,
        %swap3A_1258 = vector.shape_cast %swap3A_1257 : vector<1x1x16xf32> to vector<16xf32>
        %swap3A_1259 = vector.shape_cast %add3A_1253 : vector<16xf32> to vector<1x1x16xf32>
        tpu.vector_store %arg12[%swap3A_1254, %swap3A_1255, %swap3A_1256], %swap3A_1259 {strides = array<i32>} : memref<4x128x128xf32, #tpu.memory_space<vmem>>, vector<1x1x16xf32>,
        %slice3A_1260 = vector.extract_strided_slice %get3A_326 {offsets = [12], sizes = [1], strides = [1]} : vector<16xf32> to vector<1xf32>
        %squeeze3A_1261 = vector.extract %slice3A_1260[0] : f32 from vector<1xf32>
        %mul3A_1262 = arith.constant 16 : i32
        %mul3A_1263 = arith.muli %scan3A_320, %mul3A_1262 : i32
        %add3A_1264 = arith.constant 12 : i32
        %add3A_1265 = arith.addi %mul3A_1263, %add3A_1264 : i32
        %mul3A_1266 = vector.broadcast %squeeze3A_1261 : f32 to vector<16xf32>
        %mul3A_1267 = arith.mulf %mul3A_1266, %get3A_10 : vector<16xf32>
        %add3A_1268 = arith.addf %mul3A_1267, %get3A_34 : vector<16xf32>
        %swap3A_1269 = arith.index_cast %select_n3A_267 : i32 to index
        %swap3A_1270 = arith.index_cast %add3A_1265 : i32 to index
        %swap3A_1271 = arith.constant 0 : index
        %swap3A_1272 = tpu.vector_load %arg12[%swap3A_1269, %swap3A_1270, %swap3A_1271] {strides = array<i32>} : memref<4x128x128xf32, #tpu.memory_space<vmem>>, vector<1x1x16xf32>,
        %swap3A_1273 = vector.shape_cast %swap3A_1272 : vector<1x1x16xf32> to vector<16xf32>
        %swap3A_1274 = vector.shape_cast %add3A_1268 : vector<16xf32> to vector<1x1x16xf32>
        tpu.vector_store %arg12[%swap3A_1269, %swap3A_1270, %swap3A_1271], %swap3A_1274 {strides = array<i32>} : memref<4x128x128xf32, #tpu.memory_space<vmem>>, vector<1x1x16xf32>,
        %mul3A_1275 = vector.broadcast %squeeze3A_1261 : f32 to vector<16xf32>
        %mul3A_1276 = arith.mulf %mul3A_1275, %get3A_13 : vector<16xf32>
        %add3A_1277 = arith.addf %mul3A_1276, %get3A_37 : vector<16xf32>
        %swap3A_1278 = arith.index_cast %select_n3A_267 : i32 to index
        %swap3A_1279 = arith.index_cast %add3A_1265 : i32 to index
        %swap3A_1280 = arith.constant 16 : index
        %swap3A_1281 = tpu.vector_load %arg12[%swap3A_1278, %swap3A_1279, %swap3A_1280] {strides = array<i32>} : memref<4x128x128xf32, #tpu.memory_space<vmem>>, vector<1x1x16xf32>,
        %swap3A_1282 = vector.shape_cast %swap3A_1281 : vector<1x1x16xf32> to vector<16xf32>
        %swap3A_1283 = vector.shape_cast %add3A_1277 : vector<16xf32> to vector<1x1x16xf32>
        tpu.vector_store %arg12[%swap3A_1278, %swap3A_1279, %swap3A_1280], %swap3A_1283 {strides = array<i32>} : memref<4x128x128xf32, #tpu.memory_space<vmem>>, vector<1x1x16xf32>,
        %mul3A_1284 = vector.broadcast %squeeze3A_1261 : f32 to vector<16xf32>
        %mul3A_1285 = arith.mulf %mul3A_1284, %get3A_16 : vector<16xf32>
        %add3A_1286 = arith.addf %mul3A_1285, %get3A_40 : vector<16xf32>
        %swap3A_1287 = arith.index_cast %select_n3A_267 : i32 to index
        %swap3A_1288 = arith.index_cast %add3A_1265 : i32 to index
        %swap3A_1289 = arith.constant 32 : index
        %swap3A_1290 = tpu.vector_load %arg12[%swap3A_1287, %swap3A_1288, %swap3A_1289] {strides = array<i32>} : memref<4x128x128xf32, #tpu.memory_space<vmem>>, vector<1x1x16xf32>,
        %swap3A_1291 = vector.shape_cast %swap3A_1290 : vector<1x1x16xf32> to vector<16xf32>
        %swap3A_1292 = vector.shape_cast %add3A_1286 : vector<16xf32> to vector<1x1x16xf32>
        tpu.vector_store %arg12[%swap3A_1287, %swap3A_1288, %swap3A_1289], %swap3A_1292 {strides = array<i32>} : memref<4x128x128xf32, #tpu.memory_space<vmem>>, vector<1x1x16xf32>,
        %mul3A_1293 = vector.broadcast %squeeze3A_1261 : f32 to vector<16xf32>
        %mul3A_1294 = arith.mulf %mul3A_1293, %get3A_19 : vector<16xf32>
        %add3A_1295 = arith.addf %mul3A_1294, %get3A_43 : vector<16xf32>
        %swap3A_1296 = arith.index_cast %select_n3A_267 : i32 to index
        %swap3A_1297 = arith.index_cast %add3A_1265 : i32 to index
        %swap3A_1298 = arith.constant 48 : index
        %swap3A_1299 = tpu.vector_load %arg12[%swap3A_1296, %swap3A_1297, %swap3A_1298] {strides = array<i32>} : memref<4x128x128xf32, #tpu.memory_space<vmem>>, vector<1x1x16xf32>,
        %swap3A_1300 = vector.shape_cast %swap3A_1299 : vector<1x1x16xf32> to vector<16xf32>
        %swap3A_1301 = vector.shape_cast %add3A_1295 : vector<16xf32> to vector<1x1x16xf32>
        tpu.vector_store %arg12[%swap3A_1296, %swap3A_1297, %swap3A_1298], %swap3A_1301 {strides = array<i32>} : memref<4x128x128xf32, #tpu.memory_space<vmem>>, vector<1x1x16xf32>,
        %mul3A_1302 = vector.broadcast %squeeze3A_1261 : f32 to vector<16xf32>
        %mul3A_1303 = arith.mulf %mul3A_1302, %get3A_22 : vector<16xf32>
        %add3A_1304 = arith.addf %mul3A_1303, %get3A_46 : vector<16xf32>
        %swap3A_1305 = arith.index_cast %select_n3A_267 : i32 to index
        %swap3A_1306 = arith.index_cast %add3A_1265 : i32 to index
        %swap3A_1307 = arith.constant 64 : index
        %swap3A_1308 = tpu.vector_load %arg12[%swap3A_1305, %swap3A_1306, %swap3A_1307] {strides = array<i32>} : memref<4x128x128xf32, #tpu.memory_space<vmem>>, vector<1x1x16xf32>,
        %swap3A_1309 = vector.shape_cast %swap3A_1308 : vector<1x1x16xf32> to vector<16xf32>
        %swap3A_1310 = vector.shape_cast %add3A_1304 : vector<16xf32> to vector<1x1x16xf32>
        tpu.vector_store %arg12[%swap3A_1305, %swap3A_1306, %swap3A_1307], %swap3A_1310 {strides = array<i32>} : memref<4x128x128xf32, #tpu.memory_space<vmem>>, vector<1x1x16xf32>,
        %mul3A_1311 = vector.broadcast %squeeze3A_1261 : f32 to vector<16xf32>
        %mul3A_1312 = arith.mulf %mul3A_1311, %get3A_25 : vector<16xf32>
        %add3A_1313 = arith.addf %mul3A_1312, %get3A_49 : vector<16xf32>
        %swap3A_1314 = arith.index_cast %select_n3A_267 : i32 to index
        %swap3A_1315 = arith.index_cast %add3A_1265 : i32 to index
        %swap3A_1316 = arith.constant 80 : index
        %swap3A_1317 = tpu.vector_load %arg12[%swap3A_1314, %swap3A_1315, %swap3A_1316] {strides = array<i32>} : memref<4x128x128xf32, #tpu.memory_space<vmem>>, vector<1x1x16xf32>,
        %swap3A_1318 = vector.shape_cast %swap3A_1317 : vector<1x1x16xf32> to vector<16xf32>
        %swap3A_1319 = vector.shape_cast %add3A_1313 : vector<16xf32> to vector<1x1x16xf32>
        tpu.vector_store %arg12[%swap3A_1314, %swap3A_1315, %swap3A_1316], %swap3A_1319 {strides = array<i32>} : memref<4x128x128xf32, #tpu.memory_space<vmem>>, vector<1x1x16xf32>,
        %mul3A_1320 = vector.broadcast %squeeze3A_1261 : f32 to vector<16xf32>
        %mul3A_1321 = arith.mulf %mul3A_1320, %get3A_28 : vector<16xf32>
        %add3A_1322 = arith.addf %mul3A_1321, %get3A_52 : vector<16xf32>
        %swap3A_1323 = arith.index_cast %select_n3A_267 : i32 to index
        %swap3A_1324 = arith.index_cast %add3A_1265 : i32 to index
        %swap3A_1325 = arith.constant 96 : index
        %swap3A_1326 = tpu.vector_load %arg12[%swap3A_1323, %swap3A_1324, %swap3A_1325] {strides = array<i32>} : memref<4x128x128xf32, #tpu.memory_space<vmem>>, vector<1x1x16xf32>,
        %swap3A_1327 = vector.shape_cast %swap3A_1326 : vector<1x1x16xf32> to vector<16xf32>
        %swap3A_1328 = vector.shape_cast %add3A_1322 : vector<16xf32> to vector<1x1x16xf32>
        tpu.vector_store %arg12[%swap3A_1323, %swap3A_1324, %swap3A_1325], %swap3A_1328 {strides = array<i32>} : memref<4x128x128xf32, #tpu.memory_space<vmem>>, vector<1x1x16xf32>,
        %mul3A_1329 = vector.broadcast %squeeze3A_1261 : f32 to vector<16xf32>
        %mul3A_1330 = arith.mulf %mul3A_1329, %get3A_31 : vector<16xf32>
        %add3A_1331 = arith.addf %mul3A_1330, %get3A_55 : vector<16xf32>
        %swap3A_1332 = arith.index_cast %select_n3A_267 : i32 to index
        %swap3A_1333 = arith.index_cast %add3A_1265 : i32 to index
        %swap3A_1334 = arith.constant 112 : index
        %swap3A_1335 = tpu.vector_load %arg12[%swap3A_1332, %swap3A_1333, %swap3A_1334] {strides = array<i32>} : memref<4x128x128xf32, #tpu.memory_space<vmem>>, vector<1x1x16xf32>,
        %swap3A_1336 = vector.shape_cast %swap3A_1335 : vector<1x1x16xf32> to vector<16xf32>
        %swap3A_1337 = vector.shape_cast %add3A_1331 : vector<16xf32> to vector<1x1x16xf32>
        tpu.vector_store %arg12[%swap3A_1332, %swap3A_1333, %swap3A_1334], %swap3A_1337 {strides = array<i32>} : memref<4x128x128xf32, #tpu.memory_space<vmem>>, vector<1x1x16xf32>,
        %slice3A_1338 = vector.extract_strided_slice %get3A_326 {offsets = [13], sizes = [1], strides = [1]} : vector<16xf32> to vector<1xf32>
        %squeeze3A_1339 = vector.extract %slice3A_1338[0] : f32 from vector<1xf32>
        %mul3A_1340 = arith.constant 16 : i32
        %mul3A_1341 = arith.muli %scan3A_320, %mul3A_1340 : i32
        %add3A_1342 = arith.constant 13 : i32
        %add3A_1343 = arith.addi %mul3A_1341, %add3A_1342 : i32
        %mul3A_1344 = vector.broadcast %squeeze3A_1339 : f32 to vector<16xf32>
        %mul3A_1345 = arith.mulf %mul3A_1344, %get3A_10 : vector<16xf32>
        %add3A_1346 = arith.addf %mul3A_1345, %get3A_34 : vector<16xf32>
        %swap3A_1347 = arith.index_cast %select_n3A_267 : i32 to index
        %swap3A_1348 = arith.index_cast %add3A_1343 : i32 to index
        %swap3A_1349 = arith.constant 0 : index
        %swap3A_1350 = tpu.vector_load %arg12[%swap3A_1347, %swap3A_1348, %swap3A_1349] {strides = array<i32>} : memref<4x128x128xf32, #tpu.memory_space<vmem>>, vector<1x1x16xf32>,
        %swap3A_1351 = vector.shape_cast %swap3A_1350 : vector<1x1x16xf32> to vector<16xf32>
        %swap3A_1352 = vector.shape_cast %add3A_1346 : vector<16xf32> to vector<1x1x16xf32>
        tpu.vector_store %arg12[%swap3A_1347, %swap3A_1348, %swap3A_1349], %swap3A_1352 {strides = array<i32>} : memref<4x128x128xf32, #tpu.memory_space<vmem>>, vector<1x1x16xf32>,
        %mul3A_1353 = vector.broadcast %squeeze3A_1339 : f32 to vector<16xf32>
        %mul3A_1354 = arith.mulf %mul3A_1353, %get3A_13 : vector<16xf32>
        %add3A_1355 = arith.addf %mul3A_1354, %get3A_37 : vector<16xf32>
        %swap3A_1356 = arith.index_cast %select_n3A_267 : i32 to index
        %swap3A_1357 = arith.index_cast %add3A_1343 : i32 to index
        %swap3A_1358 = arith.constant 16 : index
        %swap3A_1359 = tpu.vector_load %arg12[%swap3A_1356, %swap3A_1357, %swap3A_1358] {strides = array<i32>} : memref<4x128x128xf32, #tpu.memory_space<vmem>>, vector<1x1x16xf32>,
        %swap3A_1360 = vector.shape_cast %swap3A_1359 : vector<1x1x16xf32> to vector<16xf32>
        %swap3A_1361 = vector.shape_cast %add3A_1355 : vector<16xf32> to vector<1x1x16xf32>
        tpu.vector_store %arg12[%swap3A_1356, %swap3A_1357, %swap3A_1358], %swap3A_1361 {strides = array<i32>} : memref<4x128x128xf32, #tpu.memory_space<vmem>>, vector<1x1x16xf32>,
        %mul3A_1362 = vector.broadcast %squeeze3A_1339 : f32 to vector<16xf32>
        %mul3A_1363 = arith.mulf %mul3A_1362, %get3A_16 : vector<16xf32>
        %add3A_1364 = arith.addf %mul3A_1363, %get3A_40 : vector<16xf32>
        %swap3A_1365 = arith.index_cast %select_n3A_267 : i32 to index
        %swap3A_1366 = arith.index_cast %add3A_1343 : i32 to index
        %swap3A_1367 = arith.constant 32 : index
        %swap3A_1368 = tpu.vector_load %arg12[%swap3A_1365, %swap3A_1366, %swap3A_1367] {strides = array<i32>} : memref<4x128x128xf32, #tpu.memory_space<vmem>>, vector<1x1x16xf32>,
        %swap3A_1369 = vector.shape_cast %swap3A_1368 : vector<1x1x16xf32> to vector<16xf32>
        %swap3A_1370 = vector.shape_cast %add3A_1364 : vector<16xf32> to vector<1x1x16xf32>
        tpu.vector_store %arg12[%swap3A_1365, %swap3A_1366, %swap3A_1367], %swap3A_1370 {strides = array<i32>} : memref<4x128x128xf32, #tpu.memory_space<vmem>>, vector<1x1x16xf32>,
        %mul3A_1371 = vector.broadcast %squeeze3A_1339 : f32 to vector<16xf32>
        %mul3A_1372 = arith.mulf %mul3A_1371, %get3A_19 : vector<16xf32>
        %add3A_1373 = arith.addf %mul3A_1372, %get3A_43 : vector<16xf32>
        %swap3A_1374 = arith.index_cast %select_n3A_267 : i32 to index
        %swap3A_1375 = arith.index_cast %add3A_1343 : i32 to index
        %swap3A_1376 = arith.constant 48 : index
        %swap3A_1377 = tpu.vector_load %arg12[%swap3A_1374, %swap3A_1375, %swap3A_1376] {strides = array<i32>} : memref<4x128x128xf32, #tpu.memory_space<vmem>>, vector<1x1x16xf32>,
        %swap3A_1378 = vector.shape_cast %swap3A_1377 : vector<1x1x16xf32> to vector<16xf32>
        %swap3A_1379 = vector.shape_cast %add3A_1373 : vector<16xf32> to vector<1x1x16xf32>
        tpu.vector_store %arg12[%swap3A_1374, %swap3A_1375, %swap3A_1376], %swap3A_1379 {strides = array<i32>} : memref<4x128x128xf32, #tpu.memory_space<vmem>>, vector<1x1x16xf32>,
        %mul3A_1380 = vector.broadcast %squeeze3A_1339 : f32 to vector<16xf32>
        %mul3A_1381 = arith.mulf %mul3A_1380, %get3A_22 : vector<16xf32>
        %add3A_1382 = arith.addf %mul3A_1381, %get3A_46 : vector<16xf32>
        %swap3A_1383 = arith.index_cast %select_n3A_267 : i32 to index
        %swap3A_1384 = arith.index_cast %add3A_1343 : i32 to index
        %swap3A_1385 = arith.constant 64 : index
        %swap3A_1386 = tpu.vector_load %arg12[%swap3A_1383, %swap3A_1384, %swap3A_1385] {strides = array<i32>} : memref<4x128x128xf32, #tpu.memory_space<vmem>>, vector<1x1x16xf32>,
        %swap3A_1387 = vector.shape_cast %swap3A_1386 : vector<1x1x16xf32> to vector<16xf32>
        %swap3A_1388 = vector.shape_cast %add3A_1382 : vector<16xf32> to vector<1x1x16xf32>
        tpu.vector_store %arg12[%swap3A_1383, %swap3A_1384, %swap3A_1385], %swap3A_1388 {strides = array<i32>} : memref<4x128x128xf32, #tpu.memory_space<vmem>>, vector<1x1x16xf32>,
        %mul3A_1389 = vector.broadcast %squeeze3A_1339 : f32 to vector<16xf32>
        %mul3A_1390 = arith.mulf %mul3A_1389, %get3A_25 : vector<16xf32>
        %add3A_1391 = arith.addf %mul3A_1390, %get3A_49 : vector<16xf32>
        %swap3A_1392 = arith.index_cast %select_n3A_267 : i32 to index
        %swap3A_1393 = arith.index_cast %add3A_1343 : i32 to index
        %swap3A_1394 = arith.constant 80 : index
        %swap3A_1395 = tpu.vector_load %arg12[%swap3A_1392, %swap3A_1393, %swap3A_1394] {strides = array<i32>} : memref<4x128x128xf32, #tpu.memory_space<vmem>>, vector<1x1x16xf32>,
        %swap3A_1396 = vector.shape_cast %swap3A_1395 : vector<1x1x16xf32> to vector<16xf32>
        %swap3A_1397 = vector.shape_cast %add3A_1391 : vector<16xf32> to vector<1x1x16xf32>
        tpu.vector_store %arg12[%swap3A_1392, %swap3A_1393, %swap3A_1394], %swap3A_1397 {strides = array<i32>} : memref<4x128x128xf32, #tpu.memory_space<vmem>>, vector<1x1x16xf32>,
        %mul3A_1398 = vector.broadcast %squeeze3A_1339 : f32 to vector<16xf32>
        %mul3A_1399 = arith.mulf %mul3A_1398, %get3A_28 : vector<16xf32>
        %add3A_1400 = arith.addf %mul3A_1399, %get3A_52 : vector<16xf32>
        %swap3A_1401 = arith.index_cast %select_n3A_267 : i32 to index
        %swap3A_1402 = arith.index_cast %add3A_1343 : i32 to index
        %swap3A_1403 = arith.constant 96 : index
        %swap3A_1404 = tpu.vector_load %arg12[%swap3A_1401, %swap3A_1402, %swap3A_1403] {strides = array<i32>} : memref<4x128x128xf32, #tpu.memory_space<vmem>>, vector<1x1x16xf32>,
        %swap3A_1405 = vector.shape_cast %swap3A_1404 : vector<1x1x16xf32> to vector<16xf32>
        %swap3A_1406 = vector.shape_cast %add3A_1400 : vector<16xf32> to vector<1x1x16xf32>
        tpu.vector_store %arg12[%swap3A_1401, %swap3A_1402, %swap3A_1403], %swap3A_1406 {strides = array<i32>} : memref<4x128x128xf32, #tpu.memory_space<vmem>>, vector<1x1x16xf32>,
        %mul3A_1407 = vector.broadcast %squeeze3A_1339 : f32 to vector<16xf32>
        %mul3A_1408 = arith.mulf %mul3A_1407, %get3A_31 : vector<16xf32>
        %add3A_1409 = arith.addf %mul3A_1408, %get3A_55 : vector<16xf32>
        %swap3A_1410 = arith.index_cast %select_n3A_267 : i32 to index
        %swap3A_1411 = arith.index_cast %add3A_1343 : i32 to index
        %swap3A_1412 = arith.constant 112 : index
        %swap3A_1413 = tpu.vector_load %arg12[%swap3A_1410, %swap3A_1411, %swap3A_1412] {strides = array<i32>} : memref<4x128x128xf32, #tpu.memory_space<vmem>>, vector<1x1x16xf32>,
        %swap3A_1414 = vector.shape_cast %swap3A_1413 : vector<1x1x16xf32> to vector<16xf32>
        %swap3A_1415 = vector.shape_cast %add3A_1409 : vector<16xf32> to vector<1x1x16xf32>
        tpu.vector_store %arg12[%swap3A_1410, %swap3A_1411, %swap3A_1412], %swap3A_1415 {strides = array<i32>} : memref<4x128x128xf32, #tpu.memory_space<vmem>>, vector<1x1x16xf32>,
        %slice3A_1416 = vector.extract_strided_slice %get3A_326 {offsets = [14], sizes = [1], strides = [1]} : vector<16xf32> to vector<1xf32>
        %squeeze3A_1417 = vector.extract %slice3A_1416[0] : f32 from vector<1xf32>
        %mul3A_1418 = arith.constant 16 : i32
        %mul3A_1419 = arith.muli %scan3A_320, %mul3A_1418 : i32
        %add3A_1420 = arith.constant 14 : i32
        %add3A_1421 = arith.addi %mul3A_1419, %add3A_1420 : i32
        %mul3A_1422 = vector.broadcast %squeeze3A_1417 : f32 to vector<16xf32>
        %mul3A_1423 = arith.mulf %mul3A_1422, %get3A_10 : vector<16xf32>
        %add3A_1424 = arith.addf %mul3A_1423, %get3A_34 : vector<16xf32>
        %swap3A_1425 = arith.index_cast %select_n3A_267 : i32 to index
        %swap3A_1426 = arith.index_cast %add3A_1421 : i32 to index
        %swap3A_1427 = arith.constant 0 : index
        %swap3A_1428 = tpu.vector_load %arg12[%swap3A_1425, %swap3A_1426, %swap3A_1427] {strides = array<i32>} : memref<4x128x128xf32, #tpu.memory_space<vmem>>, vector<1x1x16xf32>,
        %swap3A_1429 = vector.shape_cast %swap3A_1428 : vector<1x1x16xf32> to vector<16xf32>
        %swap3A_1430 = vector.shape_cast %add3A_1424 : vector<16xf32> to vector<1x1x16xf32>
        tpu.vector_store %arg12[%swap3A_1425, %swap3A_1426, %swap3A_1427], %swap3A_1430 {strides = array<i32>} : memref<4x128x128xf32, #tpu.memory_space<vmem>>, vector<1x1x16xf32>,
        %mul3A_1431 = vector.broadcast %squeeze3A_1417 : f32 to vector<16xf32>
        %mul3A_1432 = arith.mulf %mul3A_1431, %get3A_13 : vector<16xf32>
        %add3A_1433 = arith.addf %mul3A_1432, %get3A_37 : vector<16xf32>
        %swap3A_1434 = arith.index_cast %select_n3A_267 : i32 to index
        %swap3A_1435 = arith.index_cast %add3A_1421 : i32 to index
        %swap3A_1436 = arith.constant 16 : index
        %swap3A_1437 = tpu.vector_load %arg12[%swap3A_1434, %swap3A_1435, %swap3A_1436] {strides = array<i32>} : memref<4x128x128xf32, #tpu.memory_space<vmem>>, vector<1x1x16xf32>,
        %swap3A_1438 = vector.shape_cast %swap3A_1437 : vector<1x1x16xf32> to vector<16xf32>
        %swap3A_1439 = vector.shape_cast %add3A_1433 : vector<16xf32> to vector<1x1x16xf32>
        tpu.vector_store %arg12[%swap3A_1434, %swap3A_1435, %swap3A_1436], %swap3A_1439 {strides = array<i32>} : memref<4x128x128xf32, #tpu.memory_space<vmem>>, vector<1x1x16xf32>,
        %mul3A_1440 = vector.broadcast %squeeze3A_1417 : f32 to vector<16xf32>
        %mul3A_1441 = arith.mulf %mul3A_1440, %get3A_16 : vector<16xf32>
        %add3A_1442 = arith.addf %mul3A_1441, %get3A_40 : vector<16xf32>
        %swap3A_1443 = arith.index_cast %select_n3A_267 : i32 to index
        %swap3A_1444 = arith.index_cast %add3A_1421 : i32 to index
        %swap3A_1445 = arith.constant 32 : index
        %swap3A_1446 = tpu.vector_load %arg12[%swap3A_1443, %swap3A_1444, %swap3A_1445] {strides = array<i32>} : memref<4x128x128xf32, #tpu.memory_space<vmem>>, vector<1x1x16xf32>,
        %swap3A_1447 = vector.shape_cast %swap3A_1446 : vector<1x1x16xf32> to vector<16xf32>
        %swap3A_1448 = vector.shape_cast %add3A_1442 : vector<16xf32> to vector<1x1x16xf32>
        tpu.vector_store %arg12[%swap3A_1443, %swap3A_1444, %swap3A_1445], %swap3A_1448 {strides = array<i32>} : memref<4x128x128xf32, #tpu.memory_space<vmem>>, vector<1x1x16xf32>,
        %mul3A_1449 = vector.broadcast %squeeze3A_1417 : f32 to vector<16xf32>
        %mul3A_1450 = arith.mulf %mul3A_1449, %get3A_19 : vector<16xf32>
        %add3A_1451 = arith.addf %mul3A_1450, %get3A_43 : vector<16xf32>
        %swap3A_1452 = arith.index_cast %select_n3A_267 : i32 to index
        %swap3A_1453 = arith.index_cast %add3A_1421 : i32 to index
        %swap3A_1454 = arith.constant 48 : index
        %swap3A_1455 = tpu.vector_load %arg12[%swap3A_1452, %swap3A_1453, %swap3A_1454] {strides = array<i32>} : memref<4x128x128xf32, #tpu.memory_space<vmem>>, vector<1x1x16xf32>,
        %swap3A_1456 = vector.shape_cast %swap3A_1455 : vector<1x1x16xf32> to vector<16xf32>
        %swap3A_1457 = vector.shape_cast %add3A_1451 : vector<16xf32> to vector<1x1x16xf32>
        tpu.vector_store %arg12[%swap3A_1452, %swap3A_1453, %swap3A_1454], %swap3A_1457 {strides = array<i32>} : memref<4x128x128xf32, #tpu.memory_space<vmem>>, vector<1x1x16xf32>,
        %mul3A_1458 = vector.broadcast %squeeze3A_1417 : f32 to vector<16xf32>
        %mul3A_1459 = arith.mulf %mul3A_1458, %get3A_22 : vector<16xf32>
        %add3A_1460 = arith.addf %mul3A_1459, %get3A_46 : vector<16xf32>
        %swap3A_1461 = arith.index_cast %select_n3A_267 : i32 to index
        %swap3A_1462 = arith.index_cast %add3A_1421 : i32 to index
        %swap3A_1463 = arith.constant 64 : index
        %swap3A_1464 = tpu.vector_load %arg12[%swap3A_1461, %swap3A_1462, %swap3A_1463] {strides = array<i32>} : memref<4x128x128xf32, #tpu.memory_space<vmem>>, vector<1x1x16xf32>,
        %swap3A_1465 = vector.shape_cast %swap3A_1464 : vector<1x1x16xf32> to vector<16xf32>
        %swap3A_1466 = vector.shape_cast %add3A_1460 : vector<16xf32> to vector<1x1x16xf32>
        tpu.vector_store %arg12[%swap3A_1461, %swap3A_1462, %swap3A_1463], %swap3A_1466 {strides = array<i32>} : memref<4x128x128xf32, #tpu.memory_space<vmem>>, vector<1x1x16xf32>,
        %mul3A_1467 = vector.broadcast %squeeze3A_1417 : f32 to vector<16xf32>
        %mul3A_1468 = arith.mulf %mul3A_1467, %get3A_25 : vector<16xf32>
        %add3A_1469 = arith.addf %mul3A_1468, %get3A_49 : vector<16xf32>
        %swap3A_1470 = arith.index_cast %select_n3A_267 : i32 to index
        %swap3A_1471 = arith.index_cast %add3A_1421 : i32 to index
        %swap3A_1472 = arith.constant 80 : index
        %swap3A_1473 = tpu.vector_load %arg12[%swap3A_1470, %swap3A_1471, %swap3A_1472] {strides = array<i32>} : memref<4x128x128xf32, #tpu.memory_space<vmem>>, vector<1x1x16xf32>,
        %swap3A_1474 = vector.shape_cast %swap3A_1473 : vector<1x1x16xf32> to vector<16xf32>
        %swap3A_1475 = vector.shape_cast %add3A_1469 : vector<16xf32> to vector<1x1x16xf32>
        tpu.vector_store %arg12[%swap3A_1470, %swap3A_1471, %swap3A_1472], %swap3A_1475 {strides = array<i32>} : memref<4x128x128xf32, #tpu.memory_space<vmem>>, vector<1x1x16xf32>,
        %mul3A_1476 = vector.broadcast %squeeze3A_1417 : f32 to vector<16xf32>
        %mul3A_1477 = arith.mulf %mul3A_1476, %get3A_28 : vector<16xf32>
        %add3A_1478 = arith.addf %mul3A_1477, %get3A_52 : vector<16xf32>
        %swap3A_1479 = arith.index_cast %select_n3A_267 : i32 to index
        %swap3A_1480 = arith.index_cast %add3A_1421 : i32 to index
        %swap3A_1481 = arith.constant 96 : index
        %swap3A_1482 = tpu.vector_load %arg12[%swap3A_1479, %swap3A_1480, %swap3A_1481] {strides = array<i32>} : memref<4x128x128xf32, #tpu.memory_space<vmem>>, vector<1x1x16xf32>,
        %swap3A_1483 = vector.shape_cast %swap3A_1482 : vector<1x1x16xf32> to vector<16xf32>
        %swap3A_1484 = vector.shape_cast %add3A_1478 : vector<16xf32> to vector<1x1x16xf32>
        tpu.vector_store %arg12[%swap3A_1479, %swap3A_1480, %swap3A_1481], %swap3A_1484 {strides = array<i32>} : memref<4x128x128xf32, #tpu.memory_space<vmem>>, vector<1x1x16xf32>,
        %mul3A_1485 = vector.broadcast %squeeze3A_1417 : f32 to vector<16xf32>
        %mul3A_1486 = arith.mulf %mul3A_1485, %get3A_31 : vector<16xf32>
        %add3A_1487 = arith.addf %mul3A_1486, %get3A_55 : vector<16xf32>
        %swap3A_1488 = arith.index_cast %select_n3A_267 : i32 to index
        %swap3A_1489 = arith.index_cast %add3A_1421 : i32 to index
        %swap3A_1490 = arith.constant 112 : index
        %swap3A_1491 = tpu.vector_load %arg12[%swap3A_1488, %swap3A_1489, %swap3A_1490] {strides = array<i32>} : memref<4x128x128xf32, #tpu.memory_space<vmem>>, vector<1x1x16xf32>,
        %swap3A_1492 = vector.shape_cast %swap3A_1491 : vector<1x1x16xf32> to vector<16xf32>
        %swap3A_1493 = vector.shape_cast %add3A_1487 : vector<16xf32> to vector<1x1x16xf32>
        tpu.vector_store %arg12[%swap3A_1488, %swap3A_1489, %swap3A_1490], %swap3A_1493 {strides = array<i32>} : memref<4x128x128xf32, #tpu.memory_space<vmem>>, vector<1x1x16xf32>,
        %slice3A_1494 = vector.extract_strided_slice %get3A_326 {offsets = [15], sizes = [1], strides = [1]} : vector<16xf32> to vector<1xf32>
        %squeeze3A_1495 = vector.extract %slice3A_1494[0] : f32 from vector<1xf32>
        %mul3A_1496 = arith.constant 16 : i32
        %mul3A_1497 = arith.muli %scan3A_320, %mul3A_1496 : i32
        %add3A_1498 = arith.constant 15 : i32
        %add3A_1499 = arith.addi %mul3A_1497, %add3A_1498 : i32
        %mul3A_1500 = vector.broadcast %squeeze3A_1495 : f32 to vector<16xf32>
        %mul3A_1501 = arith.mulf %mul3A_1500, %get3A_10 : vector<16xf32>
        %add3A_1502 = arith.addf %mul3A_1501, %get3A_34 : vector<16xf32>
        %swap3A_1503 = arith.index_cast %select_n3A_267 : i32 to index
        %swap3A_1504 = arith.index_cast %add3A_1499 : i32 to index
        %swap3A_1505 = arith.constant 0 : index
        %swap3A_1506 = tpu.vector_load %arg12[%swap3A_1503, %swap3A_1504, %swap3A_1505] {strides = array<i32>} : memref<4x128x128xf32, #tpu.memory_space<vmem>>, vector<1x1x16xf32>,
        %swap3A_1507 = vector.shape_cast %swap3A_1506 : vector<1x1x16xf32> to vector<16xf32>
        %swap3A_1508 = vector.shape_cast %add3A_1502 : vector<16xf32> to vector<1x1x16xf32>
        tpu.vector_store %arg12[%swap3A_1503, %swap3A_1504, %swap3A_1505], %swap3A_1508 {strides = array<i32>} : memref<4x128x128xf32, #tpu.memory_space<vmem>>, vector<1x1x16xf32>,
        %mul3A_1509 = vector.broadcast %squeeze3A_1495 : f32 to vector<16xf32>
        %mul3A_1510 = arith.mulf %mul3A_1509, %get3A_13 : vector<16xf32>
        %add3A_1511 = arith.addf %mul3A_1510, %get3A_37 : vector<16xf32>
        %swap3A_1512 = arith.index_cast %select_n3A_267 : i32 to index
        %swap3A_1513 = arith.index_cast %add3A_1499 : i32 to index
        %swap3A_1514 = arith.constant 16 : index
        %swap3A_1515 = tpu.vector_load %arg12[%swap3A_1512, %swap3A_1513, %swap3A_1514] {strides = array<i32>} : memref<4x128x128xf32, #tpu.memory_space<vmem>>, vector<1x1x16xf32>,
        %swap3A_1516 = vector.shape_cast %swap3A_1515 : vector<1x1x16xf32> to vector<16xf32>
        %swap3A_1517 = vector.shape_cast %add3A_1511 : vector<16xf32> to vector<1x1x16xf32>
        tpu.vector_store %arg12[%swap3A_1512, %swap3A_1513, %swap3A_1514], %swap3A_1517 {strides = array<i32>} : memref<4x128x128xf32, #tpu.memory_space<vmem>>, vector<1x1x16xf32>,
        %mul3A_1518 = vector.broadcast %squeeze3A_1495 : f32 to vector<16xf32>
        %mul3A_1519 = arith.mulf %mul3A_1518, %get3A_16 : vector<16xf32>
        %add3A_1520 = arith.addf %mul3A_1519, %get3A_40 : vector<16xf32>
        %swap3A_1521 = arith.index_cast %select_n3A_267 : i32 to index
        %swap3A_1522 = arith.index_cast %add3A_1499 : i32 to index
        %swap3A_1523 = arith.constant 32 : index
        %swap3A_1524 = tpu.vector_load %arg12[%swap3A_1521, %swap3A_1522, %swap3A_1523] {strides = array<i32>} : memref<4x128x128xf32, #tpu.memory_space<vmem>>, vector<1x1x16xf32>,
        %swap3A_1525 = vector.shape_cast %swap3A_1524 : vector<1x1x16xf32> to vector<16xf32>
        %swap3A_1526 = vector.shape_cast %add3A_1520 : vector<16xf32> to vector<1x1x16xf32>
        tpu.vector_store %arg12[%swap3A_1521, %swap3A_1522, %swap3A_1523], %swap3A_1526 {strides = array<i32>} : memref<4x128x128xf32, #tpu.memory_space<vmem>>, vector<1x1x16xf32>,
        %mul3A_1527 = vector.broadcast %squeeze3A_1495 : f32 to vector<16xf32>
        %mul3A_1528 = arith.mulf %mul3A_1527, %get3A_19 : vector<16xf32>
        %add3A_1529 = arith.addf %mul3A_1528, %get3A_43 : vector<16xf32>
        %swap3A_1530 = arith.index_cast %select_n3A_267 : i32 to index
        %swap3A_1531 = arith.index_cast %add3A_1499 : i32 to index
        %swap3A_1532 = arith.constant 48 : index
        %swap3A_1533 = tpu.vector_load %arg12[%swap3A_1530, %swap3A_1531, %swap3A_1532] {strides = array<i32>} : memref<4x128x128xf32, #tpu.memory_space<vmem>>, vector<1x1x16xf32>,
        %swap3A_1534 = vector.shape_cast %swap3A_1533 : vector<1x1x16xf32> to vector<16xf32>
        %swap3A_1535 = vector.shape_cast %add3A_1529 : vector<16xf32> to vector<1x1x16xf32>
        tpu.vector_store %arg12[%swap3A_1530, %swap3A_1531, %swap3A_1532], %swap3A_1535 {strides = array<i32>} : memref<4x128x128xf32, #tpu.memory_space<vmem>>, vector<1x1x16xf32>,
        %mul3A_1536 = vector.broadcast %squeeze3A_1495 : f32 to vector<16xf32>
        %mul3A_1537 = arith.mulf %mul3A_1536, %get3A_22 : vector<16xf32>
        %add3A_1538 = arith.addf %mul3A_1537, %get3A_46 : vector<16xf32>
        %swap3A_1539 = arith.index_cast %select_n3A_267 : i32 to index
        %swap3A_1540 = arith.index_cast %add3A_1499 : i32 to index
        %swap3A_1541 = arith.constant 64 : index
        %swap3A_1542 = tpu.vector_load %arg12[%swap3A_1539, %swap3A_1540, %swap3A_1541] {strides = array<i32>} : memref<4x128x128xf32, #tpu.memory_space<vmem>>, vector<1x1x16xf32>,
        %swap3A_1543 = vector.shape_cast %swap3A_1542 : vector<1x1x16xf32> to vector<16xf32>
        %swap3A_1544 = vector.shape_cast %add3A_1538 : vector<16xf32> to vector<1x1x16xf32>
        tpu.vector_store %arg12[%swap3A_1539, %swap3A_1540, %swap3A_1541], %swap3A_1544 {strides = array<i32>} : memref<4x128x128xf32, #tpu.memory_space<vmem>>, vector<1x1x16xf32>,
        %mul3A_1545 = vector.broadcast %squeeze3A_1495 : f32 to vector<16xf32>
        %mul3A_1546 = arith.mulf %mul3A_1545, %get3A_25 : vector<16xf32>
        %add3A_1547 = arith.addf %mul3A_1546, %get3A_49 : vector<16xf32>
        %swap3A_1548 = arith.index_cast %select_n3A_267 : i32 to index
        %swap3A_1549 = arith.index_cast %add3A_1499 : i32 to index
        %swap3A_1550 = arith.constant 80 : index
        %swap3A_1551 = tpu.vector_load %arg12[%swap3A_1548, %swap3A_1549, %swap3A_1550] {strides = array<i32>} : memref<4x128x128xf32, #tpu.memory_space<vmem>>, vector<1x1x16xf32>,
        %swap3A_1552 = vector.shape_cast %swap3A_1551 : vector<1x1x16xf32> to vector<16xf32>
        %swap3A_1553 = vector.shape_cast %add3A_1547 : vector<16xf32> to vector<1x1x16xf32>
        tpu.vector_store %arg12[%swap3A_1548, %swap3A_1549, %swap3A_1550], %swap3A_1553 {strides = array<i32>} : memref<4x128x128xf32, #tpu.memory_space<vmem>>, vector<1x1x16xf32>,
        %mul3A_1554 = vector.broadcast %squeeze3A_1495 : f32 to vector<16xf32>
        %mul3A_1555 = arith.mulf %mul3A_1554, %get3A_28 : vector<16xf32>
        %add3A_1556 = arith.addf %mul3A_1555, %get3A_52 : vector<16xf32>
        %swap3A_1557 = arith.index_cast %select_n3A_267 : i32 to index
        %swap3A_1558 = arith.index_cast %add3A_1499 : i32 to index
        %swap3A_1559 = arith.constant 96 : index
        %swap3A_1560 = tpu.vector_load %arg12[%swap3A_1557, %swap3A_1558, %swap3A_1559] {strides = array<i32>} : memref<4x128x128xf32, #tpu.memory_space<vmem>>, vector<1x1x16xf32>,
        %swap3A_1561 = vector.shape_cast %swap3A_1560 : vector<1x1x16xf32> to vector<16xf32>
        %swap3A_1562 = vector.shape_cast %add3A_1556 : vector<16xf32> to vector<1x1x16xf32>
        tpu.vector_store %arg12[%swap3A_1557, %swap3A_1558, %swap3A_1559], %swap3A_1562 {strides = array<i32>} : memref<4x128x128xf32, #tpu.memory_space<vmem>>, vector<1x1x16xf32>,
        %mul3A_1563 = vector.broadcast %squeeze3A_1495 : f32 to vector<16xf32>
        %mul3A_1564 = arith.mulf %mul3A_1563, %get3A_31 : vector<16xf32>
        %add3A_1565 = arith.addf %mul3A_1564, %get3A_55 : vector<16xf32>
        %swap3A_1566 = arith.index_cast %select_n3A_267 : i32 to index
        %swap3A_1567 = arith.index_cast %add3A_1499 : i32 to index
        %swap3A_1568 = arith.constant 112 : index
        %swap3A_1569 = tpu.vector_load %arg12[%swap3A_1566, %swap3A_1567, %swap3A_1568] {strides = array<i32>} : memref<4x128x128xf32, #tpu.memory_space<vmem>>, vector<1x1x16xf32>,
        %swap3A_1570 = vector.shape_cast %swap3A_1569 : vector<1x1x16xf32> to vector<16xf32>
        %swap3A_1571 = vector.shape_cast %add3A_1565 : vector<16xf32> to vector<1x1x16xf32>
        tpu.vector_store %arg12[%swap3A_1566, %swap3A_1567, %swap3A_1568], %swap3A_1571 {strides = array<i32>} : memref<4x128x128xf32, #tpu.memory_space<vmem>>, vector<1x1x16xf32>,
      }
      %scan3A_278 = arith.constant 8 : i32
      %dma_start3A_279 = arith.constant 0 : i32
      %dma_start3A_280 = arith.constant 0 : i32
      %dma_start3A_281 = tpu.memref_slice %arg12[%select_n3A_267, %dma_start3A_279, %dma_start3A_280] : memref<4x128x128xf32, #tpu.memory_space<vmem>> -> memref<1x128x128xf32, #tpu.memory_space<vmem>>
      %dma_start3A_282 = tpu.memref_squeeze %dma_start3A_281 : memref<1x128x128xf32, #tpu.memory_space<vmem>> -> memref<128x128xf32, #tpu.memory_space<vmem>>
      %dma_start3A_283 = arith.constant 0 : i32
      %dma_start3A_284 = tpu.memref_slice %arg15[%scan3A_257, %dma_start3A_283] : memref<50x128xi32, #tpu.memory_space<vmem>> -> memref<1x128xi32, #tpu.memory_space<vmem>>
      %dma_start3A_285 = tpu.memref_squeeze %dma_start3A_284 : memref<1x128xi32, #tpu.memory_space<vmem>> -> memref<128xi32, #tpu.memory_space<vmem>>
      %dma_start3A_286 = arith.constant 0 : i32
      %dma_start3A_287 = arith.constant 0 : i32
      %dma_start3A_288 = tpu.memref_slice %arg6[%dma_start3A_286, %dma_start3A_287] : memref<100000x128xf32, #tpu.memory_space<hbm>> -> memref<100000x128xf32, #tpu.memory_space<hbm>>
      %dma_start3A_289 = tpu.memref_slice %arg18[%select_n3A_267] : memref<4x!tpu.dma_semaphore, #tpu.memory_space<semaphore_mem>> -> memref<1x!tpu.dma_semaphore, #tpu.memory_space<semaphore_mem>>
      %dma_start3A_290 = tpu.memref_squeeze %dma_start3A_289 : memref<1x!tpu.dma_semaphore, #tpu.memory_space<semaphore_mem>> -> memref<!tpu.dma_semaphore, #tpu.memory_space<semaphore_mem>>
      tpu.enqueue_indirect_dma source(%dma_start3A_288 : memref<100000x128xf32, #tpu.memory_space<hbm>>) target(%dma_start3A_282 : memref<128x128xf32, #tpu.memory_space<vmem>>) offsets(%dma_start3A_285 : memref<128xi32, #tpu.memory_space<vmem>>) semaphore(%dma_start3A_290 : memref<!tpu.dma_semaphore, #tpu.memory_space<semaphore_mem>>) {add = true}
      %dma_start3A_291 = arith.constant 0 : i32
      %dma_start3A_292 = arith.constant 0 : i32
      %dma_start3A_293 = tpu.memref_slice %arg12[%select_n3A_267, %dma_start3A_291, %dma_start3A_292] : memref<4x128x128xf32, #tpu.memory_space<vmem>> -> memref<1x128x128xf32, #tpu.memory_space<vmem>>
      %dma_start3A_294 = tpu.memref_squeeze %dma_start3A_293 : memref<1x128x128xf32, #tpu.memory_space<vmem>> -> memref<128x128xf32, #tpu.memory_space<vmem>>
      %dma_start3A_295 = arith.constant 0 : i32
      %dma_start3A_296 = tpu.memref_slice %arg16[%scan3A_257, %dma_start3A_295] : memref<50x128xi32, #tpu.memory_space<vmem>> -> memref<1x128xi32, #tpu.memory_space<vmem>>
      %dma_start3A_297 = tpu.memref_squeeze %dma_start3A_296 : memref<1x128xi32, #tpu.memory_space<vmem>> -> memref<128xi32, #tpu.memory_space<vmem>>
      %dma_start3A_298 = arith.constant 0 : i32
      %dma_start3A_299 = arith.constant 0 : i32
      %dma_start3A_300 = tpu.memref_slice %arg22[%dma_start3A_298, %dma_start3A_299] : memref<1000x128xf32, #tpu.memory_space<vmem_shared>> -> memref<1000x128xf32, #tpu.memory_space<vmem_shared>>
      %dma_start3A_301 = tpu.memref_slice %arg19[%select_n3A_267] : memref<4x!tpu.dma_semaphore, #tpu.memory_space<semaphore_mem>> -> memref<1x!tpu.dma_semaphore, #tpu.memory_space<semaphore_mem>>
      %dma_start3A_302 = tpu.memref_squeeze %dma_start3A_301 : memref<1x!tpu.dma_semaphore, #tpu.memory_space<semaphore_mem>> -> memref<!tpu.dma_semaphore, #tpu.memory_space<semaphore_mem>>
      tpu.enqueue_indirect_dma source(%dma_start3A_300 : memref<1000x128xf32, #tpu.memory_space<vmem_shared>>) target(%dma_start3A_294 : memref<128x128xf32, #tpu.memory_space<vmem>>) offsets(%dma_start3A_297 : memref<128xi32, #tpu.memory_space<vmem>>) semaphore(%dma_start3A_302 : memref<!tpu.dma_semaphore, #tpu.memory_space<semaphore_mem>>) {add = true}
      %dma_start3A_303 = arith.constant 0 : i32
      %dma_start3A_304 = arith.constant 0 : i32
      %dma_start3A_305 = tpu.memref_slice %arg12[%select_n3A_267, %dma_start3A_303, %dma_start3A_304] : memref<4x128x128xf32, #tpu.memory_space<vmem>> -> memref<1x128x128xf32, #tpu.memory_space<vmem>>
      %dma_start3A_306 = tpu.memref_squeeze %dma_start3A_305 : memref<1x128x128xf32, #tpu.memory_space<vmem>> -> memref<128x128xf32, #tpu.memory_space<vmem>>
      %dma_start3A_307 = arith.constant 0 : i32
      %dma_start3A_308 = tpu.memref_slice %arg17[%scan3A_257, %dma_start3A_307] : memref<50x128xi32, #tpu.memory_space<vmem>> -> memref<1x128xi32, #tpu.memory_space<vmem>>
      %dma_start3A_309 = tpu.memref_squeeze %dma_start3A_308 : memref<1x128xi32, #tpu.memory_space<vmem>> -> memref<128xi32, #tpu.memory_space<vmem>>
      %dma_start3A_310 = arith.constant 0 : i32
      %dma_start3A_311 = arith.constant 0 : i32
      %dma_start3A_312 = tpu.memref_slice %arg23[%dma_start3A_310, %dma_start3A_311] : memref<1000x128xf32, #tpu.memory_space<vmem_shared>> -> memref<1000x128xf32, #tpu.memory_space<vmem_shared>>
      %dma_start3A_313 = tpu.memref_slice %arg20[%select_n3A_267] : memref<4x!tpu.dma_semaphore, #tpu.memory_space<semaphore_mem>> -> memref<1x!tpu.dma_semaphore, #tpu.memory_space<semaphore_mem>>
      %dma_start3A_314 = tpu.memref_squeeze %dma_start3A_313 : memref<1x!tpu.dma_semaphore, #tpu.memory_space<semaphore_mem>> -> memref<!tpu.dma_semaphore, #tpu.memory_space<semaphore_mem>>
      tpu.enqueue_indirect_dma source(%dma_start3A_312 : memref<1000x128xf32, #tpu.memory_space<vmem_shared>>) target(%dma_start3A_306 : memref<128x128xf32, #tpu.memory_space<vmem>>) offsets(%dma_start3A_309 : memref<128xi32, #tpu.memory_space<vmem>>) semaphore(%dma_start3A_314 : memref<!tpu.dma_semaphore, #tpu.memory_space<semaphore_mem>>) {add = true}
      %ge3A_315 = arith.constant 2 : i32
      %ge3A_316 = arith.cmpi sge, %scan3A_257, %ge3A_315 : i32
      %convert_element_type3A_317 = arith.extui %ge3A_316 : i1 to i32
      %cond3A_318 = arith.constant 0 : i32
      %cond3A_319 = arith.cmpi ne, %convert_element_type3A_317, %cond3A_318 : i32
      scf.if %cond3A_319 {
        %sub3A = arith.constant 2 : i32
        %sub3A_320 = arith.subi %scan3A_257, %sub3A : i32
        %jit3A_321 = arith.constant 4 : i32
        %eq3A_322 = arith.constant 0 : i32
        %eq3A_323 = arith.cmpi eq, %jit3A_321, %eq3A_322 : i32
        %jit3A_324 = arith.constant 1 : i32
        %select_n3A_325 = arith.select %eq3A_323, %jit3A_324, %jit3A_321 : i32
        %rem3A_326 = arith.remsi %sub3A_320, %select_n3A_325 : i32
        %ne3A_327 = arith.constant 0 : i32
        %ne3A_328 = arith.cmpi ne, %rem3A_326, %ne3A_327 : i32
        %lt3A_329 = arith.constant 0 : i32
        %lt3A_330 = arith.cmpi slt, %rem3A_326, %lt3A_329 : i32
        %lt3A_331 = arith.constant 0 : i32
        %lt3A_332 = arith.cmpi slt, %select_n3A_325, %lt3A_331 : i32
        %ne3A_333 = arith.xori %lt3A_330, %lt3A_332 : i1
        %and3A_334 = arith.andi %ne3A_333, %ne3A_328 : i1
        %add3A_335 = arith.addi %rem3A_326, %select_n3A_325 : i32
        %select_n3A_336 = arith.select %and3A_334, %add3A_335, %rem3A_326 : i32
        %sub3A_337 = arith.constant 2 : i32
        %sub3A_338 = arith.subi %scan3A_257, %sub3A_337 : i32
        %dma_wait3A_339 = arith.constant 0 : i32
        %dma_wait3A_340 = arith.constant 0 : i32
        %dma_wait3A_341 = tpu.memref_slice %arg12[%select_n3A_336, %dma_wait3A_339, %dma_wait3A_340] : memref<4x128x128xf32, #tpu.memory_space<vmem>> -> memref<1x128x128xf32, #tpu.memory_space<vmem>>
        %dma_wait3A_342 = tpu.memref_squeeze %dma_wait3A_341 : memref<1x128x128xf32, #tpu.memory_space<vmem>> -> memref<128x128xf32, #tpu.memory_space<vmem>>
        %dma_wait3A_343 = arith.constant 0 : i32
        %dma_wait3A_344 = tpu.memref_slice %arg15[%sub3A_338, %dma_wait3A_343] : memref<50x128xi32, #tpu.memory_space<vmem>> -> memref<1x128xi32, #tpu.memory_space<vmem>>
        %dma_wait3A_345 = tpu.memref_squeeze %dma_wait3A_344 : memref<1x128xi32, #tpu.memory_space<vmem>> -> memref<128xi32, #tpu.memory_space<vmem>>
        %dma_wait3A_346 = arith.constant 0 : i32
        %dma_wait3A_347 = arith.constant 0 : i32
        %dma_wait3A_348 = tpu.memref_slice %arg6[%dma_wait3A_346, %dma_wait3A_347] : memref<100000x128xf32, #tpu.memory_space<hbm>> -> memref<100000x128xf32, #tpu.memory_space<hbm>>
        %dma_wait3A_349 = tpu.memref_slice %arg18[%select_n3A_336] : memref<4x!tpu.dma_semaphore, #tpu.memory_space<semaphore_mem>> -> memref<1x!tpu.dma_semaphore, #tpu.memory_space<semaphore_mem>>
        %dma_wait3A_350 = tpu.memref_squeeze %dma_wait3A_349 : memref<1x!tpu.dma_semaphore, #tpu.memory_space<semaphore_mem>> -> memref<!tpu.dma_semaphore, #tpu.memory_space<semaphore_mem>>
        tpu.wait_indirect_dma semaphore(%dma_wait3A_350 : memref<!tpu.dma_semaphore, #tpu.memory_space<semaphore_mem>>) src(%dma_wait3A_348 : memref<100000x128xf32, #tpu.memory_space<hbm>>) dst(%dma_wait3A_342 : memref<128x128xf32, #tpu.memory_space<vmem>>)
        %dma_wait3A_351 = arith.constant 0 : i32
        %dma_wait3A_352 = arith.constant 0 : i32
        %dma_wait3A_353 = tpu.memref_slice %arg12[%select_n3A_336, %dma_wait3A_351, %dma_wait3A_352] : memref<4x128x128xf32, #tpu.memory_space<vmem>> -> memref<1x128x128xf32, #tpu.memory_space<vmem>>
        %dma_wait3A_354 = tpu.memref_squeeze %dma_wait3A_353 : memref<1x128x128xf32, #tpu.memory_space<vmem>> -> memref<128x128xf32, #tpu.memory_space<vmem>>
        %dma_wait3A_355 = arith.constant 0 : i32
        %dma_wait3A_356 = tpu.memref_slice %arg16[%sub3A_338, %dma_wait3A_355] : memref<50x128xi32, #tpu.memory_space<vmem>> -> memref<1x128xi32, #tpu.memory_space<vmem>>
        %dma_wait3A_357 = tpu.memref_squeeze %dma_wait3A_356 : memref<1x128xi32, #tpu.memory_space<vmem>> -> memref<128xi32, #tpu.memory_space<vmem>>
        %dma_wait3A_358 = arith.constant 0 : i32
        %dma_wait3A_359 = arith.constant 0 : i32
        %dma_wait3A_360 = tpu.memref_slice %arg22[%dma_wait3A_358, %dma_wait3A_359] : memref<1000x128xf32, #tpu.memory_space<vmem_shared>> -> memref<1000x128xf32, #tpu.memory_space<vmem_shared>>
        %dma_wait3A_361 = tpu.memref_slice %arg19[%select_n3A_336] : memref<4x!tpu.dma_semaphore, #tpu.memory_space<semaphore_mem>> -> memref<1x!tpu.dma_semaphore, #tpu.memory_space<semaphore_mem>>
        %dma_wait3A_362 = tpu.memref_squeeze %dma_wait3A_361 : memref<1x!tpu.dma_semaphore, #tpu.memory_space<semaphore_mem>> -> memref<!tpu.dma_semaphore, #tpu.memory_space<semaphore_mem>>
        tpu.wait_indirect_dma semaphore(%dma_wait3A_362 : memref<!tpu.dma_semaphore, #tpu.memory_space<semaphore_mem>>) src(%dma_wait3A_360 : memref<1000x128xf32, #tpu.memory_space<vmem_shared>>) dst(%dma_wait3A_354 : memref<128x128xf32, #tpu.memory_space<vmem>>)
        %dma_wait3A_363 = arith.constant 0 : i32
        %dma_wait3A_364 = arith.constant 0 : i32
        %dma_wait3A_365 = tpu.memref_slice %arg12[%select_n3A_336, %dma_wait3A_363, %dma_wait3A_364] : memref<4x128x128xf32, #tpu.memory_space<vmem>> -> memref<1x128x128xf32, #tpu.memory_space<vmem>>
        %dma_wait3A_366 = tpu.memref_squeeze %dma_wait3A_365 : memref<1x128x128xf32, #tpu.memory_space<vmem>> -> memref<128x128xf32, #tpu.memory_space<vmem>>
        %dma_wait3A_367 = arith.constant 0 : i32
        %dma_wait3A_368 = tpu.memref_slice %arg17[%sub3A_338, %dma_wait3A_367] : memref<50x128xi32, #tpu.memory_space<vmem>> -> memref<1x128xi32, #tpu.memory_space<vmem>>
        %dma_wait3A_369 = tpu.memref_squeeze %dma_wait3A_368 : memref<1x128xi32, #tpu.memory_space<vmem>> -> memref<128xi32, #tpu.memory_space<vmem>>
        %dma_wait3A_370 = arith.constant 0 : i32
        %dma_wait3A_371 = arith.constant 0 : i32
        %dma_wait3A_372 = tpu.memref_slice %arg23[%dma_wait3A_370, %dma_wait3A_371] : memref<1000x128xf32, #tpu.memory_space<vmem_shared>> -> memref<1000x128xf32, #tpu.memory_space<vmem_shared>>
        %dma_wait3A_373 = tpu.memref_slice %arg20[%select_n3A_336] : memref<4x!tpu.dma_semaphore, #tpu.memory_space<semaphore_mem>> -> memref<1x!tpu.dma_semaphore, #tpu.memory_space<semaphore_mem>>
        %dma_wait3A_374 = tpu.memref_squeeze %dma_wait3A_373 : memref<1x!tpu.dma_semaphore, #tpu.memory_space<semaphore_mem>> -> memref<!tpu.dma_semaphore, #tpu.memory_space<semaphore_mem>>
        tpu.wait_indirect_dma semaphore(%dma_wait3A_374 : memref<!tpu.dma_semaphore, #tpu.memory_space<semaphore_mem>>) src(%dma_wait3A_372 : memref<1000x128xf32, #tpu.memory_space<vmem_shared>>) dst(%dma_wait3A_366 : memref<128x128xf32, #tpu.memory_space<vmem>>)
        %sub3A_375 = arith.constant 2 : i32
        %sub3A_376 = arith.subi %scan3A_257, %sub3A_375 : i32
        %mul3A_377 = arith.constant 128 : i32
        %mul3A_378 = arith.muli %sub3A_376, %mul3A_377 : i32
        %add3A_379 = arith.addi %mul3A_2, %mul3A_378 : i32
        %dma_start3A_380 = arith.constant 0 : i32
        %dma_start3A_381 = arith.constant 0 : i32
        %dma_start3A_382 = tpu.memref_slice %arg12[%select_n3A_336, %dma_start3A_380, %dma_start3A_381] : memref<4x128x128xf32, #tpu.memory_space<vmem>> -> memref<1x128x128xf32, #tpu.memory_space<vmem>>
        %dma_start3A_383 = tpu.memref_squeeze %dma_start3A_382 : memref<1x128x128xf32, #tpu.memory_space<vmem>> -> memref<128x128xf32, #tpu.memory_space<vmem>>
        %dma_start3A_384 = arith.constant 0 : i32
        %dma_start3A_385 = tpu.memref_slice %arg11[%add3A_379, %dma_start3A_384] : memref<204800x128xf32, #tpu.memory_space<hbm>> -> memref<128x128xf32, #tpu.memory_space<hbm>>
        %dma_start3A_386 = tpu.memref_slice %arg21[%select_n3A_336] : memref<4x!tpu.dma_semaphore, #tpu.memory_space<semaphore_mem>> -> memref<1x!tpu.dma_semaphore, #tpu.memory_space<semaphore_mem>>
        %dma_start3A_387 = tpu.memref_squeeze %dma_start3A_386 : memref<1x!tpu.dma_semaphore, #tpu.memory_space<semaphore_mem>> -> memref<!tpu.dma_semaphore, #tpu.memory_space<semaphore_mem>>
        %dma_start3A_388 = arith.constant 0 : i32
        %dma_start3A_389 = tpu.memref_slice %arg11[%add3A_379, %dma_start3A_388] : memref<204800x128xf32, #tpu.memory_space<hbm>> -> memref<128x128xf32, #tpu.memory_space<hbm>>
        %dma_start3A_390 = arith.constant 0 : i32
        %dma_start3A_391 = arith.constant 0 : i32
        %dma_start3A_392 = tpu.memref_slice %arg12[%select_n3A_336, %dma_start3A_390, %dma_start3A_391] : memref<4x128x128xf32, #tpu.memory_space<vmem>> -> memref<1x128x128xf32, #tpu.memory_space<vmem>>
        %dma_start3A_393 = tpu.memref_squeeze %dma_start3A_392 : memref<1x128x128xf32, #tpu.memory_space<vmem>> -> memref<128x128xf32, #tpu.memory_space<vmem>>
        tpu.enqueue_dma source(%dma_start3A_393 : memref<128x128xf32, #tpu.memory_space<vmem>>) target(%dma_start3A_389 : memref<128x128xf32, #tpu.memory_space<hbm>>) target_semaphore(%dma_start3A_387 : memref<!tpu.dma_semaphore, #tpu.memory_space<semaphore_mem>>)
      } else {
      }
    }
    %scan3A_60 = arith.constant 50 : i32
    %dma_wait3A = arith.constant 48 : i32
    %dma_wait3A_61 = arith.constant 0 : i32
    %dma_wait3A_62 = arith.constant 0 : i32
    %dma_wait3A_63 = arith.constant 0 : i32
    %dma_wait3A_64 = arith.constant 0 : i32
    %dma_wait3A_65 = tpu.memref_slice %arg12[%dma_wait3A_61, %dma_wait3A_63, %dma_wait3A_64] : memref<4x128x128xf32, #tpu.memory_space<vmem>> -> memref<1x128x128xf32, #tpu.memory_space<vmem>>
    %dma_wait3A_66 = tpu.memref_squeeze %dma_wait3A_65 : memref<1x128x128xf32, #tpu.memory_space<vmem>> -> memref<128x128xf32, #tpu.memory_space<vmem>>
    %dma_wait3A_67 = arith.constant 0 : i32
    %dma_wait3A_68 = tpu.memref_slice %arg15[%dma_wait3A, %dma_wait3A_67] : memref<50x128xi32, #tpu.memory_space<vmem>> -> memref<1x128xi32, #tpu.memory_space<vmem>>
    %dma_wait3A_69 = tpu.memref_squeeze %dma_wait3A_68 : memref<1x128xi32, #tpu.memory_space<vmem>> -> memref<128xi32, #tpu.memory_space<vmem>>
    %dma_wait3A_70 = arith.constant 0 : i32
    %dma_wait3A_71 = arith.constant 0 : i32
    %dma_wait3A_72 = tpu.memref_slice %arg6[%dma_wait3A_70, %dma_wait3A_71] : memref<100000x128xf32, #tpu.memory_space<hbm>> -> memref<100000x128xf32, #tpu.memory_space<hbm>>
    %dma_wait3A_73 = tpu.memref_slice %arg18[%dma_wait3A_62] : memref<4x!tpu.dma_semaphore, #tpu.memory_space<semaphore_mem>> -> memref<1x!tpu.dma_semaphore, #tpu.memory_space<semaphore_mem>>
    %dma_wait3A_74 = tpu.memref_squeeze %dma_wait3A_73 : memref<1x!tpu.dma_semaphore, #tpu.memory_space<semaphore_mem>> -> memref<!tpu.dma_semaphore, #tpu.memory_space<semaphore_mem>>
    tpu.wait_indirect_dma semaphore(%dma_wait3A_74 : memref<!tpu.dma_semaphore, #tpu.memory_space<semaphore_mem>>) src(%dma_wait3A_72 : memref<100000x128xf32, #tpu.memory_space<hbm>>) dst(%dma_wait3A_66 : memref<128x128xf32, #tpu.memory_space<vmem>>)
    %dma_wait3A_75 = arith.constant 48 : i32
    %dma_wait3A_76 = arith.constant 0 : i32
    %dma_wait3A_77 = arith.constant 0 : i32
    %dma_wait3A_78 = arith.constant 0 : i32
    %dma_wait3A_79 = arith.constant 0 : i32
    %dma_wait3A_80 = tpu.memref_slice %arg12[%dma_wait3A_76, %dma_wait3A_78, %dma_wait3A_79] : memref<4x128x128xf32, #tpu.memory_space<vmem>> -> memref<1x128x128xf32, #tpu.memory_space<vmem>>
    %dma_wait3A_81 = tpu.memref_squeeze %dma_wait3A_80 : memref<1x128x128xf32, #tpu.memory_space<vmem>> -> memref<128x128xf32, #tpu.memory_space<vmem>>
    %dma_wait3A_82 = arith.constant 0 : i32
    %dma_wait3A_83 = tpu.memref_slice %arg16[%dma_wait3A_75, %dma_wait3A_82] : memref<50x128xi32, #tpu.memory_space<vmem>> -> memref<1x128xi32, #tpu.memory_space<vmem>>
    %dma_wait3A_84 = tpu.memref_squeeze %dma_wait3A_83 : memref<1x128xi32, #tpu.memory_space<vmem>> -> memref<128xi32, #tpu.memory_space<vmem>>
    %dma_wait3A_85 = arith.constant 0 : i32
    %dma_wait3A_86 = arith.constant 0 : i32
    %dma_wait3A_87 = tpu.memref_slice %arg22[%dma_wait3A_85, %dma_wait3A_86] : memref<1000x128xf32, #tpu.memory_space<vmem_shared>> -> memref<1000x128xf32, #tpu.memory_space<vmem_shared>>
    %dma_wait3A_88 = tpu.memref_slice %arg19[%dma_wait3A_77] : memref<4x!tpu.dma_semaphore, #tpu.memory_space<semaphore_mem>> -> memref<1x!tpu.dma_semaphore, #tpu.memory_space<semaphore_mem>>
    %dma_wait3A_89 = tpu.memref_squeeze %dma_wait3A_88 : memref<1x!tpu.dma_semaphore, #tpu.memory_space<semaphore_mem>> -> memref<!tpu.dma_semaphore, #tpu.memory_space<semaphore_mem>>
    tpu.wait_indirect_dma semaphore(%dma_wait3A_89 : memref<!tpu.dma_semaphore, #tpu.memory_space<semaphore_mem>>) src(%dma_wait3A_87 : memref<1000x128xf32, #tpu.memory_space<vmem_shared>>) dst(%dma_wait3A_81 : memref<128x128xf32, #tpu.memory_space<vmem>>)
    %dma_wait3A_90 = arith.constant 48 : i32
    %dma_wait3A_91 = arith.constant 0 : i32
    %dma_wait3A_92 = arith.constant 0 : i32
    %dma_wait3A_93 = arith.constant 0 : i32
    %dma_wait3A_94 = arith.constant 0 : i32
    %dma_wait3A_95 = tpu.memref_slice %arg12[%dma_wait3A_91, %dma_wait3A_93, %dma_wait3A_94] : memref<4x128x128xf32, #tpu.memory_space<vmem>> -> memref<1x128x128xf32, #tpu.memory_space<vmem>>
    %dma_wait3A_96 = tpu.memref_squeeze %dma_wait3A_95 : memref<1x128x128xf32, #tpu.memory_space<vmem>> -> memref<128x128xf32, #tpu.memory_space<vmem>>
    %dma_wait3A_97 = arith.constant 0 : i32
    %dma_wait3A_98 = tpu.memref_slice %arg17[%dma_wait3A_90, %dma_wait3A_97] : memref<50x128xi32, #tpu.memory_space<vmem>> -> memref<1x128xi32, #tpu.memory_space<vmem>>
    %dma_wait3A_99 = tpu.memref_squeeze %dma_wait3A_98 : memref<1x128xi32, #tpu.memory_space<vmem>> -> memref<128xi32, #tpu.memory_space<vmem>>
    %dma_wait3A_100 = arith.constant 0 : i32
    %dma_wait3A_101 = arith.constant 0 : i32
    %dma_wait3A_102 = tpu.memref_slice %arg23[%dma_wait3A_100, %dma_wait3A_101] : memref<1000x128xf32, #tpu.memory_space<vmem_shared>> -> memref<1000x128xf32, #tpu.memory_space<vmem_shared>>
    %dma_wait3A_103 = tpu.memref_slice %arg20[%dma_wait3A_92] : memref<4x!tpu.dma_semaphore, #tpu.memory_space<semaphore_mem>> -> memref<1x!tpu.dma_semaphore, #tpu.memory_space<semaphore_mem>>
    %dma_wait3A_104 = tpu.memref_squeeze %dma_wait3A_103 : memref<1x!tpu.dma_semaphore, #tpu.memory_space<semaphore_mem>> -> memref<!tpu.dma_semaphore, #tpu.memory_space<semaphore_mem>>
    tpu.wait_indirect_dma semaphore(%dma_wait3A_104 : memref<!tpu.dma_semaphore, #tpu.memory_space<semaphore_mem>>) src(%dma_wait3A_102 : memref<1000x128xf32, #tpu.memory_space<vmem_shared>>) dst(%dma_wait3A_96 : memref<128x128xf32, #tpu.memory_space<vmem>>)
    %add3A_105 = arith.constant 6144 : i32
    %add3A_106 = arith.addi %mul3A_2, %add3A_105 : i32
    %dma_start3A = arith.constant 0 : i32
    %dma_start3A_107 = arith.constant 0 : i32
    %dma_start3A_108 = arith.constant 0 : i32
    %dma_start3A_109 = arith.constant 0 : i32
    %dma_start3A_110 = tpu.memref_slice %arg12[%dma_start3A, %dma_start3A_108, %dma_start3A_109] : memref<4x128x128xf32, #tpu.memory_space<vmem>> -> memref<1x128x128xf32, #tpu.memory_space<vmem>>
    %dma_start3A_111 = tpu.memref_squeeze %dma_start3A_110 : memref<1x128x128xf32, #tpu.memory_space<vmem>> -> memref<128x128xf32, #tpu.memory_space<vmem>>
    %dma_start3A_112 = arith.constant 0 : i32
    %dma_start3A_113 = tpu.memref_slice %arg11[%add3A_106, %dma_start3A_112] : memref<204800x128xf32, #tpu.memory_space<hbm>> -> memref<128x128xf32, #tpu.memory_space<hbm>>
    %dma_start3A_114 = tpu.memref_slice %arg21[%dma_start3A_107] : memref<4x!tpu.dma_semaphore, #tpu.memory_space<semaphore_mem>> -> memref<1x!tpu.dma_semaphore, #tpu.memory_space<semaphore_mem>>
    %dma_start3A_115 = tpu.memref_squeeze %dma_start3A_114 : memref<1x!tpu.dma_semaphore, #tpu.memory_space<semaphore_mem>> -> memref<!tpu.dma_semaphore, #tpu.memory_space<semaphore_mem>>
    %dma_start3A_116 = arith.constant 0 : i32
    %dma_start3A_117 = tpu.memref_slice %arg11[%add3A_106, %dma_start3A_116] : memref<204800x128xf32, #tpu.memory_space<hbm>> -> memref<128x128xf32, #tpu.memory_space<hbm>>
    %dma_start3A_118 = arith.constant 0 : i32
    %dma_start3A_119 = arith.constant 0 : i32
    %dma_start3A_120 = tpu.memref_slice %arg12[%dma_start3A, %dma_start3A_118, %dma_start3A_119] : memref<4x128x128xf32, #tpu.memory_space<vmem>> -> memref<1x128x128xf32, #tpu.memory_space<vmem>>
    %dma_start3A_121 = tpu.memref_squeeze %dma_start3A_120 : memref<1x128x128xf32, #tpu.memory_space<vmem>> -> memref<128x128xf32, #tpu.memory_space<vmem>>
    tpu.enqueue_dma source(%dma_start3A_121 : memref<128x128xf32, #tpu.memory_space<vmem>>) target(%dma_start3A_117 : memref<128x128xf32, #tpu.memory_space<hbm>>) target_semaphore(%dma_start3A_115 : memref<!tpu.dma_semaphore, #tpu.memory_space<semaphore_mem>>)
    %dma_wait3A_122 = arith.constant 49 : i32
    %dma_wait3A_123 = arith.constant 1 : i32
    %dma_wait3A_124 = arith.constant 1 : i32
    %dma_wait3A_125 = arith.constant 0 : i32
    %dma_wait3A_126 = arith.constant 0 : i32
    %dma_wait3A_127 = tpu.memref_slice %arg12[%dma_wait3A_123, %dma_wait3A_125, %dma_wait3A_126] : memref<4x128x128xf32, #tpu.memory_space<vmem>> -> memref<1x128x128xf32, #tpu.memory_space<vmem>>
    %dma_wait3A_128 = tpu.memref_squeeze %dma_wait3A_127 : memref<1x128x128xf32, #tpu.memory_space<vmem>> -> memref<128x128xf32, #tpu.memory_space<vmem>>
    %dma_wait3A_129 = arith.constant 0 : i32
    %dma_wait3A_130 = tpu.memref_slice %arg15[%dma_wait3A_122, %dma_wait3A_129] : memref<50x128xi32, #tpu.memory_space<vmem>> -> memref<1x128xi32, #tpu.memory_space<vmem>>
    %dma_wait3A_131 = tpu.memref_squeeze %dma_wait3A_130 : memref<1x128xi32, #tpu.memory_space<vmem>> -> memref<128xi32, #tpu.memory_space<vmem>>
    %dma_wait3A_132 = arith.constant 0 : i32
    %dma_wait3A_133 = arith.constant 0 : i32
    %dma_wait3A_134 = tpu.memref_slice %arg6[%dma_wait3A_132, %dma_wait3A_133] : memref<100000x128xf32, #tpu.memory_space<hbm>> -> memref<100000x128xf32, #tpu.memory_space<hbm>>
    %dma_wait3A_135 = tpu.memref_slice %arg18[%dma_wait3A_124] : memref<4x!tpu.dma_semaphore, #tpu.memory_space<semaphore_mem>> -> memref<1x!tpu.dma_semaphore, #tpu.memory_space<semaphore_mem>>
    %dma_wait3A_136 = tpu.memref_squeeze %dma_wait3A_135 : memref<1x!tpu.dma_semaphore, #tpu.memory_space<semaphore_mem>> -> memref<!tpu.dma_semaphore, #tpu.memory_space<semaphore_mem>>
    tpu.wait_indirect_dma semaphore(%dma_wait3A_136 : memref<!tpu.dma_semaphore, #tpu.memory_space<semaphore_mem>>) src(%dma_wait3A_134 : memref<100000x128xf32, #tpu.memory_space<hbm>>) dst(%dma_wait3A_128 : memref<128x128xf32, #tpu.memory_space<vmem>>)
    %dma_wait3A_137 = arith.constant 49 : i32
    %dma_wait3A_138 = arith.constant 1 : i32
    %dma_wait3A_139 = arith.constant 1 : i32
    %dma_wait3A_140 = arith.constant 0 : i32
    %dma_wait3A_141 = arith.constant 0 : i32
    %dma_wait3A_142 = tpu.memref_slice %arg12[%dma_wait3A_138, %dma_wait3A_140, %dma_wait3A_141] : memref<4x128x128xf32, #tpu.memory_space<vmem>> -> memref<1x128x128xf32, #tpu.memory_space<vmem>>
    %dma_wait3A_143 = tpu.memref_squeeze %dma_wait3A_142 : memref<1x128x128xf32, #tpu.memory_space<vmem>> -> memref<128x128xf32, #tpu.memory_space<vmem>>
    %dma_wait3A_144 = arith.constant 0 : i32
    %dma_wait3A_145 = tpu.memref_slice %arg16[%dma_wait3A_137, %dma_wait3A_144] : memref<50x128xi32, #tpu.memory_space<vmem>> -> memref<1x128xi32, #tpu.memory_space<vmem>>
    %dma_wait3A_146 = tpu.memref_squeeze %dma_wait3A_145 : memref<1x128xi32, #tpu.memory_space<vmem>> -> memref<128xi32, #tpu.memory_space<vmem>>
    %dma_wait3A_147 = arith.constant 0 : i32
    %dma_wait3A_148 = arith.constant 0 : i32
    %dma_wait3A_149 = tpu.memref_slice %arg22[%dma_wait3A_147, %dma_wait3A_148] : memref<1000x128xf32, #tpu.memory_space<vmem_shared>> -> memref<1000x128xf32, #tpu.memory_space<vmem_shared>>
    %dma_wait3A_150 = tpu.memref_slice %arg19[%dma_wait3A_139] : memref<4x!tpu.dma_semaphore, #tpu.memory_space<semaphore_mem>> -> memref<1x!tpu.dma_semaphore, #tpu.memory_space<semaphore_mem>>
    %dma_wait3A_151 = tpu.memref_squeeze %dma_wait3A_150 : memref<1x!tpu.dma_semaphore, #tpu.memory_space<semaphore_mem>> -> memref<!tpu.dma_semaphore, #tpu.memory_space<semaphore_mem>>
    tpu.wait_indirect_dma semaphore(%dma_wait3A_151 : memref<!tpu.dma_semaphore, #tpu.memory_space<semaphore_mem>>) src(%dma_wait3A_149 : memref<1000x128xf32, #tpu.memory_space<vmem_shared>>) dst(%dma_wait3A_143 : memref<128x128xf32, #tpu.memory_space<vmem>>)
    %dma_wait3A_152 = arith.constant 49 : i32
    %dma_wait3A_153 = arith.constant 1 : i32
    %dma_wait3A_154 = arith.constant 1 : i32
    %dma_wait3A_155 = arith.constant 0 : i32
    %dma_wait3A_156 = arith.constant 0 : i32
    %dma_wait3A_157 = tpu.memref_slice %arg12[%dma_wait3A_153, %dma_wait3A_155, %dma_wait3A_156] : memref<4x128x128xf32, #tpu.memory_space<vmem>> -> memref<1x128x128xf32, #tpu.memory_space<vmem>>
    %dma_wait3A_158 = tpu.memref_squeeze %dma_wait3A_157 : memref<1x128x128xf32, #tpu.memory_space<vmem>> -> memref<128x128xf32, #tpu.memory_space<vmem>>
    %dma_wait3A_159 = arith.constant 0 : i32
    %dma_wait3A_160 = tpu.memref_slice %arg17[%dma_wait3A_152, %dma_wait3A_159] : memref<50x128xi32, #tpu.memory_space<vmem>> -> memref<1x128xi32, #tpu.memory_space<vmem>>
    %dma_wait3A_161 = tpu.memref_squeeze %dma_wait3A_160 : memref<1x128xi32, #tpu.memory_space<vmem>> -> memref<128xi32, #tpu.memory_space<vmem>>
    %dma_wait3A_162 = arith.constant 0 : i32
    %dma_wait3A_163 = arith.constant 0 : i32
    %dma_wait3A_164 = tpu.memref_slice %arg23[%dma_wait3A_162, %dma_wait3A_163] : memref<1000x128xf32, #tpu.memory_space<vmem_shared>> -> memref<1000x128xf32, #tpu.memory_space<vmem_shared>>
    %dma_wait3A_165 = tpu.memref_slice %arg20[%dma_wait3A_154] : memref<4x!tpu.dma_semaphore, #tpu.memory_space<semaphore_mem>> -> memref<1x!tpu.dma_semaphore, #tpu.memory_space<semaphore_mem>>
    %dma_wait3A_166 = tpu.memref_squeeze %dma_wait3A_165 : memref<1x!tpu.dma_semaphore, #tpu.memory_space<semaphore_mem>> -> memref<!tpu.dma_semaphore, #tpu.memory_space<semaphore_mem>>
    tpu.wait_indirect_dma semaphore(%dma_wait3A_166 : memref<!tpu.dma_semaphore, #tpu.memory_space<semaphore_mem>>) src(%dma_wait3A_164 : memref<1000x128xf32, #tpu.memory_space<vmem_shared>>) dst(%dma_wait3A_158 : memref<128x128xf32, #tpu.memory_space<vmem>>)
    %add3A_167 = arith.constant 6272 : i32
    %add3A_168 = arith.addi %mul3A_2, %add3A_167 : i32
    %dma_start3A_169 = arith.constant 1 : i32
    %dma_start3A_170 = arith.constant 1 : i32
    %dma_start3A_171 = arith.constant 0 : i32
    %dma_start3A_172 = arith.constant 0 : i32
    %dma_start3A_173 = tpu.memref_slice %arg12[%dma_start3A_169, %dma_start3A_171, %dma_start3A_172] : memref<4x128x128xf32, #tpu.memory_space<vmem>> -> memref<1x128x128xf32, #tpu.memory_space<vmem>>
    %dma_start3A_174 = tpu.memref_squeeze %dma_start3A_173 : memref<1x128x128xf32, #tpu.memory_space<vmem>> -> memref<128x128xf32, #tpu.memory_space<vmem>>
    %dma_start3A_175 = arith.constant 0 : i32
    %dma_start3A_176 = tpu.memref_slice %arg11[%add3A_168, %dma_start3A_175] : memref<204800x128xf32, #tpu.memory_space<hbm>> -> memref<128x128xf32, #tpu.memory_space<hbm>>
    %dma_start3A_177 = tpu.memref_slice %arg21[%dma_start3A_170] : memref<4x!tpu.dma_semaphore, #tpu.memory_space<semaphore_mem>> -> memref<1x!tpu.dma_semaphore, #tpu.memory_space<semaphore_mem>>
    %dma_start3A_178 = tpu.memref_squeeze %dma_start3A_177 : memref<1x!tpu.dma_semaphore, #tpu.memory_space<semaphore_mem>> -> memref<!tpu.dma_semaphore, #tpu.memory_space<semaphore_mem>>
    %dma_start3A_179 = arith.constant 0 : i32
    %dma_start3A_180 = tpu.memref_slice %arg11[%add3A_168, %dma_start3A_179] : memref<204800x128xf32, #tpu.memory_space<hbm>> -> memref<128x128xf32, #tpu.memory_space<hbm>>
    %dma_start3A_181 = arith.constant 0 : i32
    %dma_start3A_182 = arith.constant 0 : i32
    %dma_start3A_183 = tpu.memref_slice %arg12[%dma_start3A_169, %dma_start3A_181, %dma_start3A_182] : memref<4x128x128xf32, #tpu.memory_space<vmem>> -> memref<1x128x128xf32, #tpu.memory_space<vmem>>
    %dma_start3A_184 = tpu.memref_squeeze %dma_start3A_183 : memref<1x128x128xf32, #tpu.memory_space<vmem>> -> memref<128x128xf32, #tpu.memory_space<vmem>>
    tpu.enqueue_dma source(%dma_start3A_184 : memref<128x128xf32, #tpu.memory_space<vmem>>) target(%dma_start3A_180 : memref<128x128xf32, #tpu.memory_space<hbm>>) target_semaphore(%dma_start3A_178 : memref<!tpu.dma_semaphore, #tpu.memory_space<semaphore_mem>>)
    %add3A_185 = arith.constant 5888 : i32
    %add3A_186 = arith.addi %mul3A_2, %add3A_185 : i32
    %dma_wait3A_187 = arith.constant 2 : i32
    %dma_wait3A_188 = arith.constant 2 : i32
    %dma_wait3A_189 = arith.constant 0 : i32
    %dma_wait3A_190 = arith.constant 0 : i32
    %dma_wait3A_191 = tpu.memref_slice %arg12[%dma_wait3A_187, %dma_wait3A_189, %dma_wait3A_190] : memref<4x128x128xf32, #tpu.memory_space<vmem>> -> memref<1x128x128xf32, #tpu.memory_space<vmem>>
    %dma_wait3A_192 = tpu.memref_squeeze %dma_wait3A_191 : memref<1x128x128xf32, #tpu.memory_space<vmem>> -> memref<128x128xf32, #tpu.memory_space<vmem>>
    %dma_wait3A_193 = arith.constant 0 : i32
    %dma_wait3A_194 = tpu.memref_slice %arg11[%add3A_186, %dma_wait3A_193] : memref<204800x128xf32, #tpu.memory_space<hbm>> -> memref<128x128xf32, #tpu.memory_space<hbm>>
    %dma_wait3A_195 = tpu.memref_slice %arg21[%dma_wait3A_188] : memref<4x!tpu.dma_semaphore, #tpu.memory_space<semaphore_mem>> -> memref<1x!tpu.dma_semaphore, #tpu.memory_space<semaphore_mem>>
    %dma_wait3A_196 = tpu.memref_squeeze %dma_wait3A_195 : memref<1x!tpu.dma_semaphore, #tpu.memory_space<semaphore_mem>> -> memref<!tpu.dma_semaphore, #tpu.memory_space<semaphore_mem>>
    %dma_wait3A_197 = arith.constant 0 : i32
    %dma_wait3A_198 = tpu.memref_slice %arg11[%add3A_186, %dma_wait3A_197] : memref<204800x128xf32, #tpu.memory_space<hbm>> -> memref<128x128xf32, #tpu.memory_space<hbm>>
    %dma_wait3A_199 = arith.constant 0 : i32
    %dma_wait3A_200 = arith.constant 0 : i32
    %dma_wait3A_201 = tpu.memref_slice %arg12[%dma_wait3A_187, %dma_wait3A_199, %dma_wait3A_200] : memref<4x128x128xf32, #tpu.memory_space<vmem>> -> memref<1x128x128xf32, #tpu.memory_space<vmem>>
    %dma_wait3A_202 = tpu.memref_squeeze %dma_wait3A_201 : memref<1x128x128xf32, #tpu.memory_space<vmem>> -> memref<128x128xf32, #tpu.memory_space<vmem>>
    tpu.wait_dma2 semaphore(%dma_wait3A_196 : memref<!tpu.dma_semaphore, #tpu.memory_space<semaphore_mem>>) src(%dma_wait3A_202 : memref<128x128xf32, #tpu.memory_space<vmem>>) dst(%dma_wait3A_198 : memref<128x128xf32, #tpu.memory_space<hbm>>)
    %add3A_203 = arith.constant 6016 : i32
    %add3A_204 = arith.addi %mul3A_2, %add3A_203 : i32
    %dma_wait3A_205 = arith.constant 3 : i32
    %dma_wait3A_206 = arith.constant 3 : i32
    %dma_wait3A_207 = arith.constant 0 : i32
    %dma_wait3A_208 = arith.constant 0 : i32
    %dma_wait3A_209 = tpu.memref_slice %arg12[%dma_wait3A_205, %dma_wait3A_207, %dma_wait3A_208] : memref<4x128x128xf32, #tpu.memory_space<vmem>> -> memref<1x128x128xf32, #tpu.memory_space<vmem>>
    %dma_wait3A_210 = tpu.memref_squeeze %dma_wait3A_209 : memref<1x128x128xf32, #tpu.memory_space<vmem>> -> memref<128x128xf32, #tpu.memory_space<vmem>>
    %dma_wait3A_211 = arith.constant 0 : i32
    %dma_wait3A_212 = tpu.memref_slice %arg11[%add3A_204, %dma_wait3A_211] : memref<204800x128xf32, #tpu.memory_space<hbm>> -> memref<128x128xf32, #tpu.memory_space<hbm>>
    %dma_wait3A_213 = tpu.memref_slice %arg21[%dma_wait3A_206] : memref<4x!tpu.dma_semaphore, #tpu.memory_space<semaphore_mem>> -> memref<1x!tpu.dma_semaphore, #tpu.memory_space<semaphore_mem>>
    %dma_wait3A_214 = tpu.memref_squeeze %dma_wait3A_213 : memref<1x!tpu.dma_semaphore, #tpu.memory_space<semaphore_mem>> -> memref<!tpu.dma_semaphore, #tpu.memory_space<semaphore_mem>>
    %dma_wait3A_215 = arith.constant 0 : i32
    %dma_wait3A_216 = tpu.memref_slice %arg11[%add3A_204, %dma_wait3A_215] : memref<204800x128xf32, #tpu.memory_space<hbm>> -> memref<128x128xf32, #tpu.memory_space<hbm>>
    %dma_wait3A_217 = arith.constant 0 : i32
    %dma_wait3A_218 = arith.constant 0 : i32
    %dma_wait3A_219 = tpu.memref_slice %arg12[%dma_wait3A_205, %dma_wait3A_217, %dma_wait3A_218] : memref<4x128x128xf32, #tpu.memory_space<vmem>> -> memref<1x128x128xf32, #tpu.memory_space<vmem>>
    %dma_wait3A_220 = tpu.memref_squeeze %dma_wait3A_219 : memref<1x128x128xf32, #tpu.memory_space<vmem>> -> memref<128x128xf32, #tpu.memory_space<vmem>>
    tpu.wait_dma2 semaphore(%dma_wait3A_214 : memref<!tpu.dma_semaphore, #tpu.memory_space<semaphore_mem>>) src(%dma_wait3A_220 : memref<128x128xf32, #tpu.memory_space<vmem>>) dst(%dma_wait3A_216 : memref<128x128xf32, #tpu.memory_space<hbm>>)
    %add3A_221 = arith.constant 6144 : i32
    %add3A_222 = arith.addi %mul3A_2, %add3A_221 : i32
    %dma_wait3A_223 = arith.constant 0 : i32
    %dma_wait3A_224 = arith.constant 0 : i32
    %dma_wait3A_225 = arith.constant 0 : i32
    %dma_wait3A_226 = arith.constant 0 : i32
    %dma_wait3A_227 = tpu.memref_slice %arg12[%dma_wait3A_223, %dma_wait3A_225, %dma_wait3A_226] : memref<4x128x128xf32, #tpu.memory_space<vmem>> -> memref<1x128x128xf32, #tpu.memory_space<vmem>>
    %dma_wait3A_228 = tpu.memref_squeeze %dma_wait3A_227 : memref<1x128x128xf32, #tpu.memory_space<vmem>> -> memref<128x128xf32, #tpu.memory_space<vmem>>
    %dma_wait3A_229 = arith.constant 0 : i32
    %dma_wait3A_230 = tpu.memref_slice %arg11[%add3A_222, %dma_wait3A_229] : memref<204800x128xf32, #tpu.memory_space<hbm>> -> memref<128x128xf32, #tpu.memory_space<hbm>>
    %dma_wait3A_231 = tpu.memref_slice %arg21[%dma_wait3A_224] : memref<4x!tpu.dma_semaphore, #tpu.memory_space<semaphore_mem>> -> memref<1x!tpu.dma_semaphore, #tpu.memory_space<semaphore_mem>>
    %dma_wait3A_232 = tpu.memref_squeeze %dma_wait3A_231 : memref<1x!tpu.dma_semaphore, #tpu.memory_space<semaphore_mem>> -> memref<!tpu.dma_semaphore, #tpu.memory_space<semaphore_mem>>
    %dma_wait3A_233 = arith.constant 0 : i32
    %dma_wait3A_234 = tpu.memref_slice %arg11[%add3A_222, %dma_wait3A_233] : memref<204800x128xf32, #tpu.memory_space<hbm>> -> memref<128x128xf32, #tpu.memory_space<hbm>>
    %dma_wait3A_235 = arith.constant 0 : i32
    %dma_wait3A_236 = arith.constant 0 : i32
    %dma_wait3A_237 = tpu.memref_slice %arg12[%dma_wait3A_223, %dma_wait3A_235, %dma_wait3A_236] : memref<4x128x128xf32, #tpu.memory_space<vmem>> -> memref<1x128x128xf32, #tpu.memory_space<vmem>>
    %dma_wait3A_238 = tpu.memref_squeeze %dma_wait3A_237 : memref<1x128x128xf32, #tpu.memory_space<vmem>> -> memref<128x128xf32, #tpu.memory_space<vmem>>
    tpu.wait_dma2 semaphore(%dma_wait3A_232 : memref<!tpu.dma_semaphore, #tpu.memory_space<semaphore_mem>>) src(%dma_wait3A_238 : memref<128x128xf32, #tpu.memory_space<vmem>>) dst(%dma_wait3A_234 : memref<128x128xf32, #tpu.memory_space<hbm>>)
    %add3A_239 = arith.constant 6272 : i32
    %add3A_240 = arith.addi %mul3A_2, %add3A_239 : i32
    %dma_wait3A_241 = arith.constant 1 : i32
    %dma_wait3A_242 = arith.constant 1 : i32
    %dma_wait3A_243 = arith.constant 0 : i32
    %dma_wait3A_244 = arith.constant 0 : i32
    %dma_wait3A_245 = tpu.memref_slice %arg12[%dma_wait3A_241, %dma_wait3A_243, %dma_wait3A_244] : memref<4x128x128xf32, #tpu.memory_space<vmem>> -> memref<1x128x128xf32, #tpu.memory_space<vmem>>
    %dma_wait3A_246 = tpu.memref_squeeze %dma_wait3A_245 : memref<1x128x128xf32, #tpu.memory_space<vmem>> -> memref<128x128xf32, #tpu.memory_space<vmem>>
    %dma_wait3A_247 = arith.constant 0 : i32
    %dma_wait3A_248 = tpu.memref_slice %arg11[%add3A_240, %dma_wait3A_247] : memref<204800x128xf32, #tpu.memory_space<hbm>> -> memref<128x128xf32, #tpu.memory_space<hbm>>
    %dma_wait3A_249 = tpu.memref_slice %arg21[%dma_wait3A_242] : memref<4x!tpu.dma_semaphore, #tpu.memory_space<semaphore_mem>> -> memref<1x!tpu.dma_semaphore, #tpu.memory_space<semaphore_mem>>
    %dma_wait3A_250 = tpu.memref_squeeze %dma_wait3A_249 : memref<1x!tpu.dma_semaphore, #tpu.memory_space<semaphore_mem>> -> memref<!tpu.dma_semaphore, #tpu.memory_space<semaphore_mem>>
    %dma_wait3A_251 = arith.constant 0 : i32
    %dma_wait3A_252 = tpu.memref_slice %arg11[%add3A_240, %dma_wait3A_251] : memref<204800x128xf32, #tpu.memory_space<hbm>> -> memref<128x128xf32, #tpu.memory_space<hbm>>
    %dma_wait3A_253 = arith.constant 0 : i32
    %dma_wait3A_254 = arith.constant 0 : i32
    %dma_wait3A_255 = tpu.memref_slice %arg12[%dma_wait3A_241, %dma_wait3A_253, %dma_wait3A_254] : memref<4x128x128xf32, #tpu.memory_space<vmem>> -> memref<1x128x128xf32, #tpu.memory_space<vmem>>
    %dma_wait3A_256 = tpu.memref_squeeze %dma_wait3A_255 : memref<1x128x128xf32, #tpu.memory_space<vmem>> -> memref<128x128xf32, #tpu.memory_space<vmem>>
    tpu.wait_dma2 semaphore(%dma_wait3A_250 : memref<!tpu.dma_semaphore, #tpu.memory_space<semaphore_mem>>) src(%dma_wait3A_256 : memref<128x128xf32, #tpu.memory_space<vmem>>) dst(%dma_wait3A_252 : memref<128x128xf32, #tpu.memory_space<hbm>>)
    return
  }
}

</mosaic_0001>

<sc_bundles>
// kernel: kernel.3.cloned.1.call-start
scs
__scs_entry_jumppad:
0x0: {  	(pc) =	sbr.rel $0x88, $3  }
0x1: {  	(tag) =	ssettag $0x0;
	lr =	simm.s32 $0x1  }
0x2: {  	[smem:$0x3F98] =	sst lr;
	_ =	strace $0xD0000000  }
0x3: {  	_ = 	snop  }
0x4: {  	_ = 	snop  }
0x5: {  	_ = 	snop  }
0x6: {  	_ = 	snop  }
0x7: {  	_ = 	snop  }
__scs_overlays_trampoline_lowered:
0x8: {  	[smem:$0x3FA7] =	sst s0  }
0x9: {  	[smem:$0x3FA8] =	sst s1  }
0xa: {  	[smem:$0x3FA9] =	sst s2  }
0xb: {  	[smem:$0x3FAA] =	sst s3  }
0xc: {  	[smem:$0x3FAB] =	sst s4  }
0xd: {  	[smem:$0x3FAC] =	sst s5  }
0xe: {  	[smem:$0x3FAD] =	sst s6  }
0xf: {  	[smem:$0x3FAE] =	sst s7  }
0x10: {  	[smem:$0x3FAF] =	sst s8  }
0x11: {  	[smem:$0x3FB0] =	sst s9;
	s0 =	simm.s32 @!p0 $0x0  }
0x12: {  	s1 =	sld [smem:$0x3F96];
	s0 =	simm.s32 @p0 $0x1  }
0x13: {  	[smem:$0x3FB1] =	sst s0;
	s0 =	simm.s32 @!p1 $0x0  }
0x14: {  	s2 =	sld [smem:$0x3F95];
	s0 =	simm.s32 @p1 $0x1  }
0x15: {  	[smem:$0x3FB2] =	sst s0;
	s0 =	simm.s32 @!p2 $0x0  }
0x16: {  	s3 =	sld [smem:$0x3FDB];
	s0 =	simm.s32 @p2 $0x1  }
0x17: {  	s4 =	simm.s32 $0x1BF5;
	[smem:$0x3FB4] =	sst s0  }
0x18: {  	s0 =	sld [smem:$0x3F97];
	_ =	swait.ge [sflag:s4], $0x0  }
0x19: {  	s7 =	sld [smem:$0x3F98]  }
0x1a: {  	s8 =	sadd.s32 $0xFFFFE003, lr  }
0x1b: {  	s9 =	sadd.s32 $0xFFFFFEF7, lr;
	s5 =	simm.s32 $0xFFFFFFFF;
	p2 =	slt.u32 s8, $0xFFFFF086  }
0x1c: {  	p1 =	slt.u32 s9, $0xF7A;
	s5 =	simm.s32 @!p2 $0x0  }
0x1d: {  	s5 =	simm.s32 @p1 $0x1;
	p0 =	seq.s32 s7, s2  }
0x1e: {  	s7 =	smul.u32 @!p0 $0xF7A, s2;
	p2 =	seq.s32 @!p0 s5, $0x0  }
0x1f: {  	s9 =	smul.u32 $0xF7A, s1;
	s8 =	simm.s32 @!p0 $0x1BF5;
	p2 =	por !p2, p0  }
0x20: {  	[sflag:s8] =	ssyncset.s32 @!p0 $0xFFFFF086;
	s6 =	sadd.s32 @!p0 s3, s7;
	s7 =	simm.s32 @!p0 $0x108  }
0x21: {  	s3 =	sadd.s32 s3, s9;
	s6 =	sadd.s32 @!p0 $0x88, s6;
	s7 =	simm.s32 @p2 $0x1082  }
0x22: {  	[simem:s7], [sflag:s8] =	dma.local @!p0 [hbm:s6], $0xF7A  }
0x23: {  	s9 =	sor.u32 $0xD0000000, s2;
	s6 =	simm.s32 $0x108;
	_ =	swait.ge @!p0 [sflag:s8], $0x0  }
0x24: {  	s3 =	sadd.s32 $0x88, s3;
	s6 =	simm.s32 @!p1 $0x1082;
	[sflag:s4] =	ssyncset.s32 $0xFFFFF086  }
0x25: {  	[simem:s6], [sflag:s4] =	dma.local [hbm:s3], $0xF7A  }
0x26: {  	[smem:$0x3F98] =	sst s1;
	(tag) =	ssettag s2;
	_ =	strace s9  }
0x27: {  	s1 =	sld [smem:$0x3FA8]  }
0x28: {  	s2 =	sld [smem:$0x3FA9]  }
0x29: {  	s4 =	sld [smem:$0x3FAB]  }
0x2a: {  	p0 =	seq.s32 s5, $0x0;
	s5 =	sld [smem:$0x3FAC]  }
0x2b: {  	s6 =	sld [smem:$0x3FAD]  }
0x2c: {  	s7 =	sld [smem:$0x3FAE]  }
0x2d: {  	s3 =	simm.s32 $0x108;
	s8 =	sld [smem:$0x3FAF]  }
0x2e: {  	s3 =	simm.s32 @!p0 $0x1082;
	s9 =	sld [smem:$0x3FB0]  }
0x2f: {  	lr =	sadd.s32 s0, s3;
	s0 =	sld [smem:$0x3FA7]  }
0x30: {  	s3 =	sld [smem:$0x3FAA]  }
0x31: {  	[smem:$0x3FB3] =	sst s10  }
0x32: {  	s10 =	sld [smem:$0x3FB1];
	_ =	sdelay $0x3  }
0x33: {  	p0 =	seq.s32 s10, $0x1;
	s10 =	sld [smem:$0x3FB3];
	_ =	sdelay $0x3  }
0x34: {  	[smem:$0x3FB3] =	sst s10  }
0x35: {  	s10 =	sld [smem:$0x3FB2];
	_ =	sdelay $0x3  }
0x36: {  	p1 =	seq.s32 s10, $0x1;
	s10 =	sld [smem:$0x3FB3];
	_ =	sdelay $0x3  }
0x37: {  	[smem:$0x3FB3] =	sst s10  }
0x38: {  	s10 =	sld [smem:$0x3FB4]  }
0x39: {  	_ = 	snop;
	(pc) =	sbr.ind lr, $3  }
0x3a: {  	_ = 	snop  }
0x3b: {  	_ = 	snop  }
0x3c: {  	p2 =	seq.s32 s10, $0x1;
	s10 =	sld [smem:$0x3FB3]  }
0x3d: {  	_ =	shalt  }
0x3e: {  	_ =	shalt  }
0x3f: {  	_ =	shalt  }
0x40: {  	_ =	shalt  }
0x41: {  	_ =	shalt  }
0x42: {  	_ =	shalt  }
0x43: {  	_ =	shalt  }
0x44: {  	_ =	shalt  }
0x45: {  	_ =	shalt  }
0x46: {  	_ =	shalt  }
0x47: {  	_ =	shalt  }
0x48: {  	_ =	shalt  }
0x49: {  	_ =	shalt  }
0x4a: {  	_ =	shalt  }
0x4b: {  	_ =	shalt  }
0x4c: {  	_ =	shalt  }
0x4d: {  	_ =	shalt  }
0x4e: {  	_ =	shalt  }
0x4f: {  	_ =	shalt  }
0x50: {  	_ =	shalt  }
0x51: {  	_ =	shalt  }
0x52: {  	_ =	shalt  }
0x53: {  	_ =	shalt  }
0x54: {  	_ =	shalt  }
0x55: {  	_ =	shalt  }
0x56: {  	_ =	shalt  }
0x57: {  	_ =	shalt  }
0x58: {  	_ =	shalt  }
0x59: {  	_ =	shalt  }
0x5a: {  	_ =	shalt  }
0x5b: {  	_ =	shalt  }
0x5c: {  	_ =	shalt  }
0x5d: {  	_ =	shalt  }
0x5e: {  	_ =	shalt  }
0x5f: {  	_ =	shalt  }
0x60: {  	_ =	shalt  }
0x61: {  	_ =	shalt  }
0x62: {  	_ =	shalt  }
0x63: {  	_ =	shalt  }
0x64: {  	_ =	shalt  }
0x65: {  	_ =	shalt  }
0x66: {  	_ =	shalt  }
0x67: {  	_ =	shalt  }
0x68: {  	_ =	shalt  }
0x69: {  	_ =	shalt  }
0x6a: {  	_ =	shalt  }
0x6b: {  	_ =	shalt  }
0x6c: {  	_ =	shalt  }
0x6d: {  	_ =	shalt  }
0x6e: {  	_ =	shalt  }
0x6f: {  	_ =	shalt  }
0x70: {  	_ =	shalt  }
0x71: {  	_ =	shalt  }
0x72: {  	_ =	shalt  }
0x73: {  	_ =	shalt  }
0x74: {  	_ =	shalt  }
0x75: {  	_ =	shalt  }
0x76: {  	_ =	shalt  }
0x77: {  	_ =	shalt  }
0x78: {  	_ =	shalt  }
0x79: {  	_ =	shalt  }
0x7a: {  	_ =	shalt  }
0x7b: {  	_ =	shalt  }
0x7c: {  	_ =	shalt  }
0x7d: {  	_ =	shalt  }
0x7e: {  	_ =	shalt  }
0x7f: {  	_ =	shalt  }
0x80: {  	_ =	shalt  }
0x81: {  	_ =	shalt  }
0x82: {  	_ =	shalt  }
0x83: {  	_ =	shalt  }
0x84: {  	_ =	shalt  }
0x85: {  	_ =	shalt  }
0x86: {  	_ =	shalt  }
0x87: {  	_ =	shalt  }
.Lfunc_end0:
.L_simem_size_0:
called_computation_lowered:
.L_overlay_start_0:
0x88: {  	s2 =	sld [smem:$0x3FD9]  }
0x89: {  	s3 =	sld [smem:$0x3FFE];
	_ =	sdelay $0x1  }
0x8a: {  	s1 =	srdreg.scid  }
0x8b: {  	s0 =	sand.u32 $0x1, s1  }
0x8c: {  	s17 =	sshll.u32 s0, $0xA;
	s2 =	sadd.s32 s3, s2  }
0x8d: {  	s2 =	sadd.s32 s2, s17  }
0x8e: {  	[smem:$0x3FBF] =	sst s2  }
0x8f: {  	_ = 	snop  }
0x90: {  	s2 =	sld [smem:$0x3FC5]  }
0x91: {  	s18 =	sld [smem:$0x3FC4]  }
0x92: {  	s4 =	sld [smem:$0x3FC3]  }
0x93: {  	s5 =	sld [smem:$0x3FC2]  }
0x94: {  	s6 =	sld [smem:$0x3FC1]  }
0x95: {  	s7 =	sld [smem:$0x3FD0];
	(tm) =	ssettm $0x1  }
0x96: {  	s8 =	sld [smem:$0x3FFB];
	_ =	sdelay $0x3  }
0x97: {  	_ =	strace s8  }
0x98: {  	s8 =	sld [smem:$0x3FFC];
	_ =	sdelay $0x3  }
0x99: {  	_ =	strace s8  }
0x9a: {  	s8 =	sld [smem:$0x3FFD];
	_ =	sdelay $0x3  }
0x9b: {  	_ =	strace s8  }
0x9c: {  	_ =	strace $0x8FFFFFFF  }
0x9d: {  	s19 =	sld [smem:$0x3FDB];
	_ =	sdelay $0x1  }
0x9e: {  	s9 =	simm.s32 $_scs_section_size  }
0x9f: {  	s10 =	simm.s32 $_size__tile_overlayer_lowered;
	s11 =	simm.s32 $_tile_overlayer_lowered  }
0xa0: {  	s22 =	simm.s32 $0x1BFF;
	s21 =	sshll.u32 s11, $0x1;
	s8 =	sadd.s32 s9, s19  }
0xa1: {  	s12 =	simm.s32 $0x0;
	s20 =	sshll.u32 s10, $0x1;
	s10 =	sadd.s32 s21, s8  }
0xa2: {  	[timem:s12], [sflag:s22] =	dma.local [hbm:s10], s20  }
0xa3: {  	_ =	swait.ge [sflag:s22], s20  }
0xa4: {  	s9 =	ssub.s32 $0x0, s20;
	[sflag:s22] =	ssyncset.done $0x0  }
0xa5: {  	[sflag:s22] =	ssyncadd.s32 s9;
	_ =	sdelay $0x1  }
0xa6: {  	s23 =	simm.s32 $0x1B8B  }
0xa7: {  	_ =	swait.ge [sflag:s23], $0x1  }
0xa8: {  	[sflag:s23] =	ssyncset.done $0x0  }
0xa9: {  	s25 =	simm.s32 $0x1B8E;
	s24 =	sld [smem:$0x3FFE];
	[sflag:s23] =	ssyncadd.s32 $0xFFFFFFFF  }
0xaa: {  	s26 =	simm.s32 $execute0_lowered;
	[smem:$0x3FD2] =	sst s25  }
0xab: {  	s10 =	sshll.u32 s26, $0x1;
	_ =	strace $0x80000046;
	[dreg:$0x1] =	wrdreg $0xFFFFFFFF  }
0xac: {  	s28 =	simm.s32 $_size_execute0_lowered;
	s8 =	sadd.s32 s8, s10;
	[dreg:$0x0] =	wrdreg $0x0  }
0xad: {  	s10 =	sshll.u32 s28, $0x1;
	[dreg:$0x2] =	wrdreg s8  }
0xae: {  	[dreg:$0x3] =	wrdreg s10  }
0xaf: {  	[dreg:$0x4] =	wrdreg $0xC0  }
0xb0: {  	_ =	task [dreg:s12], $0x5FFFF  }
0xb1: {  	[dreg:$0x1] =	wrdreg $0xFFFFFFFF  }
0xb2: {  	[dreg:$0x0] =	wrdreg $0x60  }
0xb3: {  	[dreg:$0x2] =	wrdreg s24  }
0xb4: {  	[dreg:$0x3] =	wrdreg s2  }
0xb5: {  	[dreg:$0x4] =	wrdreg s18  }
0xb6: {  	[dreg:$0x5] =	wrdreg s4  }
0xb7: {  	[dreg:$0x6] =	wrdreg s5  }
0xb8: {  	[dreg:$0x7] =	wrdreg s6  }
0xb9: {  	[dreg:$0x8] =	wrdreg s7  }
0xba: {  	[dreg:$0x9] =	wrdreg $0x170800  }
0xbb: {  	[dreg:$0xa] =	wrdreg $0x18FC00  }
0xbc: {  	[dreg:$0xb] =	wrdreg $0x9  }
0xbd: {  	_ =	task.clear_ibuf [dreg:s12], $0xCFFFF;
	_ =	strace $0x90000046  }
0xbe: {  	s29 =	simm.s32 $0x9;
	_ =	strace $0x80000048  }
0xbf: {  	_ =	swait.ge [sflag:s29], $0x1  }
0xc0: {  	[sflag:s29] =	ssyncadd.s32 $0xFFFFFFFF  }
0xc1: {  	_ =	strace $0x90000048  }
0xc2: {  	_ =	sfence  }
0xc3: {  	s30 =	sld [smem:$0x0];
	_ =	sdelay $0x2  }
0xc4: {  	s31 =	sshll.u32 s1, $0xD;
	s1 =	sshrl.u32 s1, $0x2  }
0xc5: {  	s3 =	sand.u32 $0x4000, s31;
	s1 =	sadd.s32 s1, s30  }
0xc6: {  	s0 =	sor.u32 s3, s0;
	s1 =	sshll.u32 s1, $0x11  }
0xc7: {  	s0 =	sor.u32 s1, s0  }
0xc8: {  	s0 =	sadd.s32 $0x8F2B, s0  }
0xc9: {  	[sflag:s0] =	ssyncadd.remote.s32 $0x1  }
0xca: {  	_ =	sfence.sel $0xFFFF  }
0xcb: {  	[dreg:$0x0] =	wrdreg $0xFFFFFFFF;
	(pc) =	sbr.abs _section_cstart, $3  }
0xcc: {  	[dreg:$0x1] =	wrdreg $0xFFFFFFFF  }
0xcd: {  	_ =	task.clear_ibuf [dreg:s12], $0x2FFFF;
	_ =	strace $0x9FFFFFFF  }
0xce: {  	(tm) =	ssettm $0x7FFFFFFF  }
0xcf: {  	_ =	shalt  }
tec
execute0_lowered:
.L_overlay_start_1:
0x0: {  	(tag) =	ssettag $0x1  }
0x1: {  	s2 =	rddreg [dreg:$0x0]  }
0x2: {  	s0 =	rddreg [dreg:$0x1]  }
0x3: {  	s3 =	rddreg [dreg:$0x2]  }
0x4: {  	s5 =	rddreg [dreg:$0x3]  }
0x5: {  	s4 =	rddreg [dreg:$0x6];
	s7 =	srdreg.scid  }
0x6: {  	s1 =	stileid.u32;
	s6 =	rddreg [dreg:$0x7]  }
0x7: {  	s28 =	simm.s32 $0x2;
	s29 =	simm.s32 $0x6;
	s30 =	simm.s32 $0xA  }
0x8: {  	s31 =	simm.s32 $0xF;
	s9 =	sand.u32 $0x1, s7;
	s8 =	sshll.u32 s1, $0x1  }
0x9: {  	s7 =	rddreg [dreg:$0x8];
	s12 =	smul.u32 $0x38, s1;
	s20 =	sshll.u32 s1, $0xD  }
0xa: {  	s16 =	sshll.u32 s1, $0xA;
	s10 =	sor.u32 s9, s8;
	s9 =	ssub.s32 $0x2, s9  }
0xb: {  	s8 =	simm.s32 $0x0;
	s11 =	smul.u32 $0x380, s10;
	s19 =	sshrl.u32 s9, $0x1  }
0xc: {  	[smem:$0x7FF] =	sst s8;
	s18 =	sadd.s32 $0x68, s12;
	s9 =	ssub.s32 s9, s19  }
0xd: {  	s2 =	sadd.s32 s11, s2;
	s11 =	sshll.u32 s18, $0x4;
	s26 =	smax.u32 s9, $0x1  }
0xe: {  	_ =	strace $0x80000047;
	s14 =	sadd.s32 s3, s11;
	[dreg:$0x14] =	wrdreg s26  }
0xf: {  	p0 =	sgt.u32 s1, $0xC;
	s11 =	sadd.s32 s5, s11;
	[dreg:$0xa] =	wrdreg s14  }
0x10: {  	s15 =	sadd.s32 s20, s6;
	s3 =	sadd.s32 s3, s16;
	[dreg:$0xb] =	wrdreg s11  }
0x11: {  	s13 =	sshll.u32 s18, $0x7;
	s5 =	sadd.s32 s5, s16;
	[dreg:$0xc] =	wrdreg s3  }
0x12: {  	s12 =	sadd.s32 s13, s6;
	s21 =	sadd.s32 $0x400, s2;
	[dreg:$0xd] =	wrdreg s5  }
0x13: {  	s13 =	sadd.s32 s13, s7;
	s22 =	sadd.s32 $0x7400, s2;
	[dreg:$0xe] =	wrdreg s21  }
0x14: {  	s9 =	simm.s32 $0x10;
	s24 =	sadd.s32 $0xE400, s2;
	[dreg:$0xf] =	wrdreg s22  }
0x15: {  	s2 =	sadd.s32 $0x15400, s2;
	s11 =	smul.u32 $0xC8000, s10;
	[dreg:$0x10] =	wrdreg s24  }
0x16: {  	s26 =	simm.s32 $0x11;
	s3 =	sadd.s32 s20, s7;
	[dreg:$0x11] =	wrdreg s2  }
0x17: {  	s22 =	sshrl.u32 @p0 s13, $0x3;
	s10 =	simm.s32 $0xD;
	s23 =	sshrl.u32 s11, $0x3  }
0x18: {  	s13 =	simm.s32 $0x0;
	s24 =	sshrl.u32 @!p0 s3, $0x3;
	s25 =	sadd.s32 s4, s23  }
0x19: {  	s3 =	simm.s32 $0x5;
	s23 =	sshrl.u32 @!p0 s15, $0x3;
	s5 =	sadd.s32 $0x18000, s25  }
0x1a: {  	s2 =	sadd.s32 $0x18800, s25;
	s25 =	simm.s32 $0x9;
	[dreg:$0x12] =	wrdreg s5  }
0x1b: {  	[dreg:$0x13] =	wrdreg s2;
	s2 =	sshrl.u32 @p0 s12, $0x3;
	s5 =	simm.s32 $0x80  }
0x1c: {  	s12 =	simm.s32 $0xE;
	[dreg:$0x15] =	wrdreg s2;
	s2 =	simm.s32 $0x1  }
.LBB2_1:
0x1d: {  	s14 =	sshll.u32 @p0 s1, $0x6;
	s15 =	rddreg [dreg:$0xa]  }
0x1e: {  	s16 =	rddreg [dreg:$0x15];
	s14 =	sor.u32 @p0 $0x1C11, s14  }
0x1f: {  	[spmem:s16], [sflag:s14] =	dma.local @p0 [hbm:s15], $0x380  }
0x20: {  	s15 =	simm.s32 @p0 $0x11  }
0x21: {  	_ =	swait.ge @p0 [sflag:s15], $0x380  }
0x22: {  	[sflag:s15] =	ssyncset.done @p0 $0x0  }
0x23: {  	s16 =	rddreg [dreg:$0xb];
	[sflag:s15] =	ssyncadd.s32 @p0 $0xFFFFFC80  }
0x24: {  	[spmem:s22], [sflag:s14] =	dma.local @p0 [hbm:s16], $0x380  }
0x25: {  	_ =	swait.ge @p0 [sflag:s15], $0x380  }
0x26: {  	s14 =	sshll.u32 @!p0 s1, $0x6;
	[sflag:s15] =	ssyncset.done @p0 $0x0  }
0x27: {  	s14 =	sor.u32 @!p0 $0x1C11, s14;
	[sflag:s15] =	ssyncadd.s32 @p0 $0xFFFFFC80;
	s15 =	rddreg [dreg:$0xc]  }
0x28: {  	[spmem:s23], [sflag:s14] =	dma.local @!p0 [hbm:s15], $0x400  }
0x29: {  	s15 =	simm.s32 @!p0 $0x11  }
0x2a: {  	_ =	swait.ge @!p0 [sflag:s15], $0x400  }
0x2b: {  	[sflag:s15] =	ssyncset.done @!p0 $0x0  }
0x2c: {  	s16 =	rddreg [dreg:$0xd];
	[sflag:s15] =	ssyncadd.s32 @!p0 $0xFFFFFC00  }
0x2d: {  	[spmem:s24], [sflag:s14] =	dma.local @!p0 [hbm:s16], $0x400  }
0x2e: {  	_ =	swait.ge @!p0 [sflag:s15], $0x400  }
0x2f: {  	[sflag:s15] =	ssyncset.done @!p0 $0x0  }
0x30: {  	s19 =	simm.s32 $0x11C80;
	s18 =	rddreg [dreg:$0xe];
	[sflag:s15] =	ssyncadd.s32 @!p0 $0xFFFFFC00  }
0x31: {  	[tilespmem:s19], [sflag:$0x11] =	stream.linear.gather [hbm4b:s18+s8], $0x1900, $0x38;
	[tilespmem:$0x1AF80] =	vst v63  }
0x32: {  	_ =	swait.ge [sflag:s26], $0x1900  }
0x33: {  	[sflag:s26] =	ssyncset.done $0x0  }
0x34: {  	s21 =	simm.s32 $0x13880;
	s20 =	rddreg [dreg:$0xf];
	[sflag:s26] =	ssyncadd.s32 $0xFFFFE700  }
0x35: {  	[tilespmem:s21], [sflag:$0x11] =	stream.linear.gather [hbm4b:s20+s8], $0x1900, $0x38;
	[tilespmem:$0x1AF80] =	vst v63  }
0x36: {  	_ =	swait.ge [sflag:s26], $0x1900  }
0x37: {  	[sflag:s26] =	ssyncset.done $0x0  }
0x38: {  	s16 =	simm.s32 $0x15480;
	s15 =	rddreg [dreg:$0x10];
	[sflag:s26] =	ssyncadd.s32 $0xFFFFE700  }
0x39: {  	[tilespmem:s16], [sflag:$0x11] =	stream.linear.gather [hbm4b:s15+s8], $0x1900, $0x38;
	[tilespmem:$0x1AF80] =	vst v63  }
0x3a: {  	_ =	swait.ge [sflag:s26], $0x1900  }
0x3b: {  	[sflag:s26] =	ssyncset.done $0x0  }
0x3c: {  	s14 =	simm.s32 $0x10080;
	s17 =	rddreg [dreg:$0x11];
	[sflag:s26] =	ssyncadd.s32 $0xFFFFE700  }
0x3d: {  	[tilespmem:s14], [sflag:$0x11] =	stream.linear.gather [hbm4b:s17+s8], $0x1900, $0x38;
	[tilespmem:$0x1AF80] =	vst v63  }
0x3e: {  	_ =	swait.ge [sflag:s26], $0x1900  }
0x3f: {  	[sflag:s26] =	ssyncset.done $0x0  }
0x40: {  	[sflag:s26] =	ssyncadd.s32 $0xFFFFE700  }
0x41: {  	s19 =	simm.s32 $0x1AF00;
	s18 =	rddreg [dreg:$0x4]  }
0x42: {  	[tilespmem:s19], [sflag:$0x11] =	stream.linear.gather [hbm4b:s18+s8], $0x80, $0x38;
	[tilespmem:$0x1AF80] =	vst v63  }
0x43: {  	_ =	swait.ge [sflag:s26], $0x80  }
0x44: {  	[sflag:s26] =	ssyncset.done $0x0  }
0x45: {  	[sflag:s26] =	ssyncadd.s32 $0xFFFFFF80  }
0x46: {  	s21 =	simm.s32 $0x10000;
	s20 =	rddreg [dreg:$0x5]  }
0x47: {  	[tilespmem:s21], [sflag:$0x11] =	stream.linear.gather [hbm4b:s20+s8], $0x80, $0x38;
	[tilespmem:$0x1AF80] =	vst v63  }
0x48: {  	_ =	swait.ge [sflag:s26], $0x80  }
0x49: {  	[sflag:s26] =	ssyncset.done $0x0  }
0x4a: {  	[sflag:s26] =	ssyncadd.s32 $0xFFFFFF80  }
0x4b: {  	[bflag:$0x0] =	sbarrier.arrive $0xFFFF  }
0x4c: {  	v0 =	vld [tilespmem:$0x1AF00]  }
0x4d: {  	v1 =	vld [tilespmem:$0x1AF10]  }
0x4e: {  	v2 =	vld [tilespmem:$0x1AF20]  }
0x4f: {  	v3 =	vld [tilespmem:$0x1AF30]  }
0x50: {  	v4 =	vld [tilespmem:$0x1AF40]  }
0x51: {  	v5 =	vld [tilespmem:$0x1AF50]  }
0x52: {  	v6 =	vld [tilespmem:$0x1AF60]  }
0x53: {  	v7 =	vld [tilespmem:$0x1AF70]  }
0x54: {  	v8 =	vld [tilespmem:$0x10000]  }
0x55: {  	v9 =	vld [tilespmem:$0x10010]  }
0x56: {  	v10 =	vld [tilespmem:$0x10020]  }
0x57: {  	v11 =	vld [tilespmem:$0x10030]  }
0x58: {  	v12 =	vld [tilespmem:$0x10040]  }
0x59: {  	v13 =	vld [tilespmem:$0x10050]  }
0x5a: {  	v14 =	vld [tilespmem:$0x10060]  }
0x5b: {  	s15 =	simm.s32 $0x0;
	s16 =	simm.s32 $0x0;
	v15 =	vld [tilespmem:$0x10070]  }
.LBB2_2:
0x5c: {  	s17 =	sand.u32 $0x3, s16;
	p1 =	slt.u32 s16, $0x4;
	v16 =	vmov s14  }
0x5d: {  	s18 =	sadd.s32 @!p1 $0xD, s17  }
0x5e: {  	_ =	swait.ge @!p1 [sflag:s18], $0x4000  }
0x5f: {  	[sflag:s18] =	ssyncset.done @!p1 $0x0  }
0x60: {  	s20 =	simm.s32 $0x0;
	[sflag:s18] =	ssyncadd.s32 @!p1 $0xFFFFC000  }
0x61: {  	v17 =	vld.idx.msk [tilespmem:v16+s20+$0x0 ss:$0x1], $0xffff;
	_ =	sdelay $0x4  }
0x62: {  	v18 =	vbroadcast v17, $0x0;
	_ =	sdelay $0x1  }
0x63: {  	v19 =	vmul.f32 v18, v0  }
0x64: {  	s21 =	sand.u32 $0x3, s15;
	v20 =	vmul.f32 v18, v1  }
0x65: {  	s18 =	sshll.u32 s21, $0xE;
	v21 =	vmul.f32 v18, v2;
	v19 =	vadd.f32 v19, v8  }
0x66: {  	s19 =	sor.u32 $0x400, s18;
	v23 =	vmul.f32 v18, v4;
	v20 =	vadd.f32 v20, v9  }
0x67: {  	v63 =	vmul.f32 v18, v5;
	v21 =	vadd.f32 v21, v10;
	[tilespmem:s19+$0xFFFFFC00] =	vst v19  }
0x68: {  	v28 =	vbroadcast v17, $0x1;
	v24 =	vmul.f32 v18, v6;
	v23 =	vadd.f32 v23, v12;
	[tilespmem:s19+$0xFFFFFC10] =	vst v20  }
0x69: {  	v22 =	vmul.f32 v18, v3;
	v18 =	vmul.f32 v18, v7;
	v29 =	vadd.f32 v63, v13;
	[tilespmem:s19+$0xFFFFFC20] =	vst v21  }
0x6a: {  	v36 =	vbroadcast v17, $0x2;
	v31 =	vmul.f32 v28, v1;
	v30 =	vadd.f32 v24, v14;
	[tilespmem:s19+$0xFFFFFC40] =	vst v23  }
0x6b: {  	v37 =	vmul.f32 v28, v6;
	v18 =	vadd.f32 v18, v15;
	[tilespmem:s19+$0xFFFFFC50] =	vst v29  }
0x6c: {  	v43 =	vbroadcast v17, $0x3;
	v44 =	vmul.f32 v36, v6;
	v33 =	vadd.f32 v31, v9;
	[tilespmem:s19+$0xFFFFFC60] =	vst v30  }
0x6d: {  	v39 =	vadd.f32 v37, v14;
	[tilespmem:s19+$0xFFFFFC70] =	vst v18  }
0x6e: {  	v50 =	vmul.f32 v43, v5;
	v46 =	vadd.f32 v44, v14;
	[tilespmem:s19+$0xFFFFFC90] =	vst v33  }
0x6f: {  	v32 =	vmul.f32 v28, v2;
	v19 =	vadd.f32 v22, v11;
	[tilespmem:s19+$0xFFFFFCE0] =	vst v39  }
0x70: {  	v34 =	vmul.f32 v28, v3;
	v53 =	vadd.f32 v50, v13;
	[tilespmem:s19+$0xFFFFFD60] =	vst v46  }
0x71: {  	v18 =	vadd.f32 v32, v10;
	[tilespmem:s19+$0xFFFFFC30] =	vst v19;
	v19 =	vmul.f32 v28, v0  }
0x72: {  	v35 =	vmul.f32 v28, v4;
	v23 =	vadd.f32 v34, v11;
	[tilespmem:s19+$0xFFFFFDD0] =	vst v53  }
0x73: {  	v41 =	vmul.f32 v36, v2;
	[tilespmem:s19+$0xFFFFFCA0] =	vst v18;
	v19 =	vadd.f32 v19, v8  }
0x74: {  	v48 =	vmul.f32 v43, v3;
	v21 =	vadd.f32 v35, v12;
	[tilespmem:s19+$0xFFFFFCB0] =	vst v23  }
0x75: {  	v20 =	vadd.f32 v41, v10;
	[tilespmem:s19+$0xFFFFFC80] =	vst v19;
	v19 =	vmul.f32 v28, v5  }
0x76: {  	v22 =	vadd.f32 v48, v11;
	v18 =	vmul.f32 v28, v7;
	[tilespmem:s19+$0xFFFFFCC0] =	vst v21  }
0x77: {  	v38 =	vmul.f32 v36, v0;
	[tilespmem:s19+$0xFFFFFD20] =	vst v20;
	v19 =	vadd.f32 v19, v13  }
0x78: {  	v40 =	vmul.f32 v36, v1;
	[tilespmem:s19+$0xFFFFFDB0] =	vst v22;
	v18 =	vadd.f32 v18, v15  }
0x79: {  	v42 =	vmul.f32 v36, v3;
	[tilespmem:s19+$0xFFFFFCD0] =	vst v19;
	v19 =	vadd.f32 v38, v8  }
0x7a: {  	v21 =	vadd.f32 v40, v9;
	[tilespmem:s19+$0xFFFFFCF0] =	vst v18;
	v18 =	vmul.f32 v36, v4  }
0x7b: {  	v52 =	vbroadcast v17, $0x4;
	v23 =	vadd.f32 v42, v11;
	[tilespmem:s19+$0xFFFFFD00] =	vst v19;
	v19 =	vmul.f32 v36, v5  }
0x7c: {  	v45 =	vmul.f32 v36, v7;
	[tilespmem:s19+$0xFFFFFD10] =	vst v21;
	v18 =	vadd.f32 v18, v12  }
0x7d: {  	v54 =	vmul.f32 v52, v0;
	[tilespmem:s19+$0xFFFFFD30] =	vst v23;
	v19 =	vadd.f32 v19, v13  }
0x7e: {  	v20 =	vadd.f32 v45, v15;
	[tilespmem:s19+$0xFFFFFD40] =	vst v18;
	v18 =	vmul.f32 v43, v1  }
0x7f: {  	v22 =	vadd.f32 v54, v8;
	[tilespmem:s19+$0xFFFFFD50] =	vst v19;
	v19 =	vmul.f32 v43, v2  }
0x80: {  	v47 =	vmul.f32 v43, v0;
	[tilespmem:s19+$0xFFFFFD70] =	vst v20;
	v18 =	vadd.f32 v18, v9  }
0x81: {  	v49 =	vmul.f32 v43, v4;
	[tilespmem:s19+$0xFFFFFE00] =	vst v22;
	v19 =	vadd.f32 v19, v10  }
0x82: {  	v51 =	vmul.f32 v43, v6;
	v23 =	vadd.f32 v47, v8;
	[tilespmem:s19+$0xFFFFFD90] =	vst v18  }
0x83: {  	v55 =	vmul.f32 v52, v2;
	v18 =	vadd.f32 v49, v12;
	[tilespmem:s19+$0xFFFFFDA0] =	vst v19;
	v19 =	vmul.f32 v43, v7  }
0x84: {  	v20 =	vadd.f32 v51, v14;
	[tilespmem:s19+$0xFFFFFD80] =	vst v23  }
0x85: {  	v21 =	vadd.f32 v55, v10;
	[tilespmem:s19+$0xFFFFFDC0] =	vst v18;
	v18 =	vadd.f32 v19, v15;
	v19 =	vmul.f32 v52, v1  }
0x86: {  	v57 =	vmul.f32 v52, v5;
	[tilespmem:s19+$0xFFFFFDE0] =	vst v20  }
0x87: {  	v56 =	vmul.f32 v52, v3;
	[tilespmem:s19+$0xFFFFFE20] =	vst v21;
	v19 =	vadd.f32 v19, v9  }
0x88: {  	v22 =	vadd.f32 v57, v13;
	[tilespmem:s19+$0xFFFFFDF0] =	vst v18;
	v18 =	vmul.f32 v52, v4  }
0x89: {  	v58 =	vmul.f32 v52, v6;
	v20 =	vadd.f32 v56, v11;
	[tilespmem:s19+$0xFFFFFE10] =	vst v19;
	v19 =	vbroadcast v17, $0x5  }
0x8a: {  	v59 =	vmul.f32 v52, v7;
	[tilespmem:s19+$0xFFFFFE50] =	vst v22;
	v18 =	vadd.f32 v18, v12  }
0x8b: {  	v23 =	vadd.f32 v58, v14;
	[tilespmem:s19+$0xFFFFFE30] =	vst v20;
	v60 =	vmul.f32 v19, v0  }
0x8c: {  	v21 =	vadd.f32 v59, v15;
	[tilespmem:s19+$0xFFFFFE40] =	vst v18;
	v18 =	vmul.f32 v19, v1  }
0x8d: {  	[tilespmem:s19+$0xFFFFFE60] =	vst v23;
	v61 =	vmul.f32 v19, v2;
	v20 =	vadd.f32 v60, v8  }
0x8e: {  	[tilespmem:s19+$0xFFFFFE70] =	vst v21;
	v62 =	vmul.f32 v19, v3;
	v18 =	vadd.f32 v18, v9  }
0x8f: {  	v28 =	vmul.f32 v19, v4;
	v63 =	vadd.f32 v61, v10;
	[tilespmem:s19+$0xFFFFFE80] =	vst v20  }
0x90: {  	v29 =	vmul.f32 v19, v5;
	v30 =	vmul.f32 v19, v6;
	v23 =	vadd.f32 v62, v11;
	[tilespmem:s19+$0xFFFFFE90] =	vst v18  }
0x91: {  	v19 =	vmul.f32 v19, v7;
	v22 =	vadd.f32 v28, v12;
	v18 =	vbroadcast v17, $0x6;
	[tilespmem:s19+$0xFFFFFEA0] =	vst v63  }
0x92: {  	v32 =	vadd.f32 v30, v14;
	[tilespmem:s19+$0xFFFFFEB0] =	vst v23  }
0x93: {  	v19 =	vadd.f32 v19, v15;
	[tilespmem:s19+$0xFFFFFEC0] =	vst v22;
	v31 =	vmul.f32 v18, v0  }
0x94: {  	v20 =	vadd.f32 v29, v13;
	[tilespmem:s19+$0xFFFFFEE0] =	vst v32;
	v33 =	vmul.f32 v18, v1  }
0x95: {  	[tilespmem:s19+$0xFFFFFEF0] =	vst v19;
	v35 =	vmul.f32 v18, v2;
	v34 =	vadd.f32 v31, v8  }
0x96: {  	[tilespmem:s19+$0xFFFFFED0] =	vst v20;
	v36 =	vmul.f32 v18, v3;
	v22 =	vadd.f32 v33, v9  }
0x97: {  	v19 =	vmul.f32 v18, v4;
	v21 =	vadd.f32 v35, v10;
	[tilespmem:s19+$0xFFFFFF00] =	vst v34  }
0x98: {  	v37 =	vmul.f32 v18, v5;
	v23 =	vadd.f32 v36, v11;
	[tilespmem:s19+$0xFFFFFF10] =	vst v22  }
0x99: {  	v62 =	vbroadcast v17, $0xA;
	v38 =	vmul.f32 v18, v6;
	v19 =	vadd.f32 v19, v12;
	[tilespmem:s19+$0xFFFFFF20] =	vst v21  }
0x9a: {  	v39 =	vbroadcast v17, $0x7;
	v18 =	vmul.f32 v18, v7;
	v20 =	vadd.f32 v37, v13;
	[tilespmem:s19+$0xFFFFFF30] =	vst v23  }
0x9b: {  	v30 =	vmul.f32 v62, v5;
	v40 =	vadd.f32 v38, v14;
	[tilespmem:s19+$0xFFFFFF40] =	vst v19  }
0x9c: {  	v41 =	vmul.f32 v39, v0;
	v18 =	vadd.f32 v18, v15;
	[tilespmem:s19+$0xFFFFFF50] =	vst v20  }
0x9d: {  	v42 =	vmul.f32 v39, v2;
	v33 =	vadd.f32 v30, v13;
	[tilespmem:s19+$0xFFFFFF60] =	vst v40  }
0x9e: {  	v43 =	vmul.f32 v39, v3;
	v22 =	vadd.f32 v41, v8;
	[tilespmem:s19+$0xFFFFFF70] =	vst v18  }
0x9f: {  	v19 =	vmul.f32 v39, v1;
	v20 =	vadd.f32 v42, v10;
	[tilespmem:s19+$0x150] =	vst v33  }
0xa0: {  	v45 =	vmul.f32 v39, v6;
	v21 =	vadd.f32 v43, v11;
	[tilespmem:s19+$0xFFFFFF80] =	vst v22  }
0xa1: {  	v18 =	vmul.f32 v39, v4;
	v19 =	vadd.f32 v19, v9;
	[tilespmem:s19+$0xFFFFFFA0] =	vst v20  }
0xa2: {  	v44 =	vmul.f32 v39, v5;
	v38 =	vbroadcast v17, $0xC;
	v23 =	vadd.f32 v45, v14;
	[tilespmem:s19+$0xFFFFFFB0] =	vst v21  }
0xa3: {  	v46 =	vmul.f32 v39, v7;
	v18 =	vadd.f32 v18, v12;
	[tilespmem:s19+$0xFFFFFF90] =	vst v19;
	v19 =	vbroadcast v17, $0x8  }
0xa4: {  	v22 =	vadd.f32 v44, v13;
	[tilespmem:s19+$0xFFFFFFE0] =	vst v23;
	v44 =	vmul.f32 v38, v6  }
0xa5: {  	v20 =	vadd.f32 v46, v15;
	[tilespmem:s19+$0xFFFFFFC0] =	vst v18;
	v47 =	vmul.f32 v19, v0  }
0xa6: {  	[tilespmem:s19+$0xFFFFFFD0] =	vst v22;
	v46 =	vadd.f32 v44, v14;
	v18 =	vmul.f32 v19, v1  }
0xa7: {  	[tilespmem:s19+$0xFFFFFFF0] =	vst v20;
	v48 =	vmul.f32 v19, v2;
	v21 =	vadd.f32 v47, v8  }
0xa8: {  	v49 =	vmul.f32 v19, v3;
	[tilespmem:s19+$0x260] =	vst v46;
	v18 =	vadd.f32 v18, v9  }
0xa9: {  	v51 =	vmul.f32 v19, v4;
	v50 =	vadd.f32 v48, v10;
	[tilespmem:s19+$0x0] =	vst v21  }
0xaa: {  	v52 =	vmul.f32 v19, v5;
	v23 =	vadd.f32 v49, v11;
	[tilespmem:s19+$0x10] =	vst v18  }
0xab: {  	v53 =	vmul.f32 v19, v6;
	v22 =	vadd.f32 v51, v12;
	v18 =	vbroadcast v17, $0x9;
	[tilespmem:s19+$0x20] =	vst v50  }
0xac: {  	v19 =	vmul.f32 v19, v7;
	v54 =	vadd.f32 v52, v13;
	[tilespmem:s19+$0x30] =	vst v23  }
0xad: {  	v56 =	vadd.f32 v53, v14;
	[tilespmem:s19+$0x40] =	vst v22;
	v55 =	vmul.f32 v18, v0  }
0xae: {  	v19 =	vadd.f32 v19, v15;
	[tilespmem:s19+$0x50] =	vst v54;
	v57 =	vmul.f32 v18, v1  }
0xaf: {  	[tilespmem:s19+$0x60] =	vst v56;
	v59 =	vmul.f32 v18, v2;
	v58 =	vadd.f32 v55, v8  }
0xb0: {  	[tilespmem:s19+$0x70] =	vst v19;
	v60 =	vmul.f32 v18, v3;
	v22 =	vadd.f32 v57, v9  }
0xb1: {  	v19 =	vmul.f32 v18, v4;
	v21 =	vadd.f32 v59, v10;
	[tilespmem:s19+$0x80] =	vst v58  }
0xb2: {  	v61 =	vmul.f32 v18, v5;
	v23 =	vadd.f32 v60, v11;
	[tilespmem:s19+$0x90] =	vst v22  }
0xb3: {  	v63 =	vmul.f32 v18, v6;
	v19 =	vadd.f32 v19, v12;
	[tilespmem:s19+$0xA0] =	vst v21  }
0xb4: {  	v18 =	vmul.f32 v18, v7;
	v20 =	vadd.f32 v61, v13;
	[tilespmem:s19+$0xB0] =	vst v23  }
0xb5: {  	v27 =	vmul.f32 v62, v0;
	v26 =	vadd.f32 v63, v14;
	[tilespmem:s19+$0xC0] =	vst v19  }
0xb6: {  	v28 =	vmul.f32 v62, v2;
	v31 =	vbroadcast v17, $0xB;
	v18 =	vadd.f32 v18, v15;
	[tilespmem:s19+$0xD0] =	vst v20  }
0xb7: {  	v29 =	vmul.f32 v62, v3;
	v23 =	vadd.f32 v27, v8;
	[tilespmem:s19+$0xE0] =	vst v26  }
0xb8: {  	v36 =	vmul.f32 v31, v2;
	[tilespmem:s19+$0xF0] =	vst v18;
	v20 =	vadd.f32 v28, v10  }
0xb9: {  	v19 =	vmul.f32 v62, v1;
	v21 =	vadd.f32 v29, v11;
	[tilespmem:s19+$0x100] =	vst v23  }
0xba: {  	v18 =	vmul.f32 v62, v4;
	v22 =	vadd.f32 v36, v10;
	[tilespmem:s19+$0x120] =	vst v20  }
0xbb: {  	v34 =	vmul.f32 v31, v0;
	v19 =	vadd.f32 v19, v9;
	[tilespmem:s19+$0x130] =	vst v21  }
0xbc: {  	v35 =	vmul.f32 v31, v1;
	v18 =	vadd.f32 v18, v12;
	[tilespmem:s19+$0x1A0] =	vst v22  }
0xbd: {  	v32 =	vmul.f32 v62, v7;
	v21 =	vadd.f32 v34, v8;
	[tilespmem:s19+$0x110] =	vst v19  }
0xbe: {  	v20 =	vadd.f32 v35, v9;
	v19 =	vmul.f32 v62, v6;
	[tilespmem:s19+$0x140] =	vst v18  }
0xbf: {  	v39 =	vmul.f32 v31, v6;
	v18 =	vadd.f32 v32, v15;
	[tilespmem:s19+$0x180] =	vst v21  }
0xc0: {  	v40 =	vmul.f32 v31, v7;
	[tilespmem:s19+$0x190] =	vst v20;
	v19 =	vadd.f32 v19, v14  }
0xc1: {  	v23 =	vadd.f32 v39, v14;
	[tilespmem:s19+$0x170] =	vst v18;
	v18 =	vmul.f32 v31, v4  }
0xc2: {  	v22 =	vadd.f32 v40, v15;
	[tilespmem:s19+$0x160] =	vst v19;
	v19 =	vmul.f32 v31, v3  }
0xc3: {  	v37 =	vmul.f32 v31, v5;
	[tilespmem:s19+$0x1E0] =	vst v23;
	v18 =	vadd.f32 v18, v12  }
0xc4: {  	v42 =	vmul.f32 v38, v3;
	[tilespmem:s19+$0x1F0] =	vst v22;
	v19 =	vadd.f32 v19, v11  }
0xc5: {  	v21 =	vadd.f32 v37, v13;
	[tilespmem:s19+$0x1C0] =	vst v18;
	v18 =	vmul.f32 v38, v1  }
0xc6: {  	v23 =	vadd.f32 v42, v11;
	[tilespmem:s19+$0x1B0] =	vst v19;
	v19 =	vmul.f32 v38, v0  }
0xc7: {  	v43 =	vmul.f32 v38, v4;
	[tilespmem:s19+$0x1D0] =	vst v21;
	v18 =	vadd.f32 v18, v9  }
0xc8: {  	v41 =	vmul.f32 v38, v2;
	[tilespmem:s19+$0x230] =	vst v23;
	v19 =	vadd.f32 v19, v8  }
0xc9: {  	v22 =	vadd.f32 v43, v12;
	v20 =	vmul.f32 v38, v7;
	[tilespmem:s19+$0x210] =	vst v18;
	v18 =	vbroadcast v17, $0xD  }
0xca: {  	v21 =	vadd.f32 v41, v10;
	[tilespmem:s19+$0x200] =	vst v19;
	v19 =	vmul.f32 v38, v5  }
0xcb: {  	[tilespmem:s19+$0x240] =	vst v22;
	v20 =	vadd.f32 v20, v15;
	v47 =	vmul.f32 v18, v1  }
0xcc: {  	[tilespmem:s19+$0x220] =	vst v21;
	v48 =	vmul.f32 v18, v2;
	v19 =	vadd.f32 v19, v13  }
0xcd: {  	[tilespmem:s19+$0x270] =	vst v20;
	v49 =	vmul.f32 v18, v3;
	v22 =	vadd.f32 v47, v9  }
0xce: {  	v50 =	vmul.f32 v18, v4;
	v21 =	vadd.f32 v48, v10;
	[tilespmem:s19+$0x250] =	vst v19  }
0xcf: {  	v52 =	vbroadcast v17, $0xE;
	v51 =	vmul.f32 v18, v6;
	v23 =	vadd.f32 v49, v11;
	[tilespmem:s19+$0x290] =	vst v22  }
0xd0: {  	v45 =	vmul.f32 v18, v0;
	v20 =	vadd.f32 v50, v12;
	[tilespmem:s19+$0x2A0] =	vst v21  }
0xd1: {  	v54 =	vmul.f32 v52, v0;
	v53 =	vadd.f32 v51, v14;
	[tilespmem:s19+$0x2B0] =	vst v23  }
0xd2: {  	v55 =	vmul.f32 v52, v1;
	v19 =	vadd.f32 v45, v8;
	[tilespmem:s19+$0x2C0] =	vst v20  }
0xd3: {  	v56 =	vmul.f32 v52, v3;
	v22 =	vadd.f32 v54, v8;
	[tilespmem:s19+$0x2E0] =	vst v53  }
0xd4: {  	v20 =	vadd.f32 v55, v9;
	[tilespmem:s19+$0x280] =	vst v19;
	v19 =	vmul.f32 v18, v5  }
0xd5: {  	v21 =	vadd.f32 v56, v11;
	v18 =	vmul.f32 v18, v7;
	[tilespmem:s19+$0x300] =	vst v22  }
0xd6: {  	v57 =	vmul.f32 v52, v5;
	[tilespmem:s19+$0x310] =	vst v20;
	v19 =	vadd.f32 v19, v13  }
0xd7: {  	v58 =	vmul.f32 v52, v6;
	[tilespmem:s19+$0x330] =	vst v21;
	v18 =	vadd.f32 v18, v15  }
0xd8: {  	v17 =	vbroadcast v17, $0xF;
	v22 =	vadd.f32 v57, v13;
	[tilespmem:s19+$0x2D0] =	vst v19;
	v19 =	vmul.f32 v52, v2  }
0xd9: {  	v20 =	vadd.f32 v58, v14;
	[tilespmem:s19+$0x2F0] =	vst v18;
	v18 =	vmul.f32 v52, v4  }
0xda: {  	v59 =	vmul.f32 v17, v0;
	[tilespmem:s19+$0x350] =	vst v22;
	v19 =	vadd.f32 v19, v10  }
0xdb: {  	v61 =	vmul.f32 v17, v3;
	[tilespmem:s19+$0x360] =	vst v20;
	v18 =	vadd.f32 v18, v12  }
0xdc: {  	v21 =	vadd.f32 v59, v8;
	[tilespmem:s19+$0x320] =	vst v19;
	v19 =	vmul.f32 v52, v7  }
0xdd: {  	v20 =	vadd.f32 v61, v11;
	[tilespmem:s19+$0x340] =	vst v18;
	v18 =	vmul.f32 v17, v1  }
0xde: {  	v60 =	vmul.f32 v17, v2;
	[tilespmem:s19+$0x380] =	vst v21;
	v19 =	vadd.f32 v19, v15  }
0xdf: {  	v62 =	vmul.f32 v17, v4;
	[tilespmem:s19+$0x3B0] =	vst v20;
	v18 =	vadd.f32 v18, v9  }
0xe0: {  	v63 =	vmul.f32 v17, v5;
	[tilespmem:s19+$0x370] =	vst v19;
	v19 =	vadd.f32 v60, v10  }
0xe1: {  	v22 =	vadd.f32 v62, v12;
	[tilespmem:s19+$0x390] =	vst v18;
	v18 =	vmul.f32 v17, v6  }
0xe2: {  	v17 =	vmul.f32 v17, v7;
	[tilespmem:s19+$0x3A0] =	vst v19;
	v19 =	vadd.f32 v63, v13  }
0xe3: {  	[tilespmem:s19+$0x3C0] =	vst v22;
	v18 =	vadd.f32 v18, v14  }
0xe4: {  	v17 =	vadd.f32 v17, v15;
	[tilespmem:s19+$0x3D0] =	vst v19  }
0xe5: {  	[tilespmem:s19+$0x3E0] =	vst v18  }
0xe6: {  	s21 =	simm.s32 $0x10;
	s18 =	sshll.u32 s17, $0xE;
	s20 =	simm.s32 $0x80;
	[tilespmem:s19+$0x3F0] =	vst v17  }
.LBB2_3:
0xe7: {  	p1 =	sne.s32 s20, $0x1C0;
	v17 =	vld.idx.msk [tilespmem:v16+s21+$0x0 ss:$0x1], $0xffff;
	_ =	sdelay $0x5  }
0xe8: {  	v18 =	vbroadcast v17, $0x0;
	v19 =	vbroadcast v17, $0x1  }
0xe9: {  	v20 =	vbroadcast v17, $0x2;
	v21 =	vbroadcast v17, $0x3  }
0xea: {  	v22 =	vmul.f32 v18, v0;
	v23 =	vmul.f32 v18, v1  }
0xeb: {  	v24 =	vmul.f32 v18, v2;
	v25 =	vmul.f32 v18, v3  }
0xec: {  	v26 =	vmul.f32 v18, v4;
	v22 =	vadd.f32 v22, v8;
	v23 =	vadd.f32 v23, v9  }
0xed: {  	s19 =	sadd.s32 $0x800, s19;
	v27 =	vmul.f32 v18, v5;
	v24 =	vadd.f32 v24, v10;
	v25 =	vadd.f32 v25, v11  }
0xee: {  	[tilespmem:s19+$0xFFFFFC00] =	vst v22;
	v22 =	vadd.f32 v26, v12;
	v26 =	vmul.f32 v18, v6;
	v18 =	vmul.f32 v18, v7  }
0xef: {  	v28 =	vmul.f32 v19, v1;
	[tilespmem:s19+$0xFFFFFC10] =	vst v23;
	v23 =	vadd.f32 v27, v13;
	v27 =	vmul.f32 v19, v0  }
0xf0: {  	[tilespmem:s19+$0xFFFFFC20] =	vst v24;
	v24 =	vadd.f32 v26, v14;
	v18 =	vadd.f32 v18, v15;
	v26 =	vmul.f32 v19, v2  }
0xf1: {  	[tilespmem:s19+$0xFFFFFC30] =	vst v25;
	v25 =	vadd.f32 v27, v8;
	v27 =	vadd.f32 v28, v9;
	v28 =	vmul.f32 v19, v3  }
0xf2: {  	v29 =	vmul.f32 v19, v5;
	[tilespmem:s19+$0xFFFFFC40] =	vst v22;
	v22 =	vadd.f32 v26, v10;
	v26 =	vmul.f32 v19, v4  }
0xf3: {  	[tilespmem:s19+$0xFFFFFC50] =	vst v23;
	v23 =	vadd.f32 v28, v11;
	v28 =	vmul.f32 v19, v6;
	v19 =	vmul.f32 v19, v7  }
0xf4: {  	[tilespmem:s19+$0xFFFFFC60] =	vst v24;
	v24 =	vadd.f32 v26, v12;
	v26 =	vadd.f32 v29, v13;
	v29 =	vmul.f32 v20, v0  }
0xf5: {  	[tilespmem:s19+$0xFFFFFC70] =	vst v18;
	v18 =	vadd.f32 v28, v14;
	v19 =	vadd.f32 v19, v15;
	v28 =	vmul.f32 v20, v1  }
0xf6: {  	v30 =	vmul.f32 v20, v3;
	[tilespmem:s19+$0xFFFFFC80] =	vst v25;
	v25 =	vadd.f32 v29, v8;
	v29 =	vmul.f32 v20, v2  }
0xf7: {  	v31 =	vmul.f32 v20, v5;
	[tilespmem:s19+$0xFFFFFC90] =	vst v27;
	v27 =	vadd.f32 v28, v9;
	v28 =	vmul.f32 v20, v4  }
0xf8: {  	[tilespmem:s19+$0xFFFFFCA0] =	vst v22;
	v22 =	vadd.f32 v29, v10;
	v29 =	vadd.f32 v30, v11;
	v30 =	vmul.f32 v20, v6  }
0xf9: {  	v20 =	vmul.f32 v20, v7;
	[tilespmem:s19+$0xFFFFFCB0] =	vst v23;
	v23 =	vadd.f32 v28, v12;
	v28 =	vadd.f32 v31, v13  }
0xfa: {  	v31 =	vmul.f32 v21, v1;
	[tilespmem:s19+$0xFFFFFCC0] =	vst v24;
	v24 =	vadd.f32 v30, v14;
	v30 =	vmul.f32 v21, v0  }
0xfb: {  	v32 =	vmul.f32 v21, v3;
	v20 =	vadd.f32 v20, v15;
	[tilespmem:s19+$0xFFFFFCD0] =	vst v26;
	v26 =	vmul.f32 v21, v2  }
0xfc: {  	[tilespmem:s19+$0xFFFFFCE0] =	vst v18;
	v18 =	vadd.f32 v30, v8;
	v30 =	vadd.f32 v31, v9;
	v31 =	vmul.f32 v21, v4  }
0xfd: {  	[tilespmem:s19+$0xFFFFFCF0] =	vst v19;
	v19 =	vadd.f32 v26, v10;
	v26 =	vadd.f32 v32, v11;
	v32 =	vmul.f32 v21, v5  }
0xfe: {  	[tilespmem:s19+$0xFFFFFD00] =	vst v25;
	v25 =	vadd.f32 v31, v12;
	v31 =	vmul.f32 v21, v6;
	v21 =	vmul.f32 v21, v7  }
0xff: {  	v33 =	vbroadcast v17, $0x5;
	[tilespmem:s19+$0xFFFFFD10] =	vst v27;
	v27 =	vadd.f32 v32, v13;
	v32 =	vbroadcast v17, $0x4  }
0x100: {  	[tilespmem:s19+$0xFFFFFD20] =	vst v22;
	v22 =	vadd.f32 v31, v14;
	v21 =	vadd.f32 v21, v15;
	v31 =	vbroadcast v17, $0x6  }
0x101: {  	[tilespmem:s19+$0xFFFFFD30] =	vst v29;
	v29 =	vmul.f32 v32, v0;
	v34 =	vmul.f32 v32, v1  }
0x102: {  	v35 =	vmul.f32 v32, v3;
	[tilespmem:s19+$0xFFFFFD40] =	vst v23;
	v23 =	vmul.f32 v32, v2  }
0x103: {  	[tilespmem:s19+$0xFFFFFD50] =	vst v28;
	v28 =	vadd.f32 v29, v8;
	v29 =	vadd.f32 v34, v9;
	v34 =	vmul.f32 v32, v4  }
0x104: {  	[tilespmem:s19+$0xFFFFFD60] =	vst v24;
	v23 =	vadd.f32 v23, v10;
	v24 =	vadd.f32 v35, v11;
	v35 =	vmul.f32 v32, v5  }
0x105: {  	[tilespmem:s19+$0xFFFFFD70] =	vst v20;
	v20 =	vadd.f32 v34, v12;
	v34 =	vmul.f32 v32, v6;
	v32 =	vmul.f32 v32, v7  }
0x106: {  	v36 =	vmul.f32 v33, v1;
	[tilespmem:s19+$0xFFFFFD80] =	vst v18;
	v18 =	vadd.f32 v35, v13;
	v35 =	vmul.f32 v33, v0  }
0x107: {  	[tilespmem:s19+$0xFFFFFD90] =	vst v30;
	v30 =	vadd.f32 v34, v14;
	v32 =	vadd.f32 v32, v15;
	v34 =	vmul.f32 v33, v2  }
0x108: {  	[tilespmem:s19+$0xFFFFFDA0] =	vst v19;
	v19 =	vadd.f32 v35, v8;
	v35 =	vadd.f32 v36, v9;
	v36 =	vmul.f32 v33, v3  }
0x109: {  	v37 =	vmul.f32 v33, v5;
	[tilespmem:s19+$0xFFFFFDB0] =	vst v26;
	v26 =	vadd.f32 v34, v10;
	v34 =	vmul.f32 v33, v4  }
0x10a: {  	[tilespmem:s19+$0xFFFFFDC0] =	vst v25;
	v25 =	vadd.f32 v36, v11;
	v36 =	vmul.f32 v33, v6;
	v33 =	vmul.f32 v33, v7  }
0x10b: {  	[tilespmem:s19+$0xFFFFFDD0] =	vst v27;
	v27 =	vadd.f32 v34, v12;
	v34 =	vadd.f32 v37, v13;
	v37 =	vmul.f32 v31, v0  }
0x10c: {  	[tilespmem:s19+$0xFFFFFDE0] =	vst v22;
	v22 =	vadd.f32 v36, v14;
	v33 =	vadd.f32 v33, v15;
	v36 =	vmul.f32 v31, v1  }
0x10d: {  	v38 =	vmul.f32 v31, v3;
	[tilespmem:s19+$0xFFFFFDF0] =	vst v21;
	v21 =	vadd.f32 v37, v8;
	v37 =	vmul.f32 v31, v2  }
0x10e: {  	v39 =	vmul.f32 v31, v5;
	[tilespmem:s19+$0xFFFFFE00] =	vst v28;
	v28 =	vadd.f32 v36, v9;
	v36 =	vmul.f32 v31, v4  }
0x10f: {  	[tilespmem:s19+$0xFFFFFE10] =	vst v29;
	v29 =	vadd.f32 v37, v10;
	v37 =	vadd.f32 v38, v11;
	v38 =	vmul.f32 v31, v6  }
0x110: {  	v31 =	vmul.f32 v31, v7;
	[tilespmem:s19+$0xFFFFFE20] =	vst v23;
	v23 =	vadd.f32 v36, v12;
	v36 =	vadd.f32 v39, v13  }
0x111: {  	v39 =	vbroadcast v17, $0x8;
	[tilespmem:s19+$0xFFFFFE30] =	vst v24;
	v24 =	vadd.f32 v38, v14;
	v38 =	vbroadcast v17, $0x7  }
0x112: {  	v40 =	vbroadcast v17, $0xA;
	[tilespmem:s19+$0xFFFFFE40] =	vst v20;
	v20 =	vadd.f32 v31, v15;
	v31 =	vbroadcast v17, $0x9  }
0x113: {  	[tilespmem:s19+$0xFFFFFE50] =	vst v18;
	v18 =	vmul.f32 v38, v0;
	v41 =	vmul.f32 v38, v1  }
0x114: {  	v42 =	vmul.f32 v38, v3;
	[tilespmem:s19+$0xFFFFFE60] =	vst v30;
	v30 =	vmul.f32 v38, v2  }
0x115: {  	[tilespmem:s19+$0xFFFFFE70] =	vst v32;
	v18 =	vadd.f32 v18, v8;
	v32 =	vadd.f32 v41, v9;
	v41 =	vmul.f32 v38, v4  }
0x116: {  	[tilespmem:s19+$0xFFFFFE80] =	vst v19;
	v19 =	vadd.f32 v30, v10;
	v30 =	vadd.f32 v42, v11;
	v42 =	vmul.f32 v38, v5  }
0x117: {  	[tilespmem:s19+$0xFFFFFE90] =	vst v35;
	v35 =	vadd.f32 v41, v12;
	v41 =	vmul.f32 v38, v6;
	v38 =	vmul.f32 v38, v7  }
0x118: {  	v43 =	vmul.f32 v39, v1;
	[tilespmem:s19+$0xFFFFFEA0] =	vst v26;
	v26 =	vadd.f32 v42, v13;
	v42 =	vmul.f32 v39, v0  }
0x119: {  	[tilespmem:s19+$0xFFFFFEB0] =	vst v25;
	v25 =	vadd.f32 v41, v14;
	v38 =	vadd.f32 v38, v15;
	v41 =	vmul.f32 v39, v2  }
0x11a: {  	[tilespmem:s19+$0xFFFFFEC0] =	vst v27;
	v27 =	vadd.f32 v42, v8;
	v42 =	vadd.f32 v43, v9;
	v43 =	vmul.f32 v39, v3  }
0x11b: {  	v44 =	vmul.f32 v39, v5;
	[tilespmem:s19+$0xFFFFFED0] =	vst v34;
	v34 =	vadd.f32 v41, v10;
	v41 =	vmul.f32 v39, v4  }
0x11c: {  	[tilespmem:s19+$0xFFFFFEE0] =	vst v22;
	v22 =	vadd.f32 v43, v11;
	v43 =	vmul.f32 v39, v6;
	v39 =	vmul.f32 v39, v7  }
0x11d: {  	[tilespmem:s19+$0xFFFFFEF0] =	vst v33;
	v33 =	vadd.f32 v41, v12;
	v41 =	vadd.f32 v44, v13;
	v44 =	vmul.f32 v31, v0  }
0x11e: {  	[tilespmem:s19+$0xFFFFFF00] =	vst v21;
	v21 =	vadd.f32 v43, v14;
	v39 =	vadd.f32 v39, v15;
	v43 =	vmul.f32 v31, v1  }
0x11f: {  	v45 =	vmul.f32 v31, v3;
	[tilespmem:s19+$0xFFFFFF10] =	vst v28;
	v28 =	vadd.f32 v44, v8;
	v44 =	vmul.f32 v31, v2  }
0x120: {  	v46 =	vmul.f32 v31, v5;
	[tilespmem:s19+$0xFFFFFF20] =	vst v29;
	v29 =	vadd.f32 v43, v9;
	v43 =	vmul.f32 v31, v4  }
0x121: {  	[tilespmem:s19+$0xFFFFFF30] =	vst v37;
	v37 =	vadd.f32 v44, v10;
	v44 =	vadd.f32 v45, v11;
	v45 =	vmul.f32 v31, v6  }
0x122: {  	v31 =	vmul.f32 v31, v7;
	[tilespmem:s19+$0xFFFFFF40] =	vst v23;
	v23 =	vadd.f32 v43, v12;
	v43 =	vadd.f32 v46, v13  }
0x123: {  	v46 =	vmul.f32 v40, v1;
	[tilespmem:s19+$0xFFFFFF50] =	vst v36;
	v36 =	vadd.f32 v45, v14;
	v45 =	vmul.f32 v40, v0  }
0x124: {  	v47 =	vmul.f32 v40, v3;
	[tilespmem:s19+$0xFFFFFF60] =	vst v24;
	v24 =	vadd.f32 v31, v15;
	v31 =	vmul.f32 v40, v2  }
0x125: {  	[tilespmem:s19+$0xFFFFFF70] =	vst v20;
	v20 =	vadd.f32 v45, v8;
	v45 =	vadd.f32 v46, v9;
	v46 =	vmul.f32 v40, v4  }
0x126: {  	v47 =	vadd.f32 v47, v11;
	[tilespmem:s19+$0xFFFFFF80] =	vst v18;
	v31 =	vadd.f32 v31, v10;
	v18 =	vmul.f32 v40, v5  }
0x127: {  	[tilespmem:s19+$0xFFFFFF90] =	vst v32;
	v32 =	vadd.f32 v46, v12;
	v46 =	vmul.f32 v40, v6;
	v40 =	vmul.f32 v40, v7  }
0x128: {  	v49 =	vbroadcast v17, $0xB;
	v50 =	vbroadcast v17, $0xC;
	[tilespmem:s19+$0xFFFFFFA0] =	vst v19;
	v48 =	vadd.f32 v18, v13  }
0x129: {  	[tilespmem:s19+$0xFFFFFFB0] =	vst v30;
	v30 =	vadd.f32 v46, v14;
	v18 =	vadd.f32 v40, v15;
	v40 =	vbroadcast v17, $0xD  }
0x12a: {  	v19 =	vmul.f32 v49, v0;
	[tilespmem:s19+$0xFFFFFFC0] =	vst v35;
	v35 =	vmul.f32 v49, v1  }
0x12b: {  	v46 =	vmul.f32 v49, v3;
	[tilespmem:s19+$0xFFFFFFD0] =	vst v26;
	v26 =	vmul.f32 v49, v2  }
0x12c: {  	v51 =	vmul.f32 v49, v4;
	[tilespmem:s19+$0xFFFFFFE0] =	vst v25;
	v25 =	vadd.f32 v19, v8;
	v35 =	vadd.f32 v35, v9  }
0x12d: {  	v19 =	vadd.f32 v46, v11;
	[tilespmem:s19+$0xFFFFFFF0] =	vst v38;
	v26 =	vadd.f32 v26, v10;
	v38 =	vmul.f32 v49, v5  }
0x12e: {  	v46 =	vmul.f32 v49, v6;
	v49 =	vmul.f32 v49, v7;
	[tilespmem:s19+$0x0] =	vst v27;
	v27 =	vadd.f32 v51, v12  }
0x12f: {  	v51 =	vmul.f32 v50, v1;
	[tilespmem:s19+$0x10] =	vst v42;
	v38 =	vadd.f32 v38, v13;
	v42 =	vmul.f32 v50, v0  }
0x130: {  	[tilespmem:s19+$0x20] =	vst v34;
	v34 =	vadd.f32 v46, v14;
	v46 =	vadd.f32 v49, v15;
	v49 =	vmul.f32 v50, v2  }
0x131: {  	[tilespmem:s19+$0x30] =	vst v22;
	v22 =	vadd.f32 v42, v8;
	v42 =	vadd.f32 v51, v9;
	v51 =	vmul.f32 v50, v3  }
0x132: {  	v52 =	vmul.f32 v50, v5;
	[tilespmem:s19+$0x40] =	vst v33;
	v33 =	vadd.f32 v49, v10;
	v49 =	vmul.f32 v50, v4  }
0x133: {  	[tilespmem:s19+$0x50] =	vst v41;
	v41 =	vadd.f32 v51, v11;
	v51 =	vmul.f32 v50, v6;
	v50 =	vmul.f32 v50, v7  }
0x134: {  	[tilespmem:s19+$0x60] =	vst v21;
	v21 =	vadd.f32 v49, v12;
	v49 =	vadd.f32 v52, v13;
	v52 =	vmul.f32 v40, v0  }
0x135: {  	[tilespmem:s19+$0x70] =	vst v39;
	v39 =	vadd.f32 v51, v14;
	v50 =	vadd.f32 v50, v15;
	v51 =	vmul.f32 v40, v1  }
0x136: {  	v53 =	vmul.f32 v40, v3;
	[tilespmem:s19+$0x80] =	vst v28;
	v28 =	vadd.f32 v52, v8;
	v52 =	vmul.f32 v40, v2  }
0x137: {  	v54 =	vmul.f32 v40, v5;
	[tilespmem:s19+$0x90] =	vst v29;
	v29 =	vadd.f32 v51, v9;
	v51 =	vmul.f32 v40, v4  }
0x138: {  	[tilespmem:s19+$0xA0] =	vst v37;
	v37 =	vadd.f32 v52, v10;
	v52 =	vadd.f32 v53, v11;
	v53 =	vmul.f32 v40, v6  }
0x139: {  	v40 =	vmul.f32 v40, v7;
	[tilespmem:s19+$0xB0] =	vst v44;
	v44 =	vadd.f32 v51, v12;
	v51 =	vadd.f32 v54, v13  }
0x13a: {  	[tilespmem:s19+$0xC0] =	vst v23;
	v23 =	vadd.f32 v53, v14;
	v53 =	vbroadcast v17, $0xE;
	v17 =	vbroadcast v17, $0xF  }
0x13b: {  	v40 =	vadd.f32 v40, v15;
	[tilespmem:s19+$0xD0] =	vst v43  }
0x13c: {  	[tilespmem:s19+$0xE0] =	vst v36;
	v36 =	vmul.f32 v53, v0;
	v43 =	vmul.f32 v53, v1  }
0x13d: {  	v54 =	vmul.f32 v53, v3;
	[tilespmem:s19+$0xF0] =	vst v24;
	v24 =	vmul.f32 v53, v2  }
0x13e: {  	[tilespmem:s19+$0x100] =	vst v20;
	v20 =	vadd.f32 v36, v8;
	v36 =	vadd.f32 v43, v9;
	v43 =	vmul.f32 v53, v4  }
0x13f: {  	[tilespmem:s19+$0x110] =	vst v45;
	v24 =	vadd.f32 v24, v10;
	v45 =	vadd.f32 v54, v11;
	v54 =	vmul.f32 v53, v5  }
0x140: {  	[tilespmem:s19+$0x120] =	vst v31;
	v31 =	vadd.f32 v43, v12;
	v43 =	vmul.f32 v53, v6;
	v53 =	vmul.f32 v53, v7  }
0x141: {  	v55 =	vmul.f32 v17, v1;
	[tilespmem:s19+$0x130] =	vst v47;
	v47 =	vadd.f32 v54, v13;
	v54 =	vmul.f32 v17, v0  }
0x142: {  	[tilespmem:s19+$0x140] =	vst v32;
	v32 =	vadd.f32 v43, v14;
	v43 =	vadd.f32 v53, v15;
	v53 =	vmul.f32 v17, v2  }
0x143: {  	[tilespmem:s19+$0x150] =	vst v48;
	v48 =	vadd.f32 v54, v8;
	v54 =	vadd.f32 v55, v9;
	v55 =	vmul.f32 v17, v3  }
0x144: {  	v56 =	vmul.f32 v17, v5;
	[tilespmem:s19+$0x160] =	vst v30;
	v30 =	vadd.f32 v53, v10;
	v53 =	vmul.f32 v17, v4  }
0x145: {  	[tilespmem:s19+$0x170] =	vst v18;
	v18 =	vadd.f32 v55, v11;
	v55 =	vmul.f32 v17, v6;
	v17 =	vmul.f32 v17, v7  }
0x146: {  	[tilespmem:s19+$0x180] =	vst v25;
	v25 =	vadd.f32 v53, v12;
	v53 =	vadd.f32 v56, v13  }
0x147: {  	[tilespmem:s19+$0x190] =	vst v35;
	v35 =	vadd.f32 v55, v14;
	v17 =	vadd.f32 v17, v15  }
0x148: {  	[tilespmem:s19+$0x1A0] =	vst v26  }
0x149: {  	[tilespmem:s19+$0x1B0] =	vst v19  }
0x14a: {  	[tilespmem:s19+$0x1C0] =	vst v27  }
0x14b: {  	[tilespmem:s19+$0x1D0] =	vst v38  }
0x14c: {  	[tilespmem:s19+$0x1E0] =	vst v34  }
0x14d: {  	[tilespmem:s19+$0x1F0] =	vst v46  }
0x14e: {  	[tilespmem:s19+$0x200] =	vst v22  }
0x14f: {  	[tilespmem:s19+$0x210] =	vst v42  }
0x150: {  	[tilespmem:s19+$0x220] =	vst v33  }
0x151: {  	[tilespmem:s19+$0x230] =	vst v41  }
0x152: {  	[tilespmem:s19+$0x240] =	vst v21  }
0x153: {  	[tilespmem:s19+$0x250] =	vst v49  }
0x154: {  	[tilespmem:s19+$0x260] =	vst v39  }
0x155: {  	[tilespmem:s19+$0x270] =	vst v50  }
0x156: {  	[tilespmem:s19+$0x280] =	vst v28  }
0x157: {  	[tilespmem:s19+$0x290] =	vst v29  }
0x158: {  	[tilespmem:s19+$0x2A0] =	vst v37  }
0x159: {  	[tilespmem:s19+$0x2B0] =	vst v52  }
0x15a: {  	[tilespmem:s19+$0x2C0] =	vst v44  }
0x15b: {  	[tilespmem:s19+$0x2D0] =	vst v51  }
0x15c: {  	[tilespmem:s19+$0x2E0] =	vst v23  }
0x15d: {  	[tilespmem:s19+$0x2F0] =	vst v40  }
0x15e: {  	[tilespmem:s19+$0x300] =	vst v20  }
0x15f: {  	[tilespmem:s19+$0x310] =	vst v36  }
0x160: {  	[tilespmem:s19+$0x320] =	vst v24  }
0x161: {  	[tilespmem:s19+$0x330] =	vst v45  }
0x162: {  	[tilespmem:s19+$0x340] =	vst v31  }
0x163: {  	[tilespmem:s19+$0x350] =	vst v47  }
0x164: {  	[tilespmem:s19+$0x360] =	vst v32  }
0x165: {  	[tilespmem:s19+$0x370] =	vst v43  }
0x166: {  	[tilespmem:s19+$0x380] =	vst v48  }
0x167: {  	[tilespmem:s19+$0x390] =	vst v54  }
0x168: {  	[tilespmem:s19+$0x3A0] =	vst v30  }
.Ltmp0:
0x169: {  	[tilespmem:s19+$0x3B0] =	vst v18;
	(pc) =	sbr.rel @p1 .LBB2_3-.Ltmp0, $4  }
0x16a: {  	[tilespmem:s19+$0x3C0] =	vst v25  }
0x16b: {  	[tilespmem:s19+$0x3D0] =	vst v53  }
0x16c: {  	[tilespmem:s19+$0x3E0] =	vst v35  }
0x16d: {  	s21 =	sshra.s32 s20, $0x2;
	s20 =	sadd.s32 $0x40, s20;
	[tilespmem:s19+$0x3F0] =	vst v17  }
0x16e: {  	_ =	sdelay $0x3  }
0x16f: {  	v16 =	vld.idx.msk [tilespmem:v16+s21+$0x0 ss:$0x1], $0xffff;
	_ =	sdelay $0x4  }
0x170: {  	v17 =	vbroadcast v16, $0x0;
	_ =	sdelay $0x1  }
0x171: {  	v18 =	vmul.f32 v17, v0  }
0x172: {  	v19 =	vmul.f32 v17, v1  }
0x173: {  	v20 =	vmul.f32 v17, v2;
	v18 =	vadd.f32 v18, v8  }
0x174: {  	s19 =	sadd.s32 $0x800, s19;
	v21 =	vmul.f32 v17, v3;
	v19 =	vadd.f32 v19, v9  }
0x175: {  	v22 =	vmul.f32 v17, v4;
	v20 =	vadd.f32 v20, v10;
	[tilespmem:s19+$0xFFFFFC00] =	vst v18  }
0x176: {  	v50 =	vmul.f32 v17, v5;
	v49 =	vadd.f32 v21, v11;
	[tilespmem:s19+$0xFFFFFC10] =	vst v19  }
0x177: {  	v51 =	vbroadcast v16, $0x1;
	v23 =	vmul.f32 v17, v6;
	v22 =	vadd.f32 v22, v12;
	[tilespmem:s19+$0xFFFFFC20] =	vst v20  }
0x178: {  	v17 =	vmul.f32 v17, v7;
	v52 =	vadd.f32 v50, v13;
	[tilespmem:s19+$0xFFFFFC30] =	vst v49  }
0x179: {  	v61 =	vbroadcast v16, $0x2;
	v55 =	vmul.f32 v51, v1;
	v54 =	vadd.f32 v23, v14;
	[tilespmem:s19+$0xFFFFFC40] =	vst v22  }
0x17a: {  	v62 =	vmul.f32 v51, v6;
	v17 =	vadd.f32 v17, v15;
	[tilespmem:s19+$0xFFFFFC50] =	vst v52  }
0x17b: {  	v30 =	vbroadcast v16, $0x3;
	v63 =	vmul.f32 v61, v0;
	v57 =	vadd.f32 v55, v9;
	[tilespmem:s19+$0xFFFFFC60] =	vst v54  }
0x17c: {  	v31 =	vmul.f32 v61, v6;
	v24 =	vadd.f32 v62, v14;
	[tilespmem:s19+$0xFFFFFC70] =	vst v17  }
0x17d: {  	v36 =	vmul.f32 v30, v3;
	v26 =	vadd.f32 v63, v8;
	[tilespmem:s19+$0xFFFFFC90] =	vst v57  }
0x17e: {  	v38 =	vmul.f32 v30, v5;
	v33 =	vadd.f32 v31, v14;
	[tilespmem:s19+$0xFFFFFCE0] =	vst v24  }
0x17f: {  	v53 =	vmul.f32 v51, v0;
	v21 =	vadd.f32 v36, v11;
	[tilespmem:s19+$0xFFFFFD00] =	vst v26  }
0x180: {  	v56 =	vmul.f32 v51, v2;
	v42 =	vadd.f32 v38, v13;
	[tilespmem:s19+$0xFFFFFD60] =	vst v33  }
0x181: {  	v58 =	vmul.f32 v51, v3;
	v18 =	vadd.f32 v53, v8;
	[tilespmem:s19+$0xFFFFFDB0] =	vst v21  }
0x182: {  	v40 =	vbroadcast v16, $0x4;
	v59 =	vmul.f32 v51, v4;
	v17 =	vadd.f32 v56, v10;
	[tilespmem:s19+$0xFFFFFDD0] =	vst v42  }
0x183: {  	v27 =	vmul.f32 v61, v2;
	v22 =	vadd.f32 v58, v11;
	[tilespmem:s19+$0xFFFFFC80] =	vst v18  }
0x184: {  	v43 =	vmul.f32 v40, v0;
	v20 =	vadd.f32 v59, v12;
	[tilespmem:s19+$0xFFFFFCA0] =	vst v17  }
0x185: {  	v60 =	vmul.f32 v51, v5;
	v19 =	vadd.f32 v27, v10;
	[tilespmem:s19+$0xFFFFFCB0] =	vst v22  }
0x186: {  	v25 =	vmul.f32 v61, v1;
	v21 =	vadd.f32 v43, v8;
	[tilespmem:s19+$0xFFFFFCC0] =	vst v20  }
0x187: {  	v28 =	vmul.f32 v61, v3;
	v18 =	vadd.f32 v60, v13;
	[tilespmem:s19+$0xFFFFFD20] =	vst v19  }
0x188: {  	v32 =	vmul.f32 v61, v7;
	v20 =	vadd.f32 v25, v9;
	[tilespmem:s19+$0xFFFFFE00] =	vst v21  }
0x189: {  	v48 =	vbroadcast v16, $0x5;
	v47 =	vmul.f32 v40, v5;
	v22 =	vadd.f32 v28, v11;
	[tilespmem:s19+$0xFFFFFCD0] =	vst v18  }
0x18a: {  	v17 =	vmul.f32 v51, v7;
	v19 =	vadd.f32 v32, v15;
	[tilespmem:s19+$0xFFFFFD10] =	vst v20  }
0x18b: {  	v52 =	vmul.f32 v48, v2;
	v21 =	vadd.f32 v47, v13;
	[tilespmem:s19+$0xFFFFFD30] =	vst v22  }
0x18c: {  	v57 =	vmul.f32 v48, v6;
	v17 =	vadd.f32 v17, v15;
	[tilespmem:s19+$0xFFFFFD70] =	vst v19  }
0x18d: {  	v29 =	vmul.f32 v61, v5;
	v54 =	vadd.f32 v52, v10;
	[tilespmem:s19+$0xFFFFFE50] =	vst v21  }
0x18e: {  	v59 =	vadd.f32 v57, v14;
	[tilespmem:s19+$0xFFFFFCF0] =	vst v17;
	v17 =	vmul.f32 v61, v4  }
0x18f: {  	v34 =	vmul.f32 v30, v0;
	v18 =	vadd.f32 v29, v13;
	[tilespmem:s19+$0xFFFFFEA0] =	vst v54  }
0x190: {  	v39 =	vmul.f32 v30, v6;
	[tilespmem:s19+$0xFFFFFEE0] =	vst v59;
	v17 =	vadd.f32 v17, v12  }
0x191: {  	v45 =	vmul.f32 v40, v2;
	v22 =	vadd.f32 v34, v8;
	[tilespmem:s19+$0xFFFFFD50] =	vst v18  }
0x192: {  	v19 =	vadd.f32 v39, v14;
	[tilespmem:s19+$0xFFFFFD40] =	vst v17;
	v17 =	vmul.f32 v30, v1  }
0x193: {  	v55 =	vmul.f32 v48, v4;
	v20 =	vadd.f32 v45, v10;
	[tilespmem:s19+$0xFFFFFD80] =	vst v22  }
0x194: {  	v37 =	vmul.f32 v30, v4;
	[tilespmem:s19+$0xFFFFFDE0] =	vst v19;
	v17 =	vadd.f32 v17, v9  }
0x195: {  	v35 =	vmul.f32 v30, v2;
	v21 =	vadd.f32 v55, v12;
	[tilespmem:s19+$0xFFFFFE20] =	vst v20  }
0x196: {  	v41 =	vmul.f32 v30, v7;
	[tilespmem:s19+$0xFFFFFD90] =	vst v17;
	v17 =	vadd.f32 v37, v12  }
0x197: {  	v46 =	vmul.f32 v40, v3;
	v18 =	vadd.f32 v35, v10;
	[tilespmem:s19+$0xFFFFFEC0] =	vst v21  }
0x198: {  	v49 =	vmul.f32 v40, v6;
	[tilespmem:s19+$0xFFFFFDC0] =	vst v17;
	v17 =	vadd.f32 v41, v15  }
0x199: {  	v50 =	vmul.f32 v40, v7;
	v19 =	vadd.f32 v46, v11;
	[tilespmem:s19+$0xFFFFFDA0] =	vst v18  }
0x19a: {  	v22 =	vadd.f32 v49, v14;
	[tilespmem:s19+$0xFFFFFDF0] =	vst v17;
	v17 =	vmul.f32 v40, v4  }
0x19b: {  	v44 =	vmul.f32 v40, v1;
	v20 =	vadd.f32 v50, v15;
	[tilespmem:s19+$0xFFFFFE30] =	vst v19  }
0x19c: {  	v51 =	vmul.f32 v48, v0;
	[tilespmem:s19+$0xFFFFFE60] =	vst v22;
	v17 =	vadd.f32 v17, v12  }
0x19d: {  	v53 =	vmul.f32 v48, v3;
	v34 =	vbroadcast v16, $0x8;
	v18 =	vadd.f32 v44, v9;
	[tilespmem:s19+$0xFFFFFE70] =	vst v20  }
0x19e: {  	v19 =	vadd.f32 v51, v8;
	[tilespmem:s19+$0xFFFFFE40] =	vst v17;
	v17 =	vmul.f32 v48, v1  }
0x19f: {  	v42 =	vmul.f32 v34, v5;
	v22 =	vadd.f32 v53, v11;
	[tilespmem:s19+$0xFFFFFE10] =	vst v18  }
0x1a0: {  	v43 =	vmul.f32 v34, v6;
	[tilespmem:s19+$0xFFFFFE80] =	vst v19;
	v17 =	vadd.f32 v17, v9  }
0x1a1: {  	v56 =	vmul.f32 v48, v5;
	v44 =	vadd.f32 v42, v13;
	[tilespmem:s19+$0xFFFFFEB0] =	vst v22  }
0x1a2: {  	v46 =	vadd.f32 v43, v14;
	v18 =	vmul.f32 v48, v7;
	[tilespmem:s19+$0xFFFFFE90] =	vst v17;
	v17 =	vbroadcast v16, $0x6  }
0x1a3: {  	v38 =	vmul.f32 v34, v2;
	v19 =	vadd.f32 v56, v13;
	[tilespmem:s19+$0x50] =	vst v44  }
0x1a4: {  	[tilespmem:s19+$0x60] =	vst v46;
	v18 =	vadd.f32 v18, v15;
	v58 =	vmul.f32 v17, v0  }
0x1a5: {  	[tilespmem:s19+$0xFFFFFED0] =	vst v19;
	v40 =	vadd.f32 v38, v10;
	v60 =	vmul.f32 v17, v1  }
0x1a6: {  	[tilespmem:s19+$0xFFFFFEF0] =	vst v18;
	v62 =	vmul.f32 v17, v2;
	v61 =	vadd.f32 v58, v8  }
0x1a7: {  	[tilespmem:s19+$0x20] =	vst v40;
	v63 =	vmul.f32 v17, v3;
	v21 =	vadd.f32 v60, v9  }
0x1a8: {  	v24 =	vmul.f32 v17, v4;
	v20 =	vadd.f32 v62, v10;
	[tilespmem:s19+$0xFFFFFF00] =	vst v61  }
0x1a9: {  	v25 =	vmul.f32 v17, v5;
	v22 =	vadd.f32 v63, v11;
	[tilespmem:s19+$0xFFFFFF10] =	vst v21  }
0x1aa: {  	v27 =	vbroadcast v16, $0x7;
	v26 =	vmul.f32 v17, v6;
	v18 =	vadd.f32 v24, v12;
	[tilespmem:s19+$0xFFFFFF20] =	vst v20  }
0x1ab: {  	v17 =	vmul.f32 v17, v7;
	v19 =	vadd.f32 v25, v13;
	[tilespmem:s19+$0xFFFFFF30] =	vst v22  }
0x1ac: {  	v29 =	vmul.f32 v27, v0;
	v28 =	vadd.f32 v26, v14;
	[tilespmem:s19+$0xFFFFFF40] =	vst v18  }
0x1ad: {  	v30 =	vmul.f32 v27, v1;
	v17 =	vadd.f32 v17, v15;
	[tilespmem:s19+$0xFFFFFF50] =	vst v19  }
0x1ae: {  	v31 =	vmul.f32 v27, v2;
	v21 =	vadd.f32 v29, v8;
	[tilespmem:s19+$0xFFFFFF60] =	vst v28  }
0x1af: {  	v32 =	vmul.f32 v27, v3;
	v18 =	vadd.f32 v30, v9;
	[tilespmem:s19+$0xFFFFFF70] =	vst v17  }
0x1b0: {  	v35 =	vmul.f32 v27, v6;
	v53 =	vbroadcast v16, $0xA;
	v19 =	vadd.f32 v31, v10;
	[tilespmem:s19+$0xFFFFFF80] =	vst v21  }
0x1b1: {  	v17 =	vmul.f32 v27, v4;
	v20 =	vadd.f32 v32, v11;
	[tilespmem:s19+$0xFFFFFF90] =	vst v18  }
0x1b2: {  	v60 =	vmul.f32 v53, v5;
	v22 =	vadd.f32 v35, v14;
	[tilespmem:s19+$0xFFFFFFA0] =	vst v19  }
0x1b3: {  	v33 =	vmul.f32 v27, v5;
	v17 =	vadd.f32 v17, v12;
	[tilespmem:s19+$0xFFFFFFB0] =	vst v20  }
0x1b4: {  	v36 =	vmul.f32 v27, v7;
	v24 =	vadd.f32 v60, v13;
	[tilespmem:s19+$0xFFFFFFE0] =	vst v22  }
0x1b5: {  	v21 =	vadd.f32 v33, v13;
	[tilespmem:s19+$0xFFFFFFC0] =	vst v17;
	v17 =	vmul.f32 v34, v1  }
0x1b6: {  	v37 =	vmul.f32 v34, v0;
	v19 =	vadd.f32 v36, v15;
	[tilespmem:s19+$0x150] =	vst v24  }
0x1b7: {  	v39 =	vmul.f32 v34, v3;
	[tilespmem:s19+$0xFFFFFFD0] =	vst v21;
	v17 =	vadd.f32 v17, v9  }
0x1b8: {  	v41 =	vmul.f32 v34, v4;
	v30 =	vbroadcast v16, $0xC;
	v20 =	vadd.f32 v37, v8;
	[tilespmem:s19+$0xFFFFFFF0] =	vst v19  }
0x1b9: {  	v22 =	vadd.f32 v39, v11;
	v18 =	vmul.f32 v34, v7;
	[tilespmem:s19+$0x10] =	vst v17;
	v17 =	vbroadcast v16, $0x9  }
0x1ba: {  	v38 =	vmul.f32 v30, v6;
	[tilespmem:s19+$0x0] =	vst v20;
	v21 =	vadd.f32 v41, v12  }
0x1bb: {  	[tilespmem:s19+$0x30] =	vst v22;
	v18 =	vadd.f32 v18, v15;
	v45 =	vmul.f32 v17, v0  }
0x1bc: {  	v40 =	vadd.f32 v38, v14;
	[tilespmem:s19+$0x40] =	vst v21;
	v47 =	vmul.f32 v17, v1  }
0x1bd: {  	[tilespmem:s19+$0x70] =	vst v18;
	v49 =	vmul.f32 v17, v2;
	v48 =	vadd.f32 v45, v8  }
0x1be: {  	[tilespmem:s19+$0x260] =	vst v40;
	v50 =	vmul.f32 v17, v3;
	v21 =	vadd.f32 v47, v9  }
0x1bf: {  	v51 =	vmul.f32 v17, v4;
	v20 =	vadd.f32 v49, v10;
	[tilespmem:s19+$0x80] =	vst v48  }
0x1c0: {  	v52 =	vmul.f32 v17, v5;
	v22 =	vadd.f32 v50, v11;
	[tilespmem:s19+$0x90] =	vst v21  }
0x1c1: {  	v54 =	vmul.f32 v17, v6;
	v18 =	vadd.f32 v51, v12;
	[tilespmem:s19+$0xA0] =	vst v20  }
0x1c2: {  	v17 =	vmul.f32 v17, v7;
	v19 =	vadd.f32 v52, v13;
	[tilespmem:s19+$0xB0] =	vst v22  }
0x1c3: {  	v56 =	vmul.f32 v53, v0;
	v55 =	vadd.f32 v54, v14;
	[tilespmem:s19+$0xC0] =	vst v18  }
0x1c4: {  	v57 =	vmul.f32 v53, v1;
	v17 =	vadd.f32 v17, v15;
	[tilespmem:s19+$0xD0] =	vst v19  }
0x1c5: {  	v58 =	vmul.f32 v53, v2;
	v62 =	vbroadcast v16, $0xB;
	v22 =	vadd.f32 v56, v8;
	[tilespmem:s19+$0xE0] =	vst v55  }
0x1c6: {  	v59 =	vmul.f32 v53, v3;
	v18 =	vadd.f32 v57, v9;
	[tilespmem:s19+$0xF0] =	vst v17  }
0x1c7: {  	v27 =	vmul.f32 v62, v2;
	v19 =	vadd.f32 v58, v10;
	[tilespmem:s19+$0x100] =	vst v22  }
0x1c8: {  	v17 =	vmul.f32 v53, v4;
	v20 =	vadd.f32 v59, v11;
	[tilespmem:s19+$0x110] =	vst v18  }
0x1c9: {  	v61 =	vmul.f32 v53, v6;
	v21 =	vadd.f32 v27, v10;
	[tilespmem:s19+$0x120] =	vst v19  }
0x1ca: {  	v25 =	vmul.f32 v62, v0;
	v17 =	vadd.f32 v17, v12;
	[tilespmem:s19+$0x130] =	vst v20  }
0x1cb: {  	v63 =	vmul.f32 v53, v7;
	v18 =	vadd.f32 v61, v14;
	[tilespmem:s19+$0x1A0] =	vst v21  }
0x1cc: {  	v26 =	vmul.f32 v62, v1;
	v20 =	vadd.f32 v25, v8;
	[tilespmem:s19+$0x140] =	vst v17  }
0x1cd: {  	v31 =	vmul.f32 v62, v6;
	v17 =	vadd.f32 v63, v15;
	[tilespmem:s19+$0x160] =	vst v18  }
0x1ce: {  	v32 =	vmul.f32 v62, v7;
	v19 =	vadd.f32 v26, v9;
	[tilespmem:s19+$0x180] =	vst v20  }
0x1cf: {  	v22 =	vadd.f32 v31, v14;
	[tilespmem:s19+$0x170] =	vst v17;
	v17 =	vmul.f32 v62, v4  }
0x1d0: {  	v28 =	vmul.f32 v62, v3;
	v21 =	vadd.f32 v32, v15;
	[tilespmem:s19+$0x190] =	vst v19  }
0x1d1: {  	v29 =	vmul.f32 v62, v5;
	[tilespmem:s19+$0x1E0] =	vst v22;
	v17 =	vadd.f32 v17, v12  }
0x1d2: {  	v35 =	vmul.f32 v30, v3;
	v18 =	vadd.f32 v28, v11;
	[tilespmem:s19+$0x1F0] =	vst v21  }
0x1d3: {  	v20 =	vadd.f32 v29, v13;
	[tilespmem:s19+$0x1C0] =	vst v17;
	v17 =	vmul.f32 v30, v1  }
0x1d4: {  	v36 =	vmul.f32 v30, v4;
	v22 =	vadd.f32 v35, v11;
	[tilespmem:s19+$0x1B0] =	vst v18  }
0x1d5: {  	v33 =	vmul.f32 v30, v0;
	[tilespmem:s19+$0x1D0] =	vst v20;
	v17 =	vadd.f32 v17, v9  }
0x1d6: {  	v34 =	vmul.f32 v30, v2;
	v21 =	vadd.f32 v36, v12;
	[tilespmem:s19+$0x230] =	vst v22  }
0x1d7: {  	v19 =	vmul.f32 v30, v7;
	v18 =	vadd.f32 v33, v8;
	[tilespmem:s19+$0x210] =	vst v17;
	v17 =	vbroadcast v16, $0xD  }
0x1d8: {  	v37 =	vmul.f32 v30, v5;
	v20 =	vadd.f32 v34, v10;
	[tilespmem:s19+$0x240] =	vst v21  }
0x1d9: {  	v19 =	vadd.f32 v19, v15;
	[tilespmem:s19+$0x200] =	vst v18;
	v39 =	vmul.f32 v17, v0  }
0x1da: {  	[tilespmem:s19+$0x220] =	vst v20;
	v18 =	vadd.f32 v37, v13;
	v41 =	vmul.f32 v17, v1  }
0x1db: {  	[tilespmem:s19+$0x270] =	vst v19;
	v43 =	vmul.f32 v17, v2;
	v42 =	vadd.f32 v39, v8  }
0x1dc: {  	[tilespmem:s19+$0x250] =	vst v18;
	v44 =	vmul.f32 v17, v3;
	v21 =	vadd.f32 v41, v9  }
0x1dd: {  	v45 =	vmul.f32 v17, v4;
	v20 =	vadd.f32 v43, v10;
	[tilespmem:s19+$0x280] =	vst v42  }
0x1de: {  	v48 =	vbroadcast v16, $0xE;
	v46 =	vmul.f32 v17, v5;
	v22 =	vadd.f32 v44, v11;
	[tilespmem:s19+$0x290] =	vst v21  }
0x1df: {  	v16 =	vbroadcast v16, $0xF;
	v47 =	vmul.f32 v17, v6;
	v19 =	vadd.f32 v45, v12;
	[tilespmem:s19+$0x2A0] =	vst v20  }
0x1e0: {  	v17 =	vmul.f32 v17, v7;
	v18 =	vadd.f32 v46, v13;
	[tilespmem:s19+$0x2B0] =	vst v22  }
0x1e1: {  	v58 =	vmul.f32 v16, v2;
	v49 =	vadd.f32 v47, v14;
	[tilespmem:s19+$0x2C0] =	vst v19  }
0x1e2: {  	v62 =	vmul.f32 v16, v5;
	v17 =	vadd.f32 v17, v15;
	[tilespmem:s19+$0x2D0] =	vst v18  }
0x1e3: {  	v50 =	vmul.f32 v48, v0;
	v60 =	vadd.f32 v58, v10;
	[tilespmem:s19+$0x2E0] =	vst v49  }
0x1e4: {  	v51 =	vmul.f32 v48, v1;
	v63 =	vadd.f32 v62, v13;
	[tilespmem:s19+$0x2F0] =	vst v17  }
0x1e5: {  	v52 =	vmul.f32 v48, v2;
	v21 =	vadd.f32 v50, v8;
	[tilespmem:s19+$0x3A0] =	vst v60  }
0x1e6: {  	v53 =	vmul.f32 v48, v3;
	v19 =	vadd.f32 v51, v9;
	[tilespmem:s19+$0x3D0] =	vst v63  }
0x1e7: {  	v17 =	vmul.f32 v48, v4;
	v18 =	vadd.f32 v52, v10;
	[tilespmem:s19+$0x300] =	vst v21  }
0x1e8: {  	v54 =	vmul.f32 v48, v5;
	v20 =	vadd.f32 v53, v11;
	[tilespmem:s19+$0x310] =	vst v19  }
0x1e9: {  	v55 =	vmul.f32 v48, v6;
	v17 =	vadd.f32 v17, v12;
	[tilespmem:s19+$0x320] =	vst v18  }
0x1ea: {  	v56 =	vmul.f32 v48, v7;
	v21 =	vadd.f32 v54, v13;
	[tilespmem:s19+$0x330] =	vst v20  }
0x1eb: {  	v19 =	vadd.f32 v55, v14;
	[tilespmem:s19+$0x340] =	vst v17;
	v17 =	vmul.f32 v16, v1  }
0x1ec: {  	v57 =	vmul.f32 v16, v0;
	v18 =	vadd.f32 v56, v15;
	[tilespmem:s19+$0x350] =	vst v21  }
0x1ed: {  	v59 =	vmul.f32 v16, v3;
	[tilespmem:s19+$0x360] =	vst v19;
	v17 =	vadd.f32 v17, v9  }
0x1ee: {  	v61 =	vmul.f32 v16, v4;
	v20 =	vadd.f32 v57, v8;
	[tilespmem:s19+$0x370] =	vst v18  }
0x1ef: {  	v19 =	vadd.f32 v59, v11;
	[tilespmem:s19+$0x390] =	vst v17;
	v17 =	vmul.f32 v16, v6  }
0x1f0: {  	[tilespmem:s19+$0x380] =	vst v20;
	v21 =	vadd.f32 v61, v12;
	v16 =	vmul.f32 v16, v7  }
0x1f1: {  	[tilespmem:s19+$0x3B0] =	vst v19;
	v17 =	vadd.f32 v17, v14  }
0x1f2: {  	[tilespmem:s19+$0x3C0] =	vst v21;
	v16 =	vadd.f32 v16, v15  }
0x1f3: {  	s20 =	sshll.u32 s16, $0x7;
	[tilespmem:s19+$0x3E0] =	vst v17  }
0x1f4: {  	s21 =	sadd.s32 $0x1, s17;
	[tilespmem:s19+$0x3F0] =	vst v16;
	s19 =	sadd.s32 $0x11C80, s20  }
0x1f5: {  	[tilespmem:s18], [sflag:s21] =	stream.indirect.gather.add.f32 [hbm:s0], $0x80, s19, s5, $0xb8;
	[tilespmem:$0x1AF80] =	vst v63  }
0x1f6: {  	p1 =	slt.u32 s16, $0x2;
	s19 =	sadd.s32 $0x13880, s20;
	s21 =	sadd.s32 $0x5, s17  }
0x1f7: {  	[tilespmem:s18], [sflag:s21] =	stream.indirect.gather.add.f32 [spmem:s6], $0x80, s19, s5, $0xb8;
	[tilespmem:$0x1AF80] =	vst v63  }
0x1f8: {  	s20 =	sadd.s32 $0x15480, s20;
	s21 =	sadd.s32 $0x9, s17;
	s17 =	sadd.s32 @!p1 $0xFFFFFFFE, s16  }
0x1f9: {  	[tilespmem:s18], [sflag:s21] =	stream.indirect.gather.add.f32 [spmem:s7], $0x80, s20, s5, $0xb8;
	[tilespmem:$0x1AF80] =	vst v63  }
0x1fa: {  	s18 =	sand.u32 @!p1 $0x3, s17  }
0x1fb: {  	s19 =	sadd.s32 @!p1 $0x1, s18  }
0x1fc: {  	_ =	swait.ge @!p1 [sflag:s19], $0x4000  }
0x1fd: {  	[sflag:s19] =	ssyncset.done @!p1 $0x0  }
0x1fe: {  	[sflag:s19] =	ssyncadd.s32 @!p1 $0xFFFFC000;
	s19 =	sadd.s32 @!p1 $0x5, s18  }
0x1ff: {  	_ =	swait.ge @!p1 [sflag:s19], $0x4000  }
0x200: {  	s17 =	sshll.u32 @!p1 s17, $0xE;
	[sflag:s19] =	ssyncset.done @!p1 $0x0  }
0x201: {  	s17 =	sadd.s32 @!p1 s11, s17;
	[sflag:s19] =	ssyncadd.s32 @!p1 $0xFFFFC000;
	s19 =	sadd.s32 @!p1 $0x9, s18  }
0x202: {  	s16 =	sadd.s32 $0x1, s16;
	s17 =	sshrl.u32 @!p1 s17, $0x3;
	_ =	swait.ge @!p1 [sflag:s19], $0x4000  }
0x203: {  	s20 =	simm.s32 @!p1 $0x0;
	s17 =	sadd.s32 @!p1 s4, s17;
	[sflag:s19] =	ssyncset.done @!p1 $0x0  }
0x204: {  	[sflag:s19] =	ssyncadd.s32 @!p1 $0xFFFFC000;
	s19 =	sadd.s32 @!p1 $0xD, s18;
	s18 =	sshll.u32 @!p1 s18, $0xE  }
0x205: {  	[hbm4b:s17+s20] =	stream.linear.scatter @!p1 [tilespmem:s18], [sflag:s19], $0x4000, $0x38;
	[tilespmem:$0x1AF80] =	vst v63  }
0x206: {  	p1 =	sne.s32 s16, $0x32  }
.Ltmp1:
0x207: {  	_ = 	snop;
	(pc) =	sbr.rel @p1 .LBB2_2-.Ltmp1, $2  }
0x208: {  	_ =	sdelay $0x2  }
0x209: {  	s14 =	sadd.s32 $0x80, s14;
	s15 =	sadd.s32 $0x1, s15  }
0x20a: {  	_ =	swait.ge [sflag:s2], $0x4000  }
0x20b: {  	[sflag:s2] =	ssyncset.done $0x0  }
0x20c: {  	[sflag:s2] =	ssyncadd.s32 $0xFFFFC000  }
0x20d: {  	_ =	swait.ge [sflag:s3], $0x4000  }
0x20e: {  	[sflag:s3] =	ssyncset.done $0x0  }
0x20f: {  	[sflag:s3] =	ssyncadd.s32 $0xFFFFC000  }
0x210: {  	_ =	swait.ge [sflag:s25], $0x4000  }
0x211: {  	[sflag:s25] =	ssyncset.done $0x0  }
0x212: {  	s14 =	rddreg [dreg:$0x12];
	[sflag:s25] =	ssyncadd.s32 $0xFFFFC000  }
0x213: {  	[hbm4b:s14+s8] =	stream.linear.scatter [tilespmem:s8], [sflag:$0xD], $0x4000, $0x38;
	[tilespmem:$0x1AF80] =	vst v63  }
0x214: {  	_ =	swait.ge [sflag:s28], $0x4000  }
0x215: {  	[sflag:s28] =	ssyncset.done $0x0  }
0x216: {  	[sflag:s28] =	ssyncadd.s32 $0xFFFFC000  }
0x217: {  	_ =	swait.ge [sflag:s29], $0x4000  }
0x218: {  	[sflag:s29] =	ssyncset.done $0x0  }
0x219: {  	[sflag:s29] =	ssyncadd.s32 $0xFFFFC000  }
0x21a: {  	_ =	swait.ge [sflag:s30], $0x4000  }
0x21b: {  	[sflag:s30] =	ssyncset.done $0x0  }
0x21c: {  	s15 =	simm.s32 $0x4000;
	s20 =	rddreg [dreg:$0x13];
	[sflag:s30] =	ssyncadd.s32 $0xFFFFC000  }
0x21d: {  	[hbm4b:s20+s8] =	stream.linear.scatter [tilespmem:s15], [sflag:$0xE], $0x4000, $0x38;
	[tilespmem:$0x1AF80] =	vst v63  }
0x21e: {  	_ =	swait.ge [sflag:s31], $0x4000  }
0x21f: {  	[sflag:s31] =	ssyncset.done $0x0  }
0x220: {  	[sflag:s31] =	ssyncadd.s32 $0xFFFFC000  }
0x221: {  	_ =	swait.ge [sflag:s9], $0x4000  }
0x222: {  	[sflag:s9] =	ssyncset.done $0x0  }
0x223: {  	[sflag:s9] =	ssyncadd.s32 $0xFFFFC000  }
0x224: {  	_ =	swait.ge [sflag:s10], $0x4000  }
0x225: {  	[sflag:s10] =	ssyncset.done $0x0  }
0x226: {  	[sflag:s10] =	ssyncadd.s32 $0xFFFFC000  }
0x227: {  	_ =	swait.ge [sflag:s12], $0x4000  }
0x228: {  	s13 =	sadd.s32 $0x1, s13;
	s21 =	rddreg [dreg:$0x14]  }
0x229: {  	p1 =	sne.s32 s13, s21  }
.Ltmp2:
0x22a: {  	_ = 	snop;
	(pc) =	sbr.rel @p1 .LBB2_1-.Ltmp2, $3  }
0x22b: {  	_ =	sdelay $0x1  }
0x22c: {  	[sflag:s12] =	ssyncset.done $0x0  }
0x22d: {  	[sflag:s12] =	ssyncadd.s32 $0xFFFFC000  }
0x22e: {  	_ =	sfence.sel $0x180000  }
0x22f: {  	[bflag:$0x0] =	sbarrier.arrive $0xFFFF  }
0x230: {  	_ =	strace $0x90000047  }
0x231: {  	[bflag:$0x2] =	sbarrier.arrive $0xFFFF  }
0x232: {  	p0 =	sne.s32 s1, $0x0;
	s0 =	rddreg [dreg:$0x9]  }
0x233: {  	s0 =	sadd.s32 @!p0 $0x100000, s0  }
0x234: {  	[sflag:s0] =	ssyncadd.tile.s32 @!p0 $0x1;
	_ =	shalt  }
.Lfunc_end2:
_tile_overlayer_lowered:
.L_overlay_start_2:
0x235: {  	(tag) =	ssettag $0x2  }
0x236: {  	s0 =	rddreg [dreg:$0x0];
	s2 =	stileid.u32  }
0x237: {  	s1 =	rddreg [dreg:$0x1];
	p0 =	sne.s32 s2, $0x0  }
0x238: {  	s3 =	rddreg [dreg:$0x2];
	[bflag:$0x3] =	sbarrier.arrive $0xFFFF;
	s2 =	simm.s32 @!p0 $0x1C11  }
0x239: {  	[timem:s3], [sflag:s2] =	dma.local @!p0 [hbm:s0], s1  }
0x23a: {  	s0 =	simm.s32 @!p0 $0x11  }
0x23b: {  	_ =	swait.ge @!p0 [sflag:s0], s1  }
0x23c: {  	s1 =	ssub.s32 @!p0 $0x0, s1;
	[sflag:s0] =	ssyncset.done @!p0 $0x0  }
0x23d: {  	[sflag:s0] =	ssyncadd.s32 @!p0 s1  }
0x23e: {  	[bflag:$0x3] =	sbarrier.arrive $0xFFFF  }
0x23f: {  	_ =	shalt  }

</sc_bundles>
